<compile_context>
chip_gen: v7x
topology: tpu7x:2x2x1
jax: 0.10.2.dev20260603
libtpu: 0.0.44.dev20260713+nightly
codegen_flags: <defaults>
</compile_context>

<pallas_src>
import functools

import jax
import jax.numpy as jnp
from jax import lax
from jax.experimental import pallas as pl
from jax.experimental.pallas import tpu as pltpu
from jax.experimental.pallas import tpu_sc as plsc

_K = 1024
_C = 32
_L = 16


def _idx_body(x_ref, cb_ref, idx_ref, cbt_ref):
    xb = x_ref[0].reshape(_C, -1)
    cb = cb_ref[...]
    cbn = jnp.sum(cb * cb, axis=1, keepdims=True)
    s = lax.dot_general(
        cb, xb, (((1,), (0,)), ((), ())),
        preferred_element_type=jnp.float32,
        precision=lax.Precision.HIGHEST)
    scores = cbn - 2.0 * s
    m = jnp.min(scores, axis=0, keepdims=True)
    iota_k = lax.broadcasted_iota(jnp.int32, scores.shape, 0)
    idx_ref[...] = jnp.min(jnp.where(scores == m, iota_k, _K), axis=0)

    @pl.when(pl.program_id(0) == 0)
    def _():
        cbt_ref[...] = jnp.reshape(cb.T, (_C * _K,))


def _compute_indices(x, codebook):
    N, C, H, W = x.shape
    hw = H * W
    idx, cbt = pl.pallas_call(
        _idx_body,
        grid=(N,),
        in_specs=[
            pl.BlockSpec((1, C, H, W), lambda i: (i, 0, 0, 0)),
            pl.BlockSpec((_K, _C), lambda i: (0, 0)),
        ],
        out_specs=[
            pl.BlockSpec((hw,), lambda i: (i,)),
            pl.BlockSpec((_C * _K,), lambda i: (0,)),
        ],
        out_shape=[
            jax.ShapeDtypeStruct((N * hw,), jnp.int32),
            jax.ShapeDtypeStruct((_C * _K,), jnp.float32),
        ],
    )(x, codebook)
    return idx, cbt


def _sc_gather(idx_flat, cbt_flat, N, hw):
    info = plsc.get_sparse_core_info()
    nc, ns = info.num_cores, info.num_subcores
    nw = nc * ns
    cpw = (N * _C) // nw
    tpb = _C // cpw
    mesh = plsc.VectorSubcoreMesh(core_axis_name="c", subcore_axis_name="s")

    @functools.partial(
        pl.kernel,
        out_type=jax.ShapeDtypeStruct((N, _C, hw), jnp.float32),
        mesh=mesh,
        compiler_params=pltpu.CompilerParams(
            needs_layout_passes=False, use_tc_tiling_on_sc=False),
        scratch_types=[
            pltpu.VMEM((hw,), jnp.int32),
            pltpu.VMEM((cpw * _K,), jnp.float32),
            pltpu.VMEM((cpw, hw), jnp.float32),
            pltpu.SemaphoreType.DMA,
        ],
    )
    def gather_kernel(idx_hbm, cbt_hbm, out_hbm, idx_v, cbc_v, buf_v, sem):
        wid = lax.axis_index("s") * nc + lax.axis_index("c")
        n = wid // tpb
        c0 = (wid - n * tpb) * cpw
        copies = [pltpu.async_copy(idx_hbm.at[pl.ds(n * hw, hw)], idx_v, sem),
                  pltpu.async_copy(cbt_hbm.at[pl.ds(c0 * _K, cpw * _K)],
                                   cbc_v, sem)]
        for cp in copies:
            cp.wait()
        for j in range(hw // _L):
            idx16 = idx_v[pl.ds(j * _L, _L)]
            for i in range(cpw):
                buf_v[i, pl.ds(j * _L, _L)] = plsc.load_gather(
                    cbc_v, [idx16 + i * _K])
        pltpu.sync_copy(buf_v, out_hbm.at[n, pl.ds(c0, cpw), :])

    return gather_kernel(idx_flat, cbt_flat)


def kernel(x, codebook):
    N, C, H, W = x.shape
    hw = H * W
    idx, cbt = _compute_indices(x, codebook)
    y = _sc_gather(idx, cbt, N, hw)
    y = y.reshape(N, C, H, W)
    return (y, y)

# --- scband reference (transcript-rebuilt; emitter-appended) ---
"""Pipeline reference for scband-quantize-39041252720881 (READ-ONLY COPY).

The authoritative reference and input builder live on the scoring server;
editing this copy changes nothing except your own understanding.
"""

import jax, jax.numpy as jnp
import numpy as np


def setup_inputs(seed: int = 0) -> dict:
    key = jax.random.key(seed)
    k1, k2 = jax.random.split(key)
    x = jax.random.normal(k1, (4, 32, 32, 32), dtype=jnp.float32)
    codebook = jax.random.normal(k2, (1024, 32), dtype=jnp.float32)
    return {"x": x, "codebook": codebook}


def compute_index(x, codebook):
    # x: [P, C], codebook: [K, C]
    dist2 = jnp.sum((x[:, None, :] - codebook[None, :, :]) ** 2, axis=-1)
    index = jnp.argmin(dist2, axis=1)
    return index


def reference(x, codebook):
    N, C, H, W = x.shape
    _x = jnp.transpose(x, (0, 2, 3, 1)).reshape(N * H * W, C)
    index = compute_index(_x, codebook)
    selected_codewords = jnp.take(codebook, index, axis=0)
    selected_codewords = jnp.transpose(selected_codewords.reshape(N, H, W, C), (0, 3, 1, 2))
    out = x + jax.lax.stop_gradient(selected_codewords - x)
    return (out, selected_codewords)

if __name__ == "__main__":
    import jax
    _d = setup_inputs()
    print(jax.jit(kernel)(*tuple(_d.values())))

</pallas_src>

<mosaic_0001>
#map = affine_map<(d0, d1) -> (0)>
#map1 = affine_map<(d0, d1) -> (0, 0, 0)>
module attributes {stable_mosaic.version = 14 : i64} {
  func.func @gather_kernel(%arg0: i32, %arg1: i32, %arg2: memref<4096xi32, #tpu.memory_space<hbm>>, %arg3: memref<32768xf32, #tpu.memory_space<hbm>>, %arg4: memref<4x32x1024xf32, #tpu.memory_space<hbm>>, %arg5: memref<1024xi32, #tpu.memory_space<vmem>>, %arg6: memref<4096xf32, #tpu.memory_space<vmem>>, %arg7: memref<4x1024xf32, #tpu.memory_space<vmem>>, %arg8: memref<!tpu.dma_semaphore, #tpu.memory_space<semaphore_mem>>) attributes {dimension_semantics = [#tpu.dimension_semantics<core_parallel>, #tpu.dimension_semantics<subcore_parallel>], iteration_bounds = array<i64: 2, 16>, scalar_prefetch = 0 : i64, scratch_operands = 4 : i64, tpu.core_type = #tpu.core_type<sc_vector_subcore>, window_params = [{transform_indices = #map}, {transform_indices = #map}, {transform_indices = #map1}]} {
    %mul3A = arith.constant 2 : i32
    %mul3A_0 = arith.muli %arg1, %mul3A : i32
    %add3A = arith.addi %mul3A_0, %arg0 : i32
    %jit3A = arith.constant 8 : i32
    %div3A = arith.divsi %add3A, %jit3A : i32
    %sign3A = arith.constant 0 : i32
    %sign3A_1 = arith.cmpi sgt, %add3A, %sign3A : i32
    %sign3A_2 = arith.extui %sign3A_1 : i1 to i32
    %sign3A_3 = arith.constant 0 : i32
    %sign3A_4 = arith.cmpi slt, %add3A, %sign3A_3 : i32
    %sign3A_5 = arith.extui %sign3A_4 : i1 to i32
    %sign3A_6 = arith.subi %sign3A_2, %sign3A_5 : i32
    %sign3A_7 = arith.constant 0 : i32
    %sign3A_8 = arith.cmpi sgt, %jit3A, %sign3A_7 : i32
    %sign3A_9 = arith.extui %sign3A_8 : i1 to i32
    %sign3A_10 = arith.constant 0 : i32
    %sign3A_11 = arith.cmpi slt, %jit3A, %sign3A_10 : i32
    %sign3A_12 = arith.extui %sign3A_11 : i1 to i32
    %sign3A_13 = arith.subi %sign3A_9, %sign3A_12 : i32
    %ne3A = arith.cmpi ne, %sign3A_6, %sign3A_13 : i32
    %rem3A = arith.remsi %add3A, %jit3A : i32
    %ne3A_14 = arith.constant 0 : i32
    %ne3A_15 = arith.cmpi ne, %rem3A, %ne3A_14 : i32
    %and3A = arith.andi %ne3A, %ne3A_15 : i1
    %sub3A = arith.constant 1 : i32
    %sub3A_16 = arith.subi %div3A, %sub3A : i32
    %select_n3A = arith.select %and3A, %sub3A_16, %div3A : i32
    %mul3A_17 = arith.constant 8 : i32
    %mul3A_18 = arith.muli %select_n3A, %mul3A_17 : i32
    %sub3A_19 = arith.subi %add3A, %mul3A_18 : i32
    %mul3A_20 = arith.constant 4 : i32
    %mul3A_21 = arith.muli %sub3A_19, %mul3A_20 : i32
    %mul3A_22 = arith.constant 1024 : i32
    %mul3A_23 = arith.muli %select_n3A, %mul3A_22 : i32
    %dma_start3A = tpu.memref_slice %arg2[%mul3A_23] : memref<4096xi32, #tpu.memory_space<hbm>> -> memref<1024xi32, #tpu.memory_space<hbm>>
    %dma_start3A_24 = tpu.memref_slice %arg2[%mul3A_23] : memref<4096xi32, #tpu.memory_space<hbm>> -> memref<1024xi32, #tpu.memory_space<hbm>>
    tpu.enqueue_dma source(%dma_start3A_24 : memref<1024xi32, #tpu.memory_space<hbm>>) target(%arg5 : memref<1024xi32, #tpu.memory_space<vmem>>) target_semaphore(%arg8 : memref<!tpu.dma_semaphore, #tpu.memory_space<semaphore_mem>>)
    %mul3A_25 = arith.constant 1024 : i32
    %mul3A_26 = arith.muli %mul3A_21, %mul3A_25 : i32
    %dma_start3A_27 = tpu.memref_slice %arg3[%mul3A_26] : memref<32768xf32, #tpu.memory_space<hbm>> -> memref<4096xf32, #tpu.memory_space<hbm>>
    %dma_start3A_28 = tpu.memref_slice %arg3[%mul3A_26] : memref<32768xf32, #tpu.memory_space<hbm>> -> memref<4096xf32, #tpu.memory_space<hbm>>
    tpu.enqueue_dma source(%dma_start3A_28 : memref<4096xf32, #tpu.memory_space<hbm>>) target(%arg6 : memref<4096xf32, #tpu.memory_space<vmem>>) target_semaphore(%arg8 : memref<!tpu.dma_semaphore, #tpu.memory_space<semaphore_mem>>)
    %dma_wait3A = tpu.memref_slice %arg2[%mul3A_23] : memref<4096xi32, #tpu.memory_space<hbm>> -> memref<1024xi32, #tpu.memory_space<hbm>>
    %dma_wait3A_29 = tpu.memref_slice %arg2[%mul3A_23] : memref<4096xi32, #tpu.memory_space<hbm>> -> memref<1024xi32, #tpu.memory_space<hbm>>
    tpu.wait_dma2 semaphore(%arg8 : memref<!tpu.dma_semaphore, #tpu.memory_space<semaphore_mem>>) src(%dma_wait3A_29 : memref<1024xi32, #tpu.memory_space<hbm>>) dst(%arg5 : memref<1024xi32, #tpu.memory_space<vmem>>)
    %dma_wait3A_30 = tpu.memref_slice %arg3[%mul3A_26] : memref<32768xf32, #tpu.memory_space<hbm>> -> memref<4096xf32, #tpu.memory_space<hbm>>
    %dma_wait3A_31 = tpu.memref_slice %arg3[%mul3A_26] : memref<32768xf32, #tpu.memory_space<hbm>> -> memref<4096xf32, #tpu.memory_space<hbm>>
    tpu.wait_dma2 semaphore(%arg8 : memref<!tpu.dma_semaphore, #tpu.memory_space<semaphore_mem>>) src(%dma_wait3A_31 : memref<4096xf32, #tpu.memory_space<hbm>>) dst(%arg6 : memref<4096xf32, #tpu.memory_space<vmem>>)
    %get3A = arith.constant 0 : index
    %get3A_32 = tpu.vector_load %arg5[%get3A] {strides = array<i32>} : memref<1024xi32, #tpu.memory_space<vmem>>, vector<16xi32>,
    %add3A_33 = arith.constant 0 : i32
    %add3A_34 = vector.broadcast %add3A_33 : i32 to vector<16xi32>
    %add3A_35 = arith.addi %get3A_32, %add3A_34 : vector<16xi32>
    %gather3A = tpu.vector_load_idx %arg6[%add3A_35] : memref<4096xf32, #tpu.memory_space<vmem>>[vector<16xi32>], vector<16xf32>,
    %swap3A = arith.constant 0 : i32
    %swap3A_36 = arith.index_cast %swap3A : i32 to index
    %swap3A_37 = arith.constant 0 : index
    %swap3A_38 = tpu.vector_load %arg7[%swap3A_36, %swap3A_37] {strides = array<i32>} : memref<4x1024xf32, #tpu.memory_space<vmem>>, vector<16xf32>,
    tpu.vector_store %arg7[%swap3A_36, %swap3A_37], %gather3A {strides = array<i32>} : memref<4x1024xf32, #tpu.memory_space<vmem>>, vector<16xf32>,
    %add3A_39 = arith.constant 1024 : i32
    %add3A_40 = vector.broadcast %add3A_39 : i32 to vector<16xi32>
    %add3A_41 = arith.addi %get3A_32, %add3A_40 : vector<16xi32>
    %gather3A_42 = tpu.vector_load_idx %arg6[%add3A_41] : memref<4096xf32, #tpu.memory_space<vmem>>[vector<16xi32>], vector<16xf32>,
    %swap3A_43 = arith.constant 1 : i32
    %swap3A_44 = arith.index_cast %swap3A_43 : i32 to index
    %swap3A_45 = arith.constant 0 : index
    %swap3A_46 = tpu.vector_load %arg7[%swap3A_44, %swap3A_45] {strides = array<i32>} : memref<4x1024xf32, #tpu.memory_space<vmem>>, vector<16xf32>,
    tpu.vector_store %arg7[%swap3A_44, %swap3A_45], %gather3A_42 {strides = array<i32>} : memref<4x1024xf32, #tpu.memory_space<vmem>>, vector<16xf32>,
    %add3A_47 = arith.constant 2048 : i32
    %add3A_48 = vector.broadcast %add3A_47 : i32 to vector<16xi32>
    %add3A_49 = arith.addi %get3A_32, %add3A_48 : vector<16xi32>
    %gather3A_50 = tpu.vector_load_idx %arg6[%add3A_49] : memref<4096xf32, #tpu.memory_space<vmem>>[vector<16xi32>], vector<16xf32>,
    %swap3A_51 = arith.constant 2 : i32
    %swap3A_52 = arith.index_cast %swap3A_51 : i32 to index
    %swap3A_53 = arith.constant 0 : index
    %swap3A_54 = tpu.vector_load %arg7[%swap3A_52, %swap3A_53] {strides = array<i32>} : memref<4x1024xf32, #tpu.memory_space<vmem>>, vector<16xf32>,
    tpu.vector_store %arg7[%swap3A_52, %swap3A_53], %gather3A_50 {strides = array<i32>} : memref<4x1024xf32, #tpu.memory_space<vmem>>, vector<16xf32>,
    %add3A_55 = arith.constant 3072 : i32
    %add3A_56 = vector.broadcast %add3A_55 : i32 to vector<16xi32>
    %add3A_57 = arith.addi %get3A_32, %add3A_56 : vector<16xi32>
    %gather3A_58 = tpu.vector_load_idx %arg6[%add3A_57] : memref<4096xf32, #tpu.memory_space<vmem>>[vector<16xi32>], vector<16xf32>,
    %swap3A_59 = arith.constant 3 : i32
    %swap3A_60 = arith.index_cast %swap3A_59 : i32 to index
    %swap3A_61 = arith.constant 0 : index
    %swap3A_62 = tpu.vector_load %arg7[%swap3A_60, %swap3A_61] {strides = array<i32>} : memref<4x1024xf32, #tpu.memory_space<vmem>>, vector<16xf32>,
    tpu.vector_store %arg7[%swap3A_60, %swap3A_61], %gather3A_58 {strides = array<i32>} : memref<4x1024xf32, #tpu.memory_space<vmem>>, vector<16xf32>,
    %get3A_63 = arith.constant 16 : index
    %get3A_64 = tpu.vector_load %arg5[%get3A_63] {strides = array<i32>} : memref<1024xi32, #tpu.memory_space<vmem>>, vector<16xi32>,
    %add3A_65 = arith.constant 0 : i32
    %add3A_66 = vector.broadcast %add3A_65 : i32 to vector<16xi32>
    %add3A_67 = arith.addi %get3A_64, %add3A_66 : vector<16xi32>
    %gather3A_68 = tpu.vector_load_idx %arg6[%add3A_67] : memref<4096xf32, #tpu.memory_space<vmem>>[vector<16xi32>], vector<16xf32>,
    %swap3A_69 = arith.constant 0 : i32
    %swap3A_70 = arith.index_cast %swap3A_69 : i32 to index
    %swap3A_71 = arith.constant 16 : index
    %swap3A_72 = tpu.vector_load %arg7[%swap3A_70, %swap3A_71] {strides = array<i32>} : memref<4x1024xf32, #tpu.memory_space<vmem>>, vector<16xf32>,
    tpu.vector_store %arg7[%swap3A_70, %swap3A_71], %gather3A_68 {strides = array<i32>} : memref<4x1024xf32, #tpu.memory_space<vmem>>, vector<16xf32>,
    %add3A_73 = arith.constant 1024 : i32
    %add3A_74 = vector.broadcast %add3A_73 : i32 to vector<16xi32>
    %add3A_75 = arith.addi %get3A_64, %add3A_74 : vector<16xi32>
    %gather3A_76 = tpu.vector_load_idx %arg6[%add3A_75] : memref<4096xf32, #tpu.memory_space<vmem>>[vector<16xi32>], vector<16xf32>,
    %swap3A_77 = arith.constant 1 : i32
    %swap3A_78 = arith.index_cast %swap3A_77 : i32 to index
    %swap3A_79 = arith.constant 16 : index
    %swap3A_80 = tpu.vector_load %arg7[%swap3A_78, %swap3A_79] {strides = array<i32>} : memref<4x1024xf32, #tpu.memory_space<vmem>>, vector<16xf32>,
    tpu.vector_store %arg7[%swap3A_78, %swap3A_79], %gather3A_76 {strides = array<i32>} : memref<4x1024xf32, #tpu.memory_space<vmem>>, vector<16xf32>,
    %add3A_81 = arith.constant 2048 : i32
    %add3A_82 = vector.broadcast %add3A_81 : i32 to vector<16xi32>
    %add3A_83 = arith.addi %get3A_64, %add3A_82 : vector<16xi32>
    %gather3A_84 = tpu.vector_load_idx %arg6[%add3A_83] : memref<4096xf32, #tpu.memory_space<vmem>>[vector<16xi32>], vector<16xf32>,
    %swap3A_85 = arith.constant 2 : i32
    %swap3A_86 = arith.index_cast %swap3A_85 : i32 to index
    %swap3A_87 = arith.constant 16 : index
    %swap3A_88 = tpu.vector_load %arg7[%swap3A_86, %swap3A_87] {strides = array<i32>} : memref<4x1024xf32, #tpu.memory_space<vmem>>, vector<16xf32>,
    tpu.vector_store %arg7[%swap3A_86, %swap3A_87], %gather3A_84 {strides = array<i32>} : memref<4x1024xf32, #tpu.memory_space<vmem>>, vector<16xf32>,
    %add3A_89 = arith.constant 3072 : i32
    %add3A_90 = vector.broadcast %add3A_89 : i32 to vector<16xi32>
    %add3A_91 = arith.addi %get3A_64, %add3A_90 : vector<16xi32>
    %gather3A_92 = tpu.vector_load_idx %arg6[%add3A_91] : memref<4096xf32, #tpu.memory_space<vmem>>[vector<16xi32>], vector<16xf32>,
    %swap3A_93 = arith.constant 3 : i32
    %swap3A_94 = arith.index_cast %swap3A_93 : i32 to index
    %swap3A_95 = arith.constant 16 : index
    %swap3A_96 = tpu.vector_load %arg7[%swap3A_94, %swap3A_95] {strides = array<i32>} : memref<4x1024xf32, #tpu.memory_space<vmem>>, vector<16xf32>,
    tpu.vector_store %arg7[%swap3A_94, %swap3A_95], %gather3A_92 {strides = array<i32>} : memref<4x1024xf32, #tpu.memory_space<vmem>>, vector<16xf32>,
    %get3A_97 = arith.constant 32 : index
    %get3A_98 = tpu.vector_load %arg5[%get3A_97] {strides = array<i32>} : memref<1024xi32, #tpu.memory_space<vmem>>, vector<16xi32>,
    %add3A_99 = arith.constant 0 : i32
    %add3A_100 = vector.broadcast %add3A_99 : i32 to vector<16xi32>
    %add3A_101 = arith.addi %get3A_98, %add3A_100 : vector<16xi32>
    %gather3A_102 = tpu.vector_load_idx %arg6[%add3A_101] : memref<4096xf32, #tpu.memory_space<vmem>>[vector<16xi32>], vector<16xf32>,
    %swap3A_103 = arith.constant 0 : i32
    %swap3A_104 = arith.index_cast %swap3A_103 : i32 to index
    %swap3A_105 = arith.constant 32 : index
    %swap3A_106 = tpu.vector_load %arg7[%swap3A_104, %swap3A_105] {strides = array<i32>} : memref<4x1024xf32, #tpu.memory_space<vmem>>, vector<16xf32>,
    tpu.vector_store %arg7[%swap3A_104, %swap3A_105], %gather3A_102 {strides = array<i32>} : memref<4x1024xf32, #tpu.memory_space<vmem>>, vector<16xf32>,
    %add3A_107 = arith.constant 1024 : i32
    %add3A_108 = vector.broadcast %add3A_107 : i32 to vector<16xi32>
    %add3A_109 = arith.addi %get3A_98, %add3A_108 : vector<16xi32>
    %gather3A_110 = tpu.vector_load_idx %arg6[%add3A_109] : memref<4096xf32, #tpu.memory_space<vmem>>[vector<16xi32>], vector<16xf32>,
    %swap3A_111 = arith.constant 1 : i32
    %swap3A_112 = arith.index_cast %swap3A_111 : i32 to index
    %swap3A_113 = arith.constant 32 : index
    %swap3A_114 = tpu.vector_load %arg7[%swap3A_112, %swap3A_113] {strides = array<i32>} : memref<4x1024xf32, #tpu.memory_space<vmem>>, vector<16xf32>,
    tpu.vector_store %arg7[%swap3A_112, %swap3A_113], %gather3A_110 {strides = array<i32>} : memref<4x1024xf32, #tpu.memory_space<vmem>>, vector<16xf32>,
    %add3A_115 = arith.constant 2048 : i32
    %add3A_116 = vector.broadcast %add3A_115 : i32 to vector<16xi32>
    %add3A_117 = arith.addi %get3A_98, %add3A_116 : vector<16xi32>
    %gather3A_118 = tpu.vector_load_idx %arg6[%add3A_117] : memref<4096xf32, #tpu.memory_space<vmem>>[vector<16xi32>], vector<16xf32>,
    %swap3A_119 = arith.constant 2 : i32
    %swap3A_120 = arith.index_cast %swap3A_119 : i32 to index
    %swap3A_121 = arith.constant 32 : index
    %swap3A_122 = tpu.vector_load %arg7[%swap3A_120, %swap3A_121] {strides = array<i32>} : memref<4x1024xf32, #tpu.memory_space<vmem>>, vector<16xf32>,
    tpu.vector_store %arg7[%swap3A_120, %swap3A_121], %gather3A_118 {strides = array<i32>} : memref<4x1024xf32, #tpu.memory_space<vmem>>, vector<16xf32>,
    %add3A_123 = arith.constant 3072 : i32
    %add3A_124 = vector.broadcast %add3A_123 : i32 to vector<16xi32>
    %add3A_125 = arith.addi %get3A_98, %add3A_124 : vector<16xi32>
    %gather3A_126 = tpu.vector_load_idx %arg6[%add3A_125] : memref<4096xf32, #tpu.memory_space<vmem>>[vector<16xi32>], vector<16xf32>,
    %swap3A_127 = arith.constant 3 : i32
    %swap3A_128 = arith.index_cast %swap3A_127 : i32 to index
    %swap3A_129 = arith.constant 32 : index
    %swap3A_130 = tpu.vector_load %arg7[%swap3A_128, %swap3A_129] {strides = array<i32>} : memref<4x1024xf32, #tpu.memory_space<vmem>>, vector<16xf32>,
    tpu.vector_store %arg7[%swap3A_128, %swap3A_129], %gather3A_126 {strides = array<i32>} : memref<4x1024xf32, #tpu.memory_space<vmem>>, vector<16xf32>,
    %get3A_131 = arith.constant 48 : index
    %get3A_132 = tpu.vector_load %arg5[%get3A_131] {strides = array<i32>} : memref<1024xi32, #tpu.memory_space<vmem>>, vector<16xi32>,
    %add3A_133 = arith.constant 0 : i32
    %add3A_134 = vector.broadcast %add3A_133 : i32 to vector<16xi32>
    %add3A_135 = arith.addi %get3A_132, %add3A_134 : vector<16xi32>
    %gather3A_136 = tpu.vector_load_idx %arg6[%add3A_135] : memref<4096xf32, #tpu.memory_space<vmem>>[vector<16xi32>], vector<16xf32>,
    %swap3A_137 = arith.constant 0 : i32
    %swap3A_138 = arith.index_cast %swap3A_137 : i32 to index
    %swap3A_139 = arith.constant 48 : index
    %swap3A_140 = tpu.vector_load %arg7[%swap3A_138, %swap3A_139] {strides = array<i32>} : memref<4x1024xf32, #tpu.memory_space<vmem>>, vector<16xf32>,
    tpu.vector_store %arg7[%swap3A_138, %swap3A_139], %gather3A_136 {strides = array<i32>} : memref<4x1024xf32, #tpu.memory_space<vmem>>, vector<16xf32>,
    %add3A_141 = arith.constant 1024 : i32
    %add3A_142 = vector.broadcast %add3A_141 : i32 to vector<16xi32>
    %add3A_143 = arith.addi %get3A_132, %add3A_142 : vector<16xi32>
    %gather3A_144 = tpu.vector_load_idx %arg6[%add3A_143] : memref<4096xf32, #tpu.memory_space<vmem>>[vector<16xi32>], vector<16xf32>,
    %swap3A_145 = arith.constant 1 : i32
    %swap3A_146 = arith.index_cast %swap3A_145 : i32 to index
    %swap3A_147 = arith.constant 48 : index
    %swap3A_148 = tpu.vector_load %arg7[%swap3A_146, %swap3A_147] {strides = array<i32>} : memref<4x1024xf32, #tpu.memory_space<vmem>>, vector<16xf32>,
    tpu.vector_store %arg7[%swap3A_146, %swap3A_147], %gather3A_144 {strides = array<i32>} : memref<4x1024xf32, #tpu.memory_space<vmem>>, vector<16xf32>,
    %add3A_149 = arith.constant 2048 : i32
    %add3A_150 = vector.broadcast %add3A_149 : i32 to vector<16xi32>
    %add3A_151 = arith.addi %get3A_132, %add3A_150 : vector<16xi32>
    %gather3A_152 = tpu.vector_load_idx %arg6[%add3A_151] : memref<4096xf32, #tpu.memory_space<vmem>>[vector<16xi32>], vector<16xf32>,
    %swap3A_153 = arith.constant 2 : i32
    %swap3A_154 = arith.index_cast %swap3A_153 : i32 to index
    %swap3A_155 = arith.constant 48 : index
    %swap3A_156 = tpu.vector_load %arg7[%swap3A_154, %swap3A_155] {strides = array<i32>} : memref<4x1024xf32, #tpu.memory_space<vmem>>, vector<16xf32>,
    tpu.vector_store %arg7[%swap3A_154, %swap3A_155], %gather3A_152 {strides = array<i32>} : memref<4x1024xf32, #tpu.memory_space<vmem>>, vector<16xf32>,
    %add3A_157 = arith.constant 3072 : i32
    %add3A_158 = vector.broadcast %add3A_157 : i32 to vector<16xi32>
    %add3A_159 = arith.addi %get3A_132, %add3A_158 : vector<16xi32>
    %gather3A_160 = tpu.vector_load_idx %arg6[%add3A_159] : memref<4096xf32, #tpu.memory_space<vmem>>[vector<16xi32>], vector<16xf32>,
    %swap3A_161 = arith.constant 3 : i32
    %swap3A_162 = arith.index_cast %swap3A_161 : i32 to index
    %swap3A_163 = arith.constant 48 : index
    %swap3A_164 = tpu.vector_load %arg7[%swap3A_162, %swap3A_163] {strides = array<i32>} : memref<4x1024xf32, #tpu.memory_space<vmem>>, vector<16xf32>,
    tpu.vector_store %arg7[%swap3A_162, %swap3A_163], %gather3A_160 {strides = array<i32>} : memref<4x1024xf32, #tpu.memory_space<vmem>>, vector<16xf32>,
    %get3A_165 = arith.constant 64 : index
    %get3A_166 = tpu.vector_load %arg5[%get3A_165] {strides = array<i32>} : memref<1024xi32, #tpu.memory_space<vmem>>, vector<16xi32>,
    %add3A_167 = arith.constant 0 : i32
    %add3A_168 = vector.broadcast %add3A_167 : i32 to vector<16xi32>
    %add3A_169 = arith.addi %get3A_166, %add3A_168 : vector<16xi32>
    %gather3A_170 = tpu.vector_load_idx %arg6[%add3A_169] : memref<4096xf32, #tpu.memory_space<vmem>>[vector<16xi32>], vector<16xf32>,
    %swap3A_171 = arith.constant 0 : i32
    %swap3A_172 = arith.index_cast %swap3A_171 : i32 to index
    %swap3A_173 = arith.constant 64 : index
    %swap3A_174 = tpu.vector_load %arg7[%swap3A_172, %swap3A_173] {strides = array<i32>} : memref<4x1024xf32, #tpu.memory_space<vmem>>, vector<16xf32>,
    tpu.vector_store %arg7[%swap3A_172, %swap3A_173], %gather3A_170 {strides = array<i32>} : memref<4x1024xf32, #tpu.memory_space<vmem>>, vector<16xf32>,
    %add3A_175 = arith.constant 1024 : i32
    %add3A_176 = vector.broadcast %add3A_175 : i32 to vector<16xi32>
    %add3A_177 = arith.addi %get3A_166, %add3A_176 : vector<16xi32>
    %gather3A_178 = tpu.vector_load_idx %arg6[%add3A_177] : memref<4096xf32, #tpu.memory_space<vmem>>[vector<16xi32>], vector<16xf32>,
    %swap3A_179 = arith.constant 1 : i32
    %swap3A_180 = arith.index_cast %swap3A_179 : i32 to index
    %swap3A_181 = arith.constant 64 : index
    %swap3A_182 = tpu.vector_load %arg7[%swap3A_180, %swap3A_181] {strides = array<i32>} : memref<4x1024xf32, #tpu.memory_space<vmem>>, vector<16xf32>,
    tpu.vector_store %arg7[%swap3A_180, %swap3A_181], %gather3A_178 {strides = array<i32>} : memref<4x1024xf32, #tpu.memory_space<vmem>>, vector<16xf32>,
    %add3A_183 = arith.constant 2048 : i32
    %add3A_184 = vector.broadcast %add3A_183 : i32 to vector<16xi32>
    %add3A_185 = arith.addi %get3A_166, %add3A_184 : vector<16xi32>
    %gather3A_186 = tpu.vector_load_idx %arg6[%add3A_185] : memref<4096xf32, #tpu.memory_space<vmem>>[vector<16xi32>], vector<16xf32>,
    %swap3A_187 = arith.constant 2 : i32
    %swap3A_188 = arith.index_cast %swap3A_187 : i32 to index
    %swap3A_189 = arith.constant 64 : index
    %swap3A_190 = tpu.vector_load %arg7[%swap3A_188, %swap3A_189] {strides = array<i32>} : memref<4x1024xf32, #tpu.memory_space<vmem>>, vector<16xf32>,
    tpu.vector_store %arg7[%swap3A_188, %swap3A_189], %gather3A_186 {strides = array<i32>} : memref<4x1024xf32, #tpu.memory_space<vmem>>, vector<16xf32>,
    %add3A_191 = arith.constant 3072 : i32
    %add3A_192 = vector.broadcast %add3A_191 : i32 to vector<16xi32>
    %add3A_193 = arith.addi %get3A_166, %add3A_192 : vector<16xi32>
    %gather3A_194 = tpu.vector_load_idx %arg6[%add3A_193] : memref<4096xf32, #tpu.memory_space<vmem>>[vector<16xi32>], vector<16xf32>,
    %swap3A_195 = arith.constant 3 : i32
    %swap3A_196 = arith.index_cast %swap3A_195 : i32 to index
    %swap3A_197 = arith.constant 64 : index
    %swap3A_198 = tpu.vector_load %arg7[%swap3A_196, %swap3A_197] {strides = array<i32>} : memref<4x1024xf32, #tpu.memory_space<vmem>>, vector<16xf32>,
    tpu.vector_store %arg7[%swap3A_196, %swap3A_197], %gather3A_194 {strides = array<i32>} : memref<4x1024xf32, #tpu.memory_space<vmem>>, vector<16xf32>,
    %get3A_199 = arith.constant 80 : index
    %get3A_200 = tpu.vector_load %arg5[%get3A_199] {strides = array<i32>} : memref<1024xi32, #tpu.memory_space<vmem>>, vector<16xi32>,
    %add3A_201 = arith.constant 0 : i32
    %add3A_202 = vector.broadcast %add3A_201 : i32 to vector<16xi32>
    %add3A_203 = arith.addi %get3A_200, %add3A_202 : vector<16xi32>
    %gather3A_204 = tpu.vector_load_idx %arg6[%add3A_203] : memref<4096xf32, #tpu.memory_space<vmem>>[vector<16xi32>], vector<16xf32>,
    %swap3A_205 = arith.constant 0 : i32
    %swap3A_206 = arith.index_cast %swap3A_205 : i32 to index
    %swap3A_207 = arith.constant 80 : index
    %swap3A_208 = tpu.vector_load %arg7[%swap3A_206, %swap3A_207] {strides = array<i32>} : memref<4x1024xf32, #tpu.memory_space<vmem>>, vector<16xf32>,
    tpu.vector_store %arg7[%swap3A_206, %swap3A_207], %gather3A_204 {strides = array<i32>} : memref<4x1024xf32, #tpu.memory_space<vmem>>, vector<16xf32>,
    %add3A_209 = arith.constant 1024 : i32
    %add3A_210 = vector.broadcast %add3A_209 : i32 to vector<16xi32>
    %add3A_211 = arith.addi %get3A_200, %add3A_210 : vector<16xi32>
    %gather3A_212 = tpu.vector_load_idx %arg6[%add3A_211] : memref<4096xf32, #tpu.memory_space<vmem>>[vector<16xi32>], vector<16xf32>,
    %swap3A_213 = arith.constant 1 : i32
    %swap3A_214 = arith.index_cast %swap3A_213 : i32 to index
    %swap3A_215 = arith.constant 80 : index
    %swap3A_216 = tpu.vector_load %arg7[%swap3A_214, %swap3A_215] {strides = array<i32>} : memref<4x1024xf32, #tpu.memory_space<vmem>>, vector<16xf32>,
    tpu.vector_store %arg7[%swap3A_214, %swap3A_215], %gather3A_212 {strides = array<i32>} : memref<4x1024xf32, #tpu.memory_space<vmem>>, vector<16xf32>,
    %add3A_217 = arith.constant 2048 : i32
    %add3A_218 = vector.broadcast %add3A_217 : i32 to vector<16xi32>
    %add3A_219 = arith.addi %get3A_200, %add3A_218 : vector<16xi32>
    %gather3A_220 = tpu.vector_load_idx %arg6[%add3A_219] : memref<4096xf32, #tpu.memory_space<vmem>>[vector<16xi32>], vector<16xf32>,
    %swap3A_221 = arith.constant 2 : i32
    %swap3A_222 = arith.index_cast %swap3A_221 : i32 to index
    %swap3A_223 = arith.constant 80 : index
    %swap3A_224 = tpu.vector_load %arg7[%swap3A_222, %swap3A_223] {strides = array<i32>} : memref<4x1024xf32, #tpu.memory_space<vmem>>, vector<16xf32>,
    tpu.vector_store %arg7[%swap3A_222, %swap3A_223], %gather3A_220 {strides = array<i32>} : memref<4x1024xf32, #tpu.memory_space<vmem>>, vector<16xf32>,
    %add3A_225 = arith.constant 3072 : i32
    %add3A_226 = vector.broadcast %add3A_225 : i32 to vector<16xi32>
    %add3A_227 = arith.addi %get3A_200, %add3A_226 : vector<16xi32>
    %gather3A_228 = tpu.vector_load_idx %arg6[%add3A_227] : memref<4096xf32, #tpu.memory_space<vmem>>[vector<16xi32>], vector<16xf32>,
    %swap3A_229 = arith.constant 3 : i32
    %swap3A_230 = arith.index_cast %swap3A_229 : i32 to index
    %swap3A_231 = arith.constant 80 : index
    %swap3A_232 = tpu.vector_load %arg7[%swap3A_230, %swap3A_231] {strides = array<i32>} : memref<4x1024xf32, #tpu.memory_space<vmem>>, vector<16xf32>,
    tpu.vector_store %arg7[%swap3A_230, %swap3A_231], %gather3A_228 {strides = array<i32>} : memref<4x1024xf32, #tpu.memory_space<vmem>>, vector<16xf32>,
    %get3A_233 = arith.constant 96 : index
    %get3A_234 = tpu.vector_load %arg5[%get3A_233] {strides = array<i32>} : memref<1024xi32, #tpu.memory_space<vmem>>, vector<16xi32>,
    %add3A_235 = arith.constant 0 : i32
    %add3A_236 = vector.broadcast %add3A_235 : i32 to vector<16xi32>
    %add3A_237 = arith.addi %get3A_234, %add3A_236 : vector<16xi32>
    %gather3A_238 = tpu.vector_load_idx %arg6[%add3A_237] : memref<4096xf32, #tpu.memory_space<vmem>>[vector<16xi32>], vector<16xf32>,
    %swap3A_239 = arith.constant 0 : i32
    %swap3A_240 = arith.index_cast %swap3A_239 : i32 to index
    %swap3A_241 = arith.constant 96 : index
    %swap3A_242 = tpu.vector_load %arg7[%swap3A_240, %swap3A_241] {strides = array<i32>} : memref<4x1024xf32, #tpu.memory_space<vmem>>, vector<16xf32>,
    tpu.vector_store %arg7[%swap3A_240, %swap3A_241], %gather3A_238 {strides = array<i32>} : memref<4x1024xf32, #tpu.memory_space<vmem>>, vector<16xf32>,
    %add3A_243 = arith.constant 1024 : i32
    %add3A_244 = vector.broadcast %add3A_243 : i32 to vector<16xi32>
    %add3A_245 = arith.addi %get3A_234, %add3A_244 : vector<16xi32>
    %gather3A_246 = tpu.vector_load_idx %arg6[%add3A_245] : memref<4096xf32, #tpu.memory_space<vmem>>[vector<16xi32>], vector<16xf32>,
    %swap3A_247 = arith.constant 1 : i32
    %swap3A_248 = arith.index_cast %swap3A_247 : i32 to index
    %swap3A_249 = arith.constant 96 : index
    %swap3A_250 = tpu.vector_load %arg7[%swap3A_248, %swap3A_249] {strides = array<i32>} : memref<4x1024xf32, #tpu.memory_space<vmem>>, vector<16xf32>,
    tpu.vector_store %arg7[%swap3A_248, %swap3A_249], %gather3A_246 {strides = array<i32>} : memref<4x1024xf32, #tpu.memory_space<vmem>>, vector<16xf32>,
    %add3A_251 = arith.constant 2048 : i32
    %add3A_252 = vector.broadcast %add3A_251 : i32 to vector<16xi32>
    %add3A_253 = arith.addi %get3A_234, %add3A_252 : vector<16xi32>
    %gather3A_254 = tpu.vector_load_idx %arg6[%add3A_253] : memref<4096xf32, #tpu.memory_space<vmem>>[vector<16xi32>], vector<16xf32>,
    %swap3A_255 = arith.constant 2 : i32
    %swap3A_256 = arith.index_cast %swap3A_255 : i32 to index
    %swap3A_257 = arith.constant 96 : index
    %swap3A_258 = tpu.vector_load %arg7[%swap3A_256, %swap3A_257] {strides = array<i32>} : memref<4x1024xf32, #tpu.memory_space<vmem>>, vector<16xf32>,
    tpu.vector_store %arg7[%swap3A_256, %swap3A_257], %gather3A_254 {strides = array<i32>} : memref<4x1024xf32, #tpu.memory_space<vmem>>, vector<16xf32>,
    %add3A_259 = arith.constant 3072 : i32
    %add3A_260 = vector.broadcast %add3A_259 : i32 to vector<16xi32>
    %add3A_261 = arith.addi %get3A_234, %add3A_260 : vector<16xi32>
    %gather3A_262 = tpu.vector_load_idx %arg6[%add3A_261] : memref<4096xf32, #tpu.memory_space<vmem>>[vector<16xi32>], vector<16xf32>,
    %swap3A_263 = arith.constant 3 : i32
    %swap3A_264 = arith.index_cast %swap3A_263 : i32 to index
    %swap3A_265 = arith.constant 96 : index
    %swap3A_266 = tpu.vector_load %arg7[%swap3A_264, %swap3A_265] {strides = array<i32>} : memref<4x1024xf32, #tpu.memory_space<vmem>>, vector<16xf32>,
    tpu.vector_store %arg7[%swap3A_264, %swap3A_265], %gather3A_262 {strides = array<i32>} : memref<4x1024xf32, #tpu.memory_space<vmem>>, vector<16xf32>,
    %get3A_267 = arith.constant 112 : index
    %get3A_268 = tpu.vector_load %arg5[%get3A_267] {strides = array<i32>} : memref<1024xi32, #tpu.memory_space<vmem>>, vector<16xi32>,
    %add3A_269 = arith.constant 0 : i32
    %add3A_270 = vector.broadcast %add3A_269 : i32 to vector<16xi32>
    %add3A_271 = arith.addi %get3A_268, %add3A_270 : vector<16xi32>
    %gather3A_272 = tpu.vector_load_idx %arg6[%add3A_271] : memref<4096xf32, #tpu.memory_space<vmem>>[vector<16xi32>], vector<16xf32>,
    %swap3A_273 = arith.constant 0 : i32
    %swap3A_274 = arith.index_cast %swap3A_273 : i32 to index
    %swap3A_275 = arith.constant 112 : index
    %swap3A_276 = tpu.vector_load %arg7[%swap3A_274, %swap3A_275] {strides = array<i32>} : memref<4x1024xf32, #tpu.memory_space<vmem>>, vector<16xf32>,
    tpu.vector_store %arg7[%swap3A_274, %swap3A_275], %gather3A_272 {strides = array<i32>} : memref<4x1024xf32, #tpu.memory_space<vmem>>, vector<16xf32>,
    %add3A_277 = arith.constant 1024 : i32
    %add3A_278 = vector.broadcast %add3A_277 : i32 to vector<16xi32>
    %add3A_279 = arith.addi %get3A_268, %add3A_278 : vector<16xi32>
    %gather3A_280 = tpu.vector_load_idx %arg6[%add3A_279] : memref<4096xf32, #tpu.memory_space<vmem>>[vector<16xi32>], vector<16xf32>,
    %swap3A_281 = arith.constant 1 : i32
    %swap3A_282 = arith.index_cast %swap3A_281 : i32 to index
    %swap3A_283 = arith.constant 112 : index
    %swap3A_284 = tpu.vector_load %arg7[%swap3A_282, %swap3A_283] {strides = array<i32>} : memref<4x1024xf32, #tpu.memory_space<vmem>>, vector<16xf32>,
    tpu.vector_store %arg7[%swap3A_282, %swap3A_283], %gather3A_280 {strides = array<i32>} : memref<4x1024xf32, #tpu.memory_space<vmem>>, vector<16xf32>,
    %add3A_285 = arith.constant 2048 : i32
    %add3A_286 = vector.broadcast %add3A_285 : i32 to vector<16xi32>
    %add3A_287 = arith.addi %get3A_268, %add3A_286 : vector<16xi32>
    %gather3A_288 = tpu.vector_load_idx %arg6[%add3A_287] : memref<4096xf32, #tpu.memory_space<vmem>>[vector<16xi32>], vector<16xf32>,
    %swap3A_289 = arith.constant 2 : i32
    %swap3A_290 = arith.index_cast %swap3A_289 : i32 to index
    %swap3A_291 = arith.constant 112 : index
    %swap3A_292 = tpu.vector_load %arg7[%swap3A_290, %swap3A_291] {strides = array<i32>} : memref<4x1024xf32, #tpu.memory_space<vmem>>, vector<16xf32>,
    tpu.vector_store %arg7[%swap3A_290, %swap3A_291], %gather3A_288 {strides = array<i32>} : memref<4x1024xf32, #tpu.memory_space<vmem>>, vector<16xf32>,
    %add3A_293 = arith.constant 3072 : i32
    %add3A_294 = vector.broadcast %add3A_293 : i32 to vector<16xi32>
    %add3A_295 = arith.addi %get3A_268, %add3A_294 : vector<16xi32>
    %gather3A_296 = tpu.vector_load_idx %arg6[%add3A_295] : memref<4096xf32, #tpu.memory_space<vmem>>[vector<16xi32>], vector<16xf32>,
    %swap3A_297 = arith.constant 3 : i32
    %swap3A_298 = arith.index_cast %swap3A_297 : i32 to index
    %swap3A_299 = arith.constant 112 : index
    %swap3A_300 = tpu.vector_load %arg7[%swap3A_298, %swap3A_299] {strides = array<i32>} : memref<4x1024xf32, #tpu.memory_space<vmem>>, vector<16xf32>,
    tpu.vector_store %arg7[%swap3A_298, %swap3A_299], %gather3A_296 {strides = array<i32>} : memref<4x1024xf32, #tpu.memory_space<vmem>>, vector<16xf32>,
    %get3A_301 = arith.constant 128 : index
    %get3A_302 = tpu.vector_load %arg5[%get3A_301] {strides = array<i32>} : memref<1024xi32, #tpu.memory_space<vmem>>, vector<16xi32>,
    %add3A_303 = arith.constant 0 : i32
    %add3A_304 = vector.broadcast %add3A_303 : i32 to vector<16xi32>
    %add3A_305 = arith.addi %get3A_302, %add3A_304 : vector<16xi32>
    %gather3A_306 = tpu.vector_load_idx %arg6[%add3A_305] : memref<4096xf32, #tpu.memory_space<vmem>>[vector<16xi32>], vector<16xf32>,
    %swap3A_307 = arith.constant 0 : i32
    %swap3A_308 = arith.index_cast %swap3A_307 : i32 to index
    %swap3A_309 = arith.constant 128 : index
    %swap3A_310 = tpu.vector_load %arg7[%swap3A_308, %swap3A_309] {strides = array<i32>} : memref<4x1024xf32, #tpu.memory_space<vmem>>, vector<16xf32>,
    tpu.vector_store %arg7[%swap3A_308, %swap3A_309], %gather3A_306 {strides = array<i32>} : memref<4x1024xf32, #tpu.memory_space<vmem>>, vector<16xf32>,
    %add3A_311 = arith.constant 1024 : i32
    %add3A_312 = vector.broadcast %add3A_311 : i32 to vector<16xi32>
    %add3A_313 = arith.addi %get3A_302, %add3A_312 : vector<16xi32>
    %gather3A_314 = tpu.vector_load_idx %arg6[%add3A_313] : memref<4096xf32, #tpu.memory_space<vmem>>[vector<16xi32>], vector<16xf32>,
    %swap3A_315 = arith.constant 1 : i32
    %swap3A_316 = arith.index_cast %swap3A_315 : i32 to index
    %swap3A_317 = arith.constant 128 : index
    %swap3A_318 = tpu.vector_load %arg7[%swap3A_316, %swap3A_317] {strides = array<i32>} : memref<4x1024xf32, #tpu.memory_space<vmem>>, vector<16xf32>,
    tpu.vector_store %arg7[%swap3A_316, %swap3A_317], %gather3A_314 {strides = array<i32>} : memref<4x1024xf32, #tpu.memory_space<vmem>>, vector<16xf32>,
    %add3A_319 = arith.constant 2048 : i32
    %add3A_320 = vector.broadcast %add3A_319 : i32 to vector<16xi32>
    %add3A_321 = arith.addi %get3A_302, %add3A_320 : vector<16xi32>
    %gather3A_322 = tpu.vector_load_idx %arg6[%add3A_321] : memref<4096xf32, #tpu.memory_space<vmem>>[vector<16xi32>], vector<16xf32>,
    %swap3A_323 = arith.constant 2 : i32
    %swap3A_324 = arith.index_cast %swap3A_323 : i32 to index
    %swap3A_325 = arith.constant 128 : index
    %swap3A_326 = tpu.vector_load %arg7[%swap3A_324, %swap3A_325] {strides = array<i32>} : memref<4x1024xf32, #tpu.memory_space<vmem>>, vector<16xf32>,
    tpu.vector_store %arg7[%swap3A_324, %swap3A_325], %gather3A_322 {strides = array<i32>} : memref<4x1024xf32, #tpu.memory_space<vmem>>, vector<16xf32>,
    %add3A_327 = arith.constant 3072 : i32
    %add3A_328 = vector.broadcast %add3A_327 : i32 to vector<16xi32>
    %add3A_329 = arith.addi %get3A_302, %add3A_328 : vector<16xi32>
    %gather3A_330 = tpu.vector_load_idx %arg6[%add3A_329] : memref<4096xf32, #tpu.memory_space<vmem>>[vector<16xi32>], vector<16xf32>,
    %swap3A_331 = arith.constant 3 : i32
    %swap3A_332 = arith.index_cast %swap3A_331 : i32 to index
    %swap3A_333 = arith.constant 128 : index
    %swap3A_334 = tpu.vector_load %arg7[%swap3A_332, %swap3A_333] {strides = array<i32>} : memref<4x1024xf32, #tpu.memory_space<vmem>>, vector<16xf32>,
    tpu.vector_store %arg7[%swap3A_332, %swap3A_333], %gather3A_330 {strides = array<i32>} : memref<4x1024xf32, #tpu.memory_space<vmem>>, vector<16xf32>,
    %get3A_335 = arith.constant 144 : index
    %get3A_336 = tpu.vector_load %arg5[%get3A_335] {strides = array<i32>} : memref<1024xi32, #tpu.memory_space<vmem>>, vector<16xi32>,
    %add3A_337 = arith.constant 0 : i32
    %add3A_338 = vector.broadcast %add3A_337 : i32 to vector<16xi32>
    %add3A_339 = arith.addi %get3A_336, %add3A_338 : vector<16xi32>
    %gather3A_340 = tpu.vector_load_idx %arg6[%add3A_339] : memref<4096xf32, #tpu.memory_space<vmem>>[vector<16xi32>], vector<16xf32>,
    %swap3A_341 = arith.constant 0 : i32
    %swap3A_342 = arith.index_cast %swap3A_341 : i32 to index
    %swap3A_343 = arith.constant 144 : index
    %swap3A_344 = tpu.vector_load %arg7[%swap3A_342, %swap3A_343] {strides = array<i32>} : memref<4x1024xf32, #tpu.memory_space<vmem>>, vector<16xf32>,
    tpu.vector_store %arg7[%swap3A_342, %swap3A_343], %gather3A_340 {strides = array<i32>} : memref<4x1024xf32, #tpu.memory_space<vmem>>, vector<16xf32>,
    %add3A_345 = arith.constant 1024 : i32
    %add3A_346 = vector.broadcast %add3A_345 : i32 to vector<16xi32>
    %add3A_347 = arith.addi %get3A_336, %add3A_346 : vector<16xi32>
    %gather3A_348 = tpu.vector_load_idx %arg6[%add3A_347] : memref<4096xf32, #tpu.memory_space<vmem>>[vector<16xi32>], vector<16xf32>,
    %swap3A_349 = arith.constant 1 : i32
    %swap3A_350 = arith.index_cast %swap3A_349 : i32 to index
    %swap3A_351 = arith.constant 144 : index
    %swap3A_352 = tpu.vector_load %arg7[%swap3A_350, %swap3A_351] {strides = array<i32>} : memref<4x1024xf32, #tpu.memory_space<vmem>>, vector<16xf32>,
    tpu.vector_store %arg7[%swap3A_350, %swap3A_351], %gather3A_348 {strides = array<i32>} : memref<4x1024xf32, #tpu.memory_space<vmem>>, vector<16xf32>,
    %add3A_353 = arith.constant 2048 : i32
    %add3A_354 = vector.broadcast %add3A_353 : i32 to vector<16xi32>
    %add3A_355 = arith.addi %get3A_336, %add3A_354 : vector<16xi32>
    %gather3A_356 = tpu.vector_load_idx %arg6[%add3A_355] : memref<4096xf32, #tpu.memory_space<vmem>>[vector<16xi32>], vector<16xf32>,
    %swap3A_357 = arith.constant 2 : i32
    %swap3A_358 = arith.index_cast %swap3A_357 : i32 to index
    %swap3A_359 = arith.constant 144 : index
    %swap3A_360 = tpu.vector_load %arg7[%swap3A_358, %swap3A_359] {strides = array<i32>} : memref<4x1024xf32, #tpu.memory_space<vmem>>, vector<16xf32>,
    tpu.vector_store %arg7[%swap3A_358, %swap3A_359], %gather3A_356 {strides = array<i32>} : memref<4x1024xf32, #tpu.memory_space<vmem>>, vector<16xf32>,
    %add3A_361 = arith.constant 3072 : i32
    %add3A_362 = vector.broadcast %add3A_361 : i32 to vector<16xi32>
    %add3A_363 = arith.addi %get3A_336, %add3A_362 : vector<16xi32>
    %gather3A_364 = tpu.vector_load_idx %arg6[%add3A_363] : memref<4096xf32, #tpu.memory_space<vmem>>[vector<16xi32>], vector<16xf32>,
    %swap3A_365 = arith.constant 3 : i32
    %swap3A_366 = arith.index_cast %swap3A_365 : i32 to index
    %swap3A_367 = arith.constant 144 : index
    %swap3A_368 = tpu.vector_load %arg7[%swap3A_366, %swap3A_367] {strides = array<i32>} : memref<4x1024xf32, #tpu.memory_space<vmem>>, vector<16xf32>,
    tpu.vector_store %arg7[%swap3A_366, %swap3A_367], %gather3A_364 {strides = array<i32>} : memref<4x1024xf32, #tpu.memory_space<vmem>>, vector<16xf32>,
    %get3A_369 = arith.constant 160 : index
    %get3A_370 = tpu.vector_load %arg5[%get3A_369] {strides = array<i32>} : memref<1024xi32, #tpu.memory_space<vmem>>, vector<16xi32>,
    %add3A_371 = arith.constant 0 : i32
    %add3A_372 = vector.broadcast %add3A_371 : i32 to vector<16xi32>
    %add3A_373 = arith.addi %get3A_370, %add3A_372 : vector<16xi32>
    %gather3A_374 = tpu.vector_load_idx %arg6[%add3A_373] : memref<4096xf32, #tpu.memory_space<vmem>>[vector<16xi32>], vector<16xf32>,
    %swap3A_375 = arith.constant 0 : i32
    %swap3A_376 = arith.index_cast %swap3A_375 : i32 to index
    %swap3A_377 = arith.constant 160 : index
    %swap3A_378 = tpu.vector_load %arg7[%swap3A_376, %swap3A_377] {strides = array<i32>} : memref<4x1024xf32, #tpu.memory_space<vmem>>, vector<16xf32>,
    tpu.vector_store %arg7[%swap3A_376, %swap3A_377], %gather3A_374 {strides = array<i32>} : memref<4x1024xf32, #tpu.memory_space<vmem>>, vector<16xf32>,
    %add3A_379 = arith.constant 1024 : i32
    %add3A_380 = vector.broadcast %add3A_379 : i32 to vector<16xi32>
    %add3A_381 = arith.addi %get3A_370, %add3A_380 : vector<16xi32>
    %gather3A_382 = tpu.vector_load_idx %arg6[%add3A_381] : memref<4096xf32, #tpu.memory_space<vmem>>[vector<16xi32>], vector<16xf32>,
    %swap3A_383 = arith.constant 1 : i32
    %swap3A_384 = arith.index_cast %swap3A_383 : i32 to index
    %swap3A_385 = arith.constant 160 : index
    %swap3A_386 = tpu.vector_load %arg7[%swap3A_384, %swap3A_385] {strides = array<i32>} : memref<4x1024xf32, #tpu.memory_space<vmem>>, vector<16xf32>,
    tpu.vector_store %arg7[%swap3A_384, %swap3A_385], %gather3A_382 {strides = array<i32>} : memref<4x1024xf32, #tpu.memory_space<vmem>>, vector<16xf32>,
    %add3A_387 = arith.constant 2048 : i32
    %add3A_388 = vector.broadcast %add3A_387 : i32 to vector<16xi32>
    %add3A_389 = arith.addi %get3A_370, %add3A_388 : vector<16xi32>
    %gather3A_390 = tpu.vector_load_idx %arg6[%add3A_389] : memref<4096xf32, #tpu.memory_space<vmem>>[vector<16xi32>], vector<16xf32>,
    %swap3A_391 = arith.constant 2 : i32
    %swap3A_392 = arith.index_cast %swap3A_391 : i32 to index
    %swap3A_393 = arith.constant 160 : index
    %swap3A_394 = tpu.vector_load %arg7[%swap3A_392, %swap3A_393] {strides = array<i32>} : memref<4x1024xf32, #tpu.memory_space<vmem>>, vector<16xf32>,
    tpu.vector_store %arg7[%swap3A_392, %swap3A_393], %gather3A_390 {strides = array<i32>} : memref<4x1024xf32, #tpu.memory_space<vmem>>, vector<16xf32>,
    %add3A_395 = arith.constant 3072 : i32
    %add3A_396 = vector.broadcast %add3A_395 : i32 to vector<16xi32>
    %add3A_397 = arith.addi %get3A_370, %add3A_396 : vector<16xi32>
    %gather3A_398 = tpu.vector_load_idx %arg6[%add3A_397] : memref<4096xf32, #tpu.memory_space<vmem>>[vector<16xi32>], vector<16xf32>,
    %swap3A_399 = arith.constant 3 : i32
    %swap3A_400 = arith.index_cast %swap3A_399 : i32 to index
    %swap3A_401 = arith.constant 160 : index
    %swap3A_402 = tpu.vector_load %arg7[%swap3A_400, %swap3A_401] {strides = array<i32>} : memref<4x1024xf32, #tpu.memory_space<vmem>>, vector<16xf32>,
    tpu.vector_store %arg7[%swap3A_400, %swap3A_401], %gather3A_398 {strides = array<i32>} : memref<4x1024xf32, #tpu.memory_space<vmem>>, vector<16xf32>,
    %get3A_403 = arith.constant 176 : index
    %get3A_404 = tpu.vector_load %arg5[%get3A_403] {strides = array<i32>} : memref<1024xi32, #tpu.memory_space<vmem>>, vector<16xi32>,
    %add3A_405 = arith.constant 0 : i32
    %add3A_406 = vector.broadcast %add3A_405 : i32 to vector<16xi32>
    %add3A_407 = arith.addi %get3A_404, %add3A_406 : vector<16xi32>
    %gather3A_408 = tpu.vector_load_idx %arg6[%add3A_407] : memref<4096xf32, #tpu.memory_space<vmem>>[vector<16xi32>], vector<16xf32>,
    %swap3A_409 = arith.constant 0 : i32
    %swap3A_410 = arith.index_cast %swap3A_409 : i32 to index
    %swap3A_411 = arith.constant 176 : index
    %swap3A_412 = tpu.vector_load %arg7[%swap3A_410, %swap3A_411] {strides = array<i32>} : memref<4x1024xf32, #tpu.memory_space<vmem>>, vector<16xf32>,
    tpu.vector_store %arg7[%swap3A_410, %swap3A_411], %gather3A_408 {strides = array<i32>} : memref<4x1024xf32, #tpu.memory_space<vmem>>, vector<16xf32>,
    %add3A_413 = arith.constant 1024 : i32
    %add3A_414 = vector.broadcast %add3A_413 : i32 to vector<16xi32>
    %add3A_415 = arith.addi %get3A_404, %add3A_414 : vector<16xi32>
    %gather3A_416 = tpu.vector_load_idx %arg6[%add3A_415] : memref<4096xf32, #tpu.memory_space<vmem>>[vector<16xi32>], vector<16xf32>,
    %swap3A_417 = arith.constant 1 : i32
    %swap3A_418 = arith.index_cast %swap3A_417 : i32 to index
    %swap3A_419 = arith.constant 176 : index
    %swap3A_420 = tpu.vector_load %arg7[%swap3A_418, %swap3A_419] {strides = array<i32>} : memref<4x1024xf32, #tpu.memory_space<vmem>>, vector<16xf32>,
    tpu.vector_store %arg7[%swap3A_418, %swap3A_419], %gather3A_416 {strides = array<i32>} : memref<4x1024xf32, #tpu.memory_space<vmem>>, vector<16xf32>,
    %add3A_421 = arith.constant 2048 : i32
    %add3A_422 = vector.broadcast %add3A_421 : i32 to vector<16xi32>
    %add3A_423 = arith.addi %get3A_404, %add3A_422 : vector<16xi32>
    %gather3A_424 = tpu.vector_load_idx %arg6[%add3A_423] : memref<4096xf32, #tpu.memory_space<vmem>>[vector<16xi32>], vector<16xf32>,
    %swap3A_425 = arith.constant 2 : i32
    %swap3A_426 = arith.index_cast %swap3A_425 : i32 to index
    %swap3A_427 = arith.constant 176 : index
    %swap3A_428 = tpu.vector_load %arg7[%swap3A_426, %swap3A_427] {strides = array<i32>} : memref<4x1024xf32, #tpu.memory_space<vmem>>, vector<16xf32>,
    tpu.vector_store %arg7[%swap3A_426, %swap3A_427], %gather3A_424 {strides = array<i32>} : memref<4x1024xf32, #tpu.memory_space<vmem>>, vector<16xf32>,
    %add3A_429 = arith.constant 3072 : i32
    %add3A_430 = vector.broadcast %add3A_429 : i32 to vector<16xi32>
    %add3A_431 = arith.addi %get3A_404, %add3A_430 : vector<16xi32>
    %gather3A_432 = tpu.vector_load_idx %arg6[%add3A_431] : memref<4096xf32, #tpu.memory_space<vmem>>[vector<16xi32>], vector<16xf32>,
    %swap3A_433 = arith.constant 3 : i32
    %swap3A_434 = arith.index_cast %swap3A_433 : i32 to index
    %swap3A_435 = arith.constant 176 : index
    %swap3A_436 = tpu.vector_load %arg7[%swap3A_434, %swap3A_435] {strides = array<i32>} : memref<4x1024xf32, #tpu.memory_space<vmem>>, vector<16xf32>,
    tpu.vector_store %arg7[%swap3A_434, %swap3A_435], %gather3A_432 {strides = array<i32>} : memref<4x1024xf32, #tpu.memory_space<vmem>>, vector<16xf32>,
    %get3A_437 = arith.constant 192 : index
    %get3A_438 = tpu.vector_load %arg5[%get3A_437] {strides = array<i32>} : memref<1024xi32, #tpu.memory_space<vmem>>, vector<16xi32>,
    %add3A_439 = arith.constant 0 : i32
    %add3A_440 = vector.broadcast %add3A_439 : i32 to vector<16xi32>
    %add3A_441 = arith.addi %get3A_438, %add3A_440 : vector<16xi32>
    %gather3A_442 = tpu.vector_load_idx %arg6[%add3A_441] : memref<4096xf32, #tpu.memory_space<vmem>>[vector<16xi32>], vector<16xf32>,
    %swap3A_443 = arith.constant 0 : i32
    %swap3A_444 = arith.index_cast %swap3A_443 : i32 to index
    %swap3A_445 = arith.constant 192 : index
    %swap3A_446 = tpu.vector_load %arg7[%swap3A_444, %swap3A_445] {strides = array<i32>} : memref<4x1024xf32, #tpu.memory_space<vmem>>, vector<16xf32>,
    tpu.vector_store %arg7[%swap3A_444, %swap3A_445], %gather3A_442 {strides = array<i32>} : memref<4x1024xf32, #tpu.memory_space<vmem>>, vector<16xf32>,
    %add3A_447 = arith.constant 1024 : i32
    %add3A_448 = vector.broadcast %add3A_447 : i32 to vector<16xi32>
    %add3A_449 = arith.addi %get3A_438, %add3A_448 : vector<16xi32>
    %gather3A_450 = tpu.vector_load_idx %arg6[%add3A_449] : memref<4096xf32, #tpu.memory_space<vmem>>[vector<16xi32>], vector<16xf32>,
    %swap3A_451 = arith.constant 1 : i32
    %swap3A_452 = arith.index_cast %swap3A_451 : i32 to index
    %swap3A_453 = arith.constant 192 : index
    %swap3A_454 = tpu.vector_load %arg7[%swap3A_452, %swap3A_453] {strides = array<i32>} : memref<4x1024xf32, #tpu.memory_space<vmem>>, vector<16xf32>,
    tpu.vector_store %arg7[%swap3A_452, %swap3A_453], %gather3A_450 {strides = array<i32>} : memref<4x1024xf32, #tpu.memory_space<vmem>>, vector<16xf32>,
    %add3A_455 = arith.constant 2048 : i32
    %add3A_456 = vector.broadcast %add3A_455 : i32 to vector<16xi32>
    %add3A_457 = arith.addi %get3A_438, %add3A_456 : vector<16xi32>
    %gather3A_458 = tpu.vector_load_idx %arg6[%add3A_457] : memref<4096xf32, #tpu.memory_space<vmem>>[vector<16xi32>], vector<16xf32>,
    %swap3A_459 = arith.constant 2 : i32
    %swap3A_460 = arith.index_cast %swap3A_459 : i32 to index
    %swap3A_461 = arith.constant 192 : index
    %swap3A_462 = tpu.vector_load %arg7[%swap3A_460, %swap3A_461] {strides = array<i32>} : memref<4x1024xf32, #tpu.memory_space<vmem>>, vector<16xf32>,
    tpu.vector_store %arg7[%swap3A_460, %swap3A_461], %gather3A_458 {strides = array<i32>} : memref<4x1024xf32, #tpu.memory_space<vmem>>, vector<16xf32>,
    %add3A_463 = arith.constant 3072 : i32
    %add3A_464 = vector.broadcast %add3A_463 : i32 to vector<16xi32>
    %add3A_465 = arith.addi %get3A_438, %add3A_464 : vector<16xi32>
    %gather3A_466 = tpu.vector_load_idx %arg6[%add3A_465] : memref<4096xf32, #tpu.memory_space<vmem>>[vector<16xi32>], vector<16xf32>,
    %swap3A_467 = arith.constant 3 : i32
    %swap3A_468 = arith.index_cast %swap3A_467 : i32 to index
    %swap3A_469 = arith.constant 192 : index
    %swap3A_470 = tpu.vector_load %arg7[%swap3A_468, %swap3A_469] {strides = array<i32>} : memref<4x1024xf32, #tpu.memory_space<vmem>>, vector<16xf32>,
    tpu.vector_store %arg7[%swap3A_468, %swap3A_469], %gather3A_466 {strides = array<i32>} : memref<4x1024xf32, #tpu.memory_space<vmem>>, vector<16xf32>,
    %get3A_471 = arith.constant 208 : index
    %get3A_472 = tpu.vector_load %arg5[%get3A_471] {strides = array<i32>} : memref<1024xi32, #tpu.memory_space<vmem>>, vector<16xi32>,
    %add3A_473 = arith.constant 0 : i32
    %add3A_474 = vector.broadcast %add3A_473 : i32 to vector<16xi32>
    %add3A_475 = arith.addi %get3A_472, %add3A_474 : vector<16xi32>
    %gather3A_476 = tpu.vector_load_idx %arg6[%add3A_475] : memref<4096xf32, #tpu.memory_space<vmem>>[vector<16xi32>], vector<16xf32>,
    %swap3A_477 = arith.constant 0 : i32
    %swap3A_478 = arith.index_cast %swap3A_477 : i32 to index
    %swap3A_479 = arith.constant 208 : index
    %swap3A_480 = tpu.vector_load %arg7[%swap3A_478, %swap3A_479] {strides = array<i32>} : memref<4x1024xf32, #tpu.memory_space<vmem>>, vector<16xf32>,
    tpu.vector_store %arg7[%swap3A_478, %swap3A_479], %gather3A_476 {strides = array<i32>} : memref<4x1024xf32, #tpu.memory_space<vmem>>, vector<16xf32>,
    %add3A_481 = arith.constant 1024 : i32
    %add3A_482 = vector.broadcast %add3A_481 : i32 to vector<16xi32>
    %add3A_483 = arith.addi %get3A_472, %add3A_482 : vector<16xi32>
    %gather3A_484 = tpu.vector_load_idx %arg6[%add3A_483] : memref<4096xf32, #tpu.memory_space<vmem>>[vector<16xi32>], vector<16xf32>,
    %swap3A_485 = arith.constant 1 : i32
    %swap3A_486 = arith.index_cast %swap3A_485 : i32 to index
    %swap3A_487 = arith.constant 208 : index
    %swap3A_488 = tpu.vector_load %arg7[%swap3A_486, %swap3A_487] {strides = array<i32>} : memref<4x1024xf32, #tpu.memory_space<vmem>>, vector<16xf32>,
    tpu.vector_store %arg7[%swap3A_486, %swap3A_487], %gather3A_484 {strides = array<i32>} : memref<4x1024xf32, #tpu.memory_space<vmem>>, vector<16xf32>,
    %add3A_489 = arith.constant 2048 : i32
    %add3A_490 = vector.broadcast %add3A_489 : i32 to vector<16xi32>
    %add3A_491 = arith.addi %get3A_472, %add3A_490 : vector<16xi32>
    %gather3A_492 = tpu.vector_load_idx %arg6[%add3A_491] : memref<4096xf32, #tpu.memory_space<vmem>>[vector<16xi32>], vector<16xf32>,
    %swap3A_493 = arith.constant 2 : i32
    %swap3A_494 = arith.index_cast %swap3A_493 : i32 to index
    %swap3A_495 = arith.constant 208 : index
    %swap3A_496 = tpu.vector_load %arg7[%swap3A_494, %swap3A_495] {strides = array<i32>} : memref<4x1024xf32, #tpu.memory_space<vmem>>, vector<16xf32>,
    tpu.vector_store %arg7[%swap3A_494, %swap3A_495], %gather3A_492 {strides = array<i32>} : memref<4x1024xf32, #tpu.memory_space<vmem>>, vector<16xf32>,
    %add3A_497 = arith.constant 3072 : i32
    %add3A_498 = vector.broadcast %add3A_497 : i32 to vector<16xi32>
    %add3A_499 = arith.addi %get3A_472, %add3A_498 : vector<16xi32>
    %gather3A_500 = tpu.vector_load_idx %arg6[%add3A_499] : memref<4096xf32, #tpu.memory_space<vmem>>[vector<16xi32>], vector<16xf32>,
    %swap3A_501 = arith.constant 3 : i32
    %swap3A_502 = arith.index_cast %swap3A_501 : i32 to index
    %swap3A_503 = arith.constant 208 : index
    %swap3A_504 = tpu.vector_load %arg7[%swap3A_502, %swap3A_503] {strides = array<i32>} : memref<4x1024xf32, #tpu.memory_space<vmem>>, vector<16xf32>,
    tpu.vector_store %arg7[%swap3A_502, %swap3A_503], %gather3A_500 {strides = array<i32>} : memref<4x1024xf32, #tpu.memory_space<vmem>>, vector<16xf32>,
    %get3A_505 = arith.constant 224 : index
    %get3A_506 = tpu.vector_load %arg5[%get3A_505] {strides = array<i32>} : memref<1024xi32, #tpu.memory_space<vmem>>, vector<16xi32>,
    %add3A_507 = arith.constant 0 : i32
    %add3A_508 = vector.broadcast %add3A_507 : i32 to vector<16xi32>
    %add3A_509 = arith.addi %get3A_506, %add3A_508 : vector<16xi32>
    %gather3A_510 = tpu.vector_load_idx %arg6[%add3A_509] : memref<4096xf32, #tpu.memory_space<vmem>>[vector<16xi32>], vector<16xf32>,
    %swap3A_511 = arith.constant 0 : i32
    %swap3A_512 = arith.index_cast %swap3A_511 : i32 to index
    %swap3A_513 = arith.constant 224 : index
    %swap3A_514 = tpu.vector_load %arg7[%swap3A_512, %swap3A_513] {strides = array<i32>} : memref<4x1024xf32, #tpu.memory_space<vmem>>, vector<16xf32>,
    tpu.vector_store %arg7[%swap3A_512, %swap3A_513], %gather3A_510 {strides = array<i32>} : memref<4x1024xf32, #tpu.memory_space<vmem>>, vector<16xf32>,
    %add3A_515 = arith.constant 1024 : i32
    %add3A_516 = vector.broadcast %add3A_515 : i32 to vector<16xi32>
    %add3A_517 = arith.addi %get3A_506, %add3A_516 : vector<16xi32>
    %gather3A_518 = tpu.vector_load_idx %arg6[%add3A_517] : memref<4096xf32, #tpu.memory_space<vmem>>[vector<16xi32>], vector<16xf32>,
    %swap3A_519 = arith.constant 1 : i32
    %swap3A_520 = arith.index_cast %swap3A_519 : i32 to index
    %swap3A_521 = arith.constant 224 : index
    %swap3A_522 = tpu.vector_load %arg7[%swap3A_520, %swap3A_521] {strides = array<i32>} : memref<4x1024xf32, #tpu.memory_space<vmem>>, vector<16xf32>,
    tpu.vector_store %arg7[%swap3A_520, %swap3A_521], %gather3A_518 {strides = array<i32>} : memref<4x1024xf32, #tpu.memory_space<vmem>>, vector<16xf32>,
    %add3A_523 = arith.constant 2048 : i32
    %add3A_524 = vector.broadcast %add3A_523 : i32 to vector<16xi32>
    %add3A_525 = arith.addi %get3A_506, %add3A_524 : vector<16xi32>
    %gather3A_526 = tpu.vector_load_idx %arg6[%add3A_525] : memref<4096xf32, #tpu.memory_space<vmem>>[vector<16xi32>], vector<16xf32>,
    %swap3A_527 = arith.constant 2 : i32
    %swap3A_528 = arith.index_cast %swap3A_527 : i32 to index
    %swap3A_529 = arith.constant 224 : index
    %swap3A_530 = tpu.vector_load %arg7[%swap3A_528, %swap3A_529] {strides = array<i32>} : memref<4x1024xf32, #tpu.memory_space<vmem>>, vector<16xf32>,
    tpu.vector_store %arg7[%swap3A_528, %swap3A_529], %gather3A_526 {strides = array<i32>} : memref<4x1024xf32, #tpu.memory_space<vmem>>, vector<16xf32>,
    %add3A_531 = arith.constant 3072 : i32
    %add3A_532 = vector.broadcast %add3A_531 : i32 to vector<16xi32>
    %add3A_533 = arith.addi %get3A_506, %add3A_532 : vector<16xi32>
    %gather3A_534 = tpu.vector_load_idx %arg6[%add3A_533] : memref<4096xf32, #tpu.memory_space<vmem>>[vector<16xi32>], vector<16xf32>,
    %swap3A_535 = arith.constant 3 : i32
    %swap3A_536 = arith.index_cast %swap3A_535 : i32 to index
    %swap3A_537 = arith.constant 224 : index
    %swap3A_538 = tpu.vector_load %arg7[%swap3A_536, %swap3A_537] {strides = array<i32>} : memref<4x1024xf32, #tpu.memory_space<vmem>>, vector<16xf32>,
    tpu.vector_store %arg7[%swap3A_536, %swap3A_537], %gather3A_534 {strides = array<i32>} : memref<4x1024xf32, #tpu.memory_space<vmem>>, vector<16xf32>,
    %get3A_539 = arith.constant 240 : index
    %get3A_540 = tpu.vector_load %arg5[%get3A_539] {strides = array<i32>} : memref<1024xi32, #tpu.memory_space<vmem>>, vector<16xi32>,
    %add3A_541 = arith.constant 0 : i32
    %add3A_542 = vector.broadcast %add3A_541 : i32 to vector<16xi32>
    %add3A_543 = arith.addi %get3A_540, %add3A_542 : vector<16xi32>
    %gather3A_544 = tpu.vector_load_idx %arg6[%add3A_543] : memref<4096xf32, #tpu.memory_space<vmem>>[vector<16xi32>], vector<16xf32>,
    %swap3A_545 = arith.constant 0 : i32
    %swap3A_546 = arith.index_cast %swap3A_545 : i32 to index
    %swap3A_547 = arith.constant 240 : index
    %swap3A_548 = tpu.vector_load %arg7[%swap3A_546, %swap3A_547] {strides = array<i32>} : memref<4x1024xf32, #tpu.memory_space<vmem>>, vector<16xf32>,
    tpu.vector_store %arg7[%swap3A_546, %swap3A_547], %gather3A_544 {strides = array<i32>} : memref<4x1024xf32, #tpu.memory_space<vmem>>, vector<16xf32>,
    %add3A_549 = arith.constant 1024 : i32
    %add3A_550 = vector.broadcast %add3A_549 : i32 to vector<16xi32>
    %add3A_551 = arith.addi %get3A_540, %add3A_550 : vector<16xi32>
    %gather3A_552 = tpu.vector_load_idx %arg6[%add3A_551] : memref<4096xf32, #tpu.memory_space<vmem>>[vector<16xi32>], vector<16xf32>,
    %swap3A_553 = arith.constant 1 : i32
    %swap3A_554 = arith.index_cast %swap3A_553 : i32 to index
    %swap3A_555 = arith.constant 240 : index
    %swap3A_556 = tpu.vector_load %arg7[%swap3A_554, %swap3A_555] {strides = array<i32>} : memref<4x1024xf32, #tpu.memory_space<vmem>>, vector<16xf32>,
    tpu.vector_store %arg7[%swap3A_554, %swap3A_555], %gather3A_552 {strides = array<i32>} : memref<4x1024xf32, #tpu.memory_space<vmem>>, vector<16xf32>,
    %add3A_557 = arith.constant 2048 : i32
    %add3A_558 = vector.broadcast %add3A_557 : i32 to vector<16xi32>
    %add3A_559 = arith.addi %get3A_540, %add3A_558 : vector<16xi32>
    %gather3A_560 = tpu.vector_load_idx %arg6[%add3A_559] : memref<4096xf32, #tpu.memory_space<vmem>>[vector<16xi32>], vector<16xf32>,
    %swap3A_561 = arith.constant 2 : i32
    %swap3A_562 = arith.index_cast %swap3A_561 : i32 to index
    %swap3A_563 = arith.constant 240 : index
    %swap3A_564 = tpu.vector_load %arg7[%swap3A_562, %swap3A_563] {strides = array<i32>} : memref<4x1024xf32, #tpu.memory_space<vmem>>, vector<16xf32>,
    tpu.vector_store %arg7[%swap3A_562, %swap3A_563], %gather3A_560 {strides = array<i32>} : memref<4x1024xf32, #tpu.memory_space<vmem>>, vector<16xf32>,
    %add3A_565 = arith.constant 3072 : i32
    %add3A_566 = vector.broadcast %add3A_565 : i32 to vector<16xi32>
    %add3A_567 = arith.addi %get3A_540, %add3A_566 : vector<16xi32>
    %gather3A_568 = tpu.vector_load_idx %arg6[%add3A_567] : memref<4096xf32, #tpu.memory_space<vmem>>[vector<16xi32>], vector<16xf32>,
    %swap3A_569 = arith.constant 3 : i32
    %swap3A_570 = arith.index_cast %swap3A_569 : i32 to index
    %swap3A_571 = arith.constant 240 : index
    %swap3A_572 = tpu.vector_load %arg7[%swap3A_570, %swap3A_571] {strides = array<i32>} : memref<4x1024xf32, #tpu.memory_space<vmem>>, vector<16xf32>,
    tpu.vector_store %arg7[%swap3A_570, %swap3A_571], %gather3A_568 {strides = array<i32>} : memref<4x1024xf32, #tpu.memory_space<vmem>>, vector<16xf32>,
    %get3A_573 = arith.constant 256 : index
    %get3A_574 = tpu.vector_load %arg5[%get3A_573] {strides = array<i32>} : memref<1024xi32, #tpu.memory_space<vmem>>, vector<16xi32>,
    %add3A_575 = arith.constant 0 : i32
    %add3A_576 = vector.broadcast %add3A_575 : i32 to vector<16xi32>
    %add3A_577 = arith.addi %get3A_574, %add3A_576 : vector<16xi32>
    %gather3A_578 = tpu.vector_load_idx %arg6[%add3A_577] : memref<4096xf32, #tpu.memory_space<vmem>>[vector<16xi32>], vector<16xf32>,
    %swap3A_579 = arith.constant 0 : i32
    %swap3A_580 = arith.index_cast %swap3A_579 : i32 to index
    %swap3A_581 = arith.constant 256 : index
    %swap3A_582 = tpu.vector_load %arg7[%swap3A_580, %swap3A_581] {strides = array<i32>} : memref<4x1024xf32, #tpu.memory_space<vmem>>, vector<16xf32>,
    tpu.vector_store %arg7[%swap3A_580, %swap3A_581], %gather3A_578 {strides = array<i32>} : memref<4x1024xf32, #tpu.memory_space<vmem>>, vector<16xf32>,
    %add3A_583 = arith.constant 1024 : i32
    %add3A_584 = vector.broadcast %add3A_583 : i32 to vector<16xi32>
    %add3A_585 = arith.addi %get3A_574, %add3A_584 : vector<16xi32>
    %gather3A_586 = tpu.vector_load_idx %arg6[%add3A_585] : memref<4096xf32, #tpu.memory_space<vmem>>[vector<16xi32>], vector<16xf32>,
    %swap3A_587 = arith.constant 1 : i32
    %swap3A_588 = arith.index_cast %swap3A_587 : i32 to index
    %swap3A_589 = arith.constant 256 : index
    %swap3A_590 = tpu.vector_load %arg7[%swap3A_588, %swap3A_589] {strides = array<i32>} : memref<4x1024xf32, #tpu.memory_space<vmem>>, vector<16xf32>,
    tpu.vector_store %arg7[%swap3A_588, %swap3A_589], %gather3A_586 {strides = array<i32>} : memref<4x1024xf32, #tpu.memory_space<vmem>>, vector<16xf32>,
    %add3A_591 = arith.constant 2048 : i32
    %add3A_592 = vector.broadcast %add3A_591 : i32 to vector<16xi32>
    %add3A_593 = arith.addi %get3A_574, %add3A_592 : vector<16xi32>
    %gather3A_594 = tpu.vector_load_idx %arg6[%add3A_593] : memref<4096xf32, #tpu.memory_space<vmem>>[vector<16xi32>], vector<16xf32>,
    %swap3A_595 = arith.constant 2 : i32
    %swap3A_596 = arith.index_cast %swap3A_595 : i32 to index
    %swap3A_597 = arith.constant 256 : index
    %swap3A_598 = tpu.vector_load %arg7[%swap3A_596, %swap3A_597] {strides = array<i32>} : memref<4x1024xf32, #tpu.memory_space<vmem>>, vector<16xf32>,
    tpu.vector_store %arg7[%swap3A_596, %swap3A_597], %gather3A_594 {strides = array<i32>} : memref<4x1024xf32, #tpu.memory_space<vmem>>, vector<16xf32>,
    %add3A_599 = arith.constant 3072 : i32
    %add3A_600 = vector.broadcast %add3A_599 : i32 to vector<16xi32>
    %add3A_601 = arith.addi %get3A_574, %add3A_600 : vector<16xi32>
    %gather3A_602 = tpu.vector_load_idx %arg6[%add3A_601] : memref<4096xf32, #tpu.memory_space<vmem>>[vector<16xi32>], vector<16xf32>,
    %swap3A_603 = arith.constant 3 : i32
    %swap3A_604 = arith.index_cast %swap3A_603 : i32 to index
    %swap3A_605 = arith.constant 256 : index
    %swap3A_606 = tpu.vector_load %arg7[%swap3A_604, %swap3A_605] {strides = array<i32>} : memref<4x1024xf32, #tpu.memory_space<vmem>>, vector<16xf32>,
    tpu.vector_store %arg7[%swap3A_604, %swap3A_605], %gather3A_602 {strides = array<i32>} : memref<4x1024xf32, #tpu.memory_space<vmem>>, vector<16xf32>,
    %get3A_607 = arith.constant 272 : index
    %get3A_608 = tpu.vector_load %arg5[%get3A_607] {strides = array<i32>} : memref<1024xi32, #tpu.memory_space<vmem>>, vector<16xi32>,
    %add3A_609 = arith.constant 0 : i32
    %add3A_610 = vector.broadcast %add3A_609 : i32 to vector<16xi32>
    %add3A_611 = arith.addi %get3A_608, %add3A_610 : vector<16xi32>
    %gather3A_612 = tpu.vector_load_idx %arg6[%add3A_611] : memref<4096xf32, #tpu.memory_space<vmem>>[vector<16xi32>], vector<16xf32>,
    %swap3A_613 = arith.constant 0 : i32
    %swap3A_614 = arith.index_cast %swap3A_613 : i32 to index
    %swap3A_615 = arith.constant 272 : index
    %swap3A_616 = tpu.vector_load %arg7[%swap3A_614, %swap3A_615] {strides = array<i32>} : memref<4x1024xf32, #tpu.memory_space<vmem>>, vector<16xf32>,
    tpu.vector_store %arg7[%swap3A_614, %swap3A_615], %gather3A_612 {strides = array<i32>} : memref<4x1024xf32, #tpu.memory_space<vmem>>, vector<16xf32>,
    %add3A_617 = arith.constant 1024 : i32
    %add3A_618 = vector.broadcast %add3A_617 : i32 to vector<16xi32>
    %add3A_619 = arith.addi %get3A_608, %add3A_618 : vector<16xi32>
    %gather3A_620 = tpu.vector_load_idx %arg6[%add3A_619] : memref<4096xf32, #tpu.memory_space<vmem>>[vector<16xi32>], vector<16xf32>,
    %swap3A_621 = arith.constant 1 : i32
    %swap3A_622 = arith.index_cast %swap3A_621 : i32 to index
    %swap3A_623 = arith.constant 272 : index
    %swap3A_624 = tpu.vector_load %arg7[%swap3A_622, %swap3A_623] {strides = array<i32>} : memref<4x1024xf32, #tpu.memory_space<vmem>>, vector<16xf32>,
    tpu.vector_store %arg7[%swap3A_622, %swap3A_623], %gather3A_620 {strides = array<i32>} : memref<4x1024xf32, #tpu.memory_space<vmem>>, vector<16xf32>,
    %add3A_625 = arith.constant 2048 : i32
    %add3A_626 = vector.broadcast %add3A_625 : i32 to vector<16xi32>
    %add3A_627 = arith.addi %get3A_608, %add3A_626 : vector<16xi32>
    %gather3A_628 = tpu.vector_load_idx %arg6[%add3A_627] : memref<4096xf32, #tpu.memory_space<vmem>>[vector<16xi32>], vector<16xf32>,
    %swap3A_629 = arith.constant 2 : i32
    %swap3A_630 = arith.index_cast %swap3A_629 : i32 to index
    %swap3A_631 = arith.constant 272 : index
    %swap3A_632 = tpu.vector_load %arg7[%swap3A_630, %swap3A_631] {strides = array<i32>} : memref<4x1024xf32, #tpu.memory_space<vmem>>, vector<16xf32>,
    tpu.vector_store %arg7[%swap3A_630, %swap3A_631], %gather3A_628 {strides = array<i32>} : memref<4x1024xf32, #tpu.memory_space<vmem>>, vector<16xf32>,
    %add3A_633 = arith.constant 3072 : i32
    %add3A_634 = vector.broadcast %add3A_633 : i32 to vector<16xi32>
    %add3A_635 = arith.addi %get3A_608, %add3A_634 : vector<16xi32>
    %gather3A_636 = tpu.vector_load_idx %arg6[%add3A_635] : memref<4096xf32, #tpu.memory_space<vmem>>[vector<16xi32>], vector<16xf32>,
    %swap3A_637 = arith.constant 3 : i32
    %swap3A_638 = arith.index_cast %swap3A_637 : i32 to index
    %swap3A_639 = arith.constant 272 : index
    %swap3A_640 = tpu.vector_load %arg7[%swap3A_638, %swap3A_639] {strides = array<i32>} : memref<4x1024xf32, #tpu.memory_space<vmem>>, vector<16xf32>,
    tpu.vector_store %arg7[%swap3A_638, %swap3A_639], %gather3A_636 {strides = array<i32>} : memref<4x1024xf32, #tpu.memory_space<vmem>>, vector<16xf32>,
    %get3A_641 = arith.constant 288 : index
    %get3A_642 = tpu.vector_load %arg5[%get3A_641] {strides = array<i32>} : memref<1024xi32, #tpu.memory_space<vmem>>, vector<16xi32>,
    %add3A_643 = arith.constant 0 : i32
    %add3A_644 = vector.broadcast %add3A_643 : i32 to vector<16xi32>
    %add3A_645 = arith.addi %get3A_642, %add3A_644 : vector<16xi32>
    %gather3A_646 = tpu.vector_load_idx %arg6[%add3A_645] : memref<4096xf32, #tpu.memory_space<vmem>>[vector<16xi32>], vector<16xf32>,
    %swap3A_647 = arith.constant 0 : i32
    %swap3A_648 = arith.index_cast %swap3A_647 : i32 to index
    %swap3A_649 = arith.constant 288 : index
    %swap3A_650 = tpu.vector_load %arg7[%swap3A_648, %swap3A_649] {strides = array<i32>} : memref<4x1024xf32, #tpu.memory_space<vmem>>, vector<16xf32>,
    tpu.vector_store %arg7[%swap3A_648, %swap3A_649], %gather3A_646 {strides = array<i32>} : memref<4x1024xf32, #tpu.memory_space<vmem>>, vector<16xf32>,
    %add3A_651 = arith.constant 1024 : i32
    %add3A_652 = vector.broadcast %add3A_651 : i32 to vector<16xi32>
    %add3A_653 = arith.addi %get3A_642, %add3A_652 : vector<16xi32>
    %gather3A_654 = tpu.vector_load_idx %arg6[%add3A_653] : memref<4096xf32, #tpu.memory_space<vmem>>[vector<16xi32>], vector<16xf32>,
    %swap3A_655 = arith.constant 1 : i32
    %swap3A_656 = arith.index_cast %swap3A_655 : i32 to index
    %swap3A_657 = arith.constant 288 : index
    %swap3A_658 = tpu.vector_load %arg7[%swap3A_656, %swap3A_657] {strides = array<i32>} : memref<4x1024xf32, #tpu.memory_space<vmem>>, vector<16xf32>,
    tpu.vector_store %arg7[%swap3A_656, %swap3A_657], %gather3A_654 {strides = array<i32>} : memref<4x1024xf32, #tpu.memory_space<vmem>>, vector<16xf32>,
    %add3A_659 = arith.constant 2048 : i32
    %add3A_660 = vector.broadcast %add3A_659 : i32 to vector<16xi32>
    %add3A_661 = arith.addi %get3A_642, %add3A_660 : vector<16xi32>
    %gather3A_662 = tpu.vector_load_idx %arg6[%add3A_661] : memref<4096xf32, #tpu.memory_space<vmem>>[vector<16xi32>], vector<16xf32>,
    %swap3A_663 = arith.constant 2 : i32
    %swap3A_664 = arith.index_cast %swap3A_663 : i32 to index
    %swap3A_665 = arith.constant 288 : index
    %swap3A_666 = tpu.vector_load %arg7[%swap3A_664, %swap3A_665] {strides = array<i32>} : memref<4x1024xf32, #tpu.memory_space<vmem>>, vector<16xf32>,
    tpu.vector_store %arg7[%swap3A_664, %swap3A_665], %gather3A_662 {strides = array<i32>} : memref<4x1024xf32, #tpu.memory_space<vmem>>, vector<16xf32>,
    %add3A_667 = arith.constant 3072 : i32
    %add3A_668 = vector.broadcast %add3A_667 : i32 to vector<16xi32>
    %add3A_669 = arith.addi %get3A_642, %add3A_668 : vector<16xi32>
    %gather3A_670 = tpu.vector_load_idx %arg6[%add3A_669] : memref<4096xf32, #tpu.memory_space<vmem>>[vector<16xi32>], vector<16xf32>,
    %swap3A_671 = arith.constant 3 : i32
    %swap3A_672 = arith.index_cast %swap3A_671 : i32 to index
    %swap3A_673 = arith.constant 288 : index
    %swap3A_674 = tpu.vector_load %arg7[%swap3A_672, %swap3A_673] {strides = array<i32>} : memref<4x1024xf32, #tpu.memory_space<vmem>>, vector<16xf32>,
    tpu.vector_store %arg7[%swap3A_672, %swap3A_673], %gather3A_670 {strides = array<i32>} : memref<4x1024xf32, #tpu.memory_space<vmem>>, vector<16xf32>,
    %get3A_675 = arith.constant 304 : index
    %get3A_676 = tpu.vector_load %arg5[%get3A_675] {strides = array<i32>} : memref<1024xi32, #tpu.memory_space<vmem>>, vector<16xi32>,
    %add3A_677 = arith.constant 0 : i32
    %add3A_678 = vector.broadcast %add3A_677 : i32 to vector<16xi32>
    %add3A_679 = arith.addi %get3A_676, %add3A_678 : vector<16xi32>
    %gather3A_680 = tpu.vector_load_idx %arg6[%add3A_679] : memref<4096xf32, #tpu.memory_space<vmem>>[vector<16xi32>], vector<16xf32>,
    %swap3A_681 = arith.constant 0 : i32
    %swap3A_682 = arith.index_cast %swap3A_681 : i32 to index
    %swap3A_683 = arith.constant 304 : index
    %swap3A_684 = tpu.vector_load %arg7[%swap3A_682, %swap3A_683] {strides = array<i32>} : memref<4x1024xf32, #tpu.memory_space<vmem>>, vector<16xf32>,
    tpu.vector_store %arg7[%swap3A_682, %swap3A_683], %gather3A_680 {strides = array<i32>} : memref<4x1024xf32, #tpu.memory_space<vmem>>, vector<16xf32>,
    %add3A_685 = arith.constant 1024 : i32
    %add3A_686 = vector.broadcast %add3A_685 : i32 to vector<16xi32>
    %add3A_687 = arith.addi %get3A_676, %add3A_686 : vector<16xi32>
    %gather3A_688 = tpu.vector_load_idx %arg6[%add3A_687] : memref<4096xf32, #tpu.memory_space<vmem>>[vector<16xi32>], vector<16xf32>,
    %swap3A_689 = arith.constant 1 : i32
    %swap3A_690 = arith.index_cast %swap3A_689 : i32 to index
    %swap3A_691 = arith.constant 304 : index
    %swap3A_692 = tpu.vector_load %arg7[%swap3A_690, %swap3A_691] {strides = array<i32>} : memref<4x1024xf32, #tpu.memory_space<vmem>>, vector<16xf32>,
    tpu.vector_store %arg7[%swap3A_690, %swap3A_691], %gather3A_688 {strides = array<i32>} : memref<4x1024xf32, #tpu.memory_space<vmem>>, vector<16xf32>,
    %add3A_693 = arith.constant 2048 : i32
    %add3A_694 = vector.broadcast %add3A_693 : i32 to vector<16xi32>
    %add3A_695 = arith.addi %get3A_676, %add3A_694 : vector<16xi32>
    %gather3A_696 = tpu.vector_load_idx %arg6[%add3A_695] : memref<4096xf32, #tpu.memory_space<vmem>>[vector<16xi32>], vector<16xf32>,
    %swap3A_697 = arith.constant 2 : i32
    %swap3A_698 = arith.index_cast %swap3A_697 : i32 to index
    %swap3A_699 = arith.constant 304 : index
    %swap3A_700 = tpu.vector_load %arg7[%swap3A_698, %swap3A_699] {strides = array<i32>} : memref<4x1024xf32, #tpu.memory_space<vmem>>, vector<16xf32>,
    tpu.vector_store %arg7[%swap3A_698, %swap3A_699], %gather3A_696 {strides = array<i32>} : memref<4x1024xf32, #tpu.memory_space<vmem>>, vector<16xf32>,
    %add3A_701 = arith.constant 3072 : i32
    %add3A_702 = vector.broadcast %add3A_701 : i32 to vector<16xi32>
    %add3A_703 = arith.addi %get3A_676, %add3A_702 : vector<16xi32>
    %gather3A_704 = tpu.vector_load_idx %arg6[%add3A_703] : memref<4096xf32, #tpu.memory_space<vmem>>[vector<16xi32>], vector<16xf32>,
    %swap3A_705 = arith.constant 3 : i32
    %swap3A_706 = arith.index_cast %swap3A_705 : i32 to index
    %swap3A_707 = arith.constant 304 : index
    %swap3A_708 = tpu.vector_load %arg7[%swap3A_706, %swap3A_707] {strides = array<i32>} : memref<4x1024xf32, #tpu.memory_space<vmem>>, vector<16xf32>,
    tpu.vector_store %arg7[%swap3A_706, %swap3A_707], %gather3A_704 {strides = array<i32>} : memref<4x1024xf32, #tpu.memory_space<vmem>>, vector<16xf32>,
    %get3A_709 = arith.constant 320 : index
    %get3A_710 = tpu.vector_load %arg5[%get3A_709] {strides = array<i32>} : memref<1024xi32, #tpu.memory_space<vmem>>, vector<16xi32>,
    %add3A_711 = arith.constant 0 : i32
    %add3A_712 = vector.broadcast %add3A_711 : i32 to vector<16xi32>
    %add3A_713 = arith.addi %get3A_710, %add3A_712 : vector<16xi32>
    %gather3A_714 = tpu.vector_load_idx %arg6[%add3A_713] : memref<4096xf32, #tpu.memory_space<vmem>>[vector<16xi32>], vector<16xf32>,
    %swap3A_715 = arith.constant 0 : i32
    %swap3A_716 = arith.index_cast %swap3A_715 : i32 to index
    %swap3A_717 = arith.constant 320 : index
    %swap3A_718 = tpu.vector_load %arg7[%swap3A_716, %swap3A_717] {strides = array<i32>} : memref<4x1024xf32, #tpu.memory_space<vmem>>, vector<16xf32>,
    tpu.vector_store %arg7[%swap3A_716, %swap3A_717], %gather3A_714 {strides = array<i32>} : memref<4x1024xf32, #tpu.memory_space<vmem>>, vector<16xf32>,
    %add3A_719 = arith.constant 1024 : i32
    %add3A_720 = vector.broadcast %add3A_719 : i32 to vector<16xi32>
    %add3A_721 = arith.addi %get3A_710, %add3A_720 : vector<16xi32>
    %gather3A_722 = tpu.vector_load_idx %arg6[%add3A_721] : memref<4096xf32, #tpu.memory_space<vmem>>[vector<16xi32>], vector<16xf32>,
    %swap3A_723 = arith.constant 1 : i32
    %swap3A_724 = arith.index_cast %swap3A_723 : i32 to index
    %swap3A_725 = arith.constant 320 : index
    %swap3A_726 = tpu.vector_load %arg7[%swap3A_724, %swap3A_725] {strides = array<i32>} : memref<4x1024xf32, #tpu.memory_space<vmem>>, vector<16xf32>,
    tpu.vector_store %arg7[%swap3A_724, %swap3A_725], %gather3A_722 {strides = array<i32>} : memref<4x1024xf32, #tpu.memory_space<vmem>>, vector<16xf32>,
    %add3A_727 = arith.constant 2048 : i32
    %add3A_728 = vector.broadcast %add3A_727 : i32 to vector<16xi32>
    %add3A_729 = arith.addi %get3A_710, %add3A_728 : vector<16xi32>
    %gather3A_730 = tpu.vector_load_idx %arg6[%add3A_729] : memref<4096xf32, #tpu.memory_space<vmem>>[vector<16xi32>], vector<16xf32>,
    %swap3A_731 = arith.constant 2 : i32
    %swap3A_732 = arith.index_cast %swap3A_731 : i32 to index
    %swap3A_733 = arith.constant 320 : index
    %swap3A_734 = tpu.vector_load %arg7[%swap3A_732, %swap3A_733] {strides = array<i32>} : memref<4x1024xf32, #tpu.memory_space<vmem>>, vector<16xf32>,
    tpu.vector_store %arg7[%swap3A_732, %swap3A_733], %gather3A_730 {strides = array<i32>} : memref<4x1024xf32, #tpu.memory_space<vmem>>, vector<16xf32>,
    %add3A_735 = arith.constant 3072 : i32
    %add3A_736 = vector.broadcast %add3A_735 : i32 to vector<16xi32>
    %add3A_737 = arith.addi %get3A_710, %add3A_736 : vector<16xi32>
    %gather3A_738 = tpu.vector_load_idx %arg6[%add3A_737] : memref<4096xf32, #tpu.memory_space<vmem>>[vector<16xi32>], vector<16xf32>,
    %swap3A_739 = arith.constant 3 : i32
    %swap3A_740 = arith.index_cast %swap3A_739 : i32 to index
    %swap3A_741 = arith.constant 320 : index
    %swap3A_742 = tpu.vector_load %arg7[%swap3A_740, %swap3A_741] {strides = array<i32>} : memref<4x1024xf32, #tpu.memory_space<vmem>>, vector<16xf32>,
    tpu.vector_store %arg7[%swap3A_740, %swap3A_741], %gather3A_738 {strides = array<i32>} : memref<4x1024xf32, #tpu.memory_space<vmem>>, vector<16xf32>,
    %get3A_743 = arith.constant 336 : index
    %get3A_744 = tpu.vector_load %arg5[%get3A_743] {strides = array<i32>} : memref<1024xi32, #tpu.memory_space<vmem>>, vector<16xi32>,
    %add3A_745 = arith.constant 0 : i32
    %add3A_746 = vector.broadcast %add3A_745 : i32 to vector<16xi32>
    %add3A_747 = arith.addi %get3A_744, %add3A_746 : vector<16xi32>
    %gather3A_748 = tpu.vector_load_idx %arg6[%add3A_747] : memref<4096xf32, #tpu.memory_space<vmem>>[vector<16xi32>], vector<16xf32>,
    %swap3A_749 = arith.constant 0 : i32
    %swap3A_750 = arith.index_cast %swap3A_749 : i32 to index
    %swap3A_751 = arith.constant 336 : index
    %swap3A_752 = tpu.vector_load %arg7[%swap3A_750, %swap3A_751] {strides = array<i32>} : memref<4x1024xf32, #tpu.memory_space<vmem>>, vector<16xf32>,
    tpu.vector_store %arg7[%swap3A_750, %swap3A_751], %gather3A_748 {strides = array<i32>} : memref<4x1024xf32, #tpu.memory_space<vmem>>, vector<16xf32>,
    %add3A_753 = arith.constant 1024 : i32
    %add3A_754 = vector.broadcast %add3A_753 : i32 to vector<16xi32>
    %add3A_755 = arith.addi %get3A_744, %add3A_754 : vector<16xi32>
    %gather3A_756 = tpu.vector_load_idx %arg6[%add3A_755] : memref<4096xf32, #tpu.memory_space<vmem>>[vector<16xi32>], vector<16xf32>,
    %swap3A_757 = arith.constant 1 : i32
    %swap3A_758 = arith.index_cast %swap3A_757 : i32 to index
    %swap3A_759 = arith.constant 336 : index
    %swap3A_760 = tpu.vector_load %arg7[%swap3A_758, %swap3A_759] {strides = array<i32>} : memref<4x1024xf32, #tpu.memory_space<vmem>>, vector<16xf32>,
    tpu.vector_store %arg7[%swap3A_758, %swap3A_759], %gather3A_756 {strides = array<i32>} : memref<4x1024xf32, #tpu.memory_space<vmem>>, vector<16xf32>,
    %add3A_761 = arith.constant 2048 : i32
    %add3A_762 = vector.broadcast %add3A_761 : i32 to vector<16xi32>
    %add3A_763 = arith.addi %get3A_744, %add3A_762 : vector<16xi32>
    %gather3A_764 = tpu.vector_load_idx %arg6[%add3A_763] : memref<4096xf32, #tpu.memory_space<vmem>>[vector<16xi32>], vector<16xf32>,
    %swap3A_765 = arith.constant 2 : i32
    %swap3A_766 = arith.index_cast %swap3A_765 : i32 to index
    %swap3A_767 = arith.constant 336 : index
    %swap3A_768 = tpu.vector_load %arg7[%swap3A_766, %swap3A_767] {strides = array<i32>} : memref<4x1024xf32, #tpu.memory_space<vmem>>, vector<16xf32>,
    tpu.vector_store %arg7[%swap3A_766, %swap3A_767], %gather3A_764 {strides = array<i32>} : memref<4x1024xf32, #tpu.memory_space<vmem>>, vector<16xf32>,
    %add3A_769 = arith.constant 3072 : i32
    %add3A_770 = vector.broadcast %add3A_769 : i32 to vector<16xi32>
    %add3A_771 = arith.addi %get3A_744, %add3A_770 : vector<16xi32>
    %gather3A_772 = tpu.vector_load_idx %arg6[%add3A_771] : memref<4096xf32, #tpu.memory_space<vmem>>[vector<16xi32>], vector<16xf32>,
    %swap3A_773 = arith.constant 3 : i32
    %swap3A_774 = arith.index_cast %swap3A_773 : i32 to index
    %swap3A_775 = arith.constant 336 : index
    %swap3A_776 = tpu.vector_load %arg7[%swap3A_774, %swap3A_775] {strides = array<i32>} : memref<4x1024xf32, #tpu.memory_space<vmem>>, vector<16xf32>,
    tpu.vector_store %arg7[%swap3A_774, %swap3A_775], %gather3A_772 {strides = array<i32>} : memref<4x1024xf32, #tpu.memory_space<vmem>>, vector<16xf32>,
    %get3A_777 = arith.constant 352 : index
    %get3A_778 = tpu.vector_load %arg5[%get3A_777] {strides = array<i32>} : memref<1024xi32, #tpu.memory_space<vmem>>, vector<16xi32>,
    %add3A_779 = arith.constant 0 : i32
    %add3A_780 = vector.broadcast %add3A_779 : i32 to vector<16xi32>
    %add3A_781 = arith.addi %get3A_778, %add3A_780 : vector<16xi32>
    %gather3A_782 = tpu.vector_load_idx %arg6[%add3A_781] : memref<4096xf32, #tpu.memory_space<vmem>>[vector<16xi32>], vector<16xf32>,
    %swap3A_783 = arith.constant 0 : i32
    %swap3A_784 = arith.index_cast %swap3A_783 : i32 to index
    %swap3A_785 = arith.constant 352 : index
    %swap3A_786 = tpu.vector_load %arg7[%swap3A_784, %swap3A_785] {strides = array<i32>} : memref<4x1024xf32, #tpu.memory_space<vmem>>, vector<16xf32>,
    tpu.vector_store %arg7[%swap3A_784, %swap3A_785], %gather3A_782 {strides = array<i32>} : memref<4x1024xf32, #tpu.memory_space<vmem>>, vector<16xf32>,
    %add3A_787 = arith.constant 1024 : i32
    %add3A_788 = vector.broadcast %add3A_787 : i32 to vector<16xi32>
    %add3A_789 = arith.addi %get3A_778, %add3A_788 : vector<16xi32>
    %gather3A_790 = tpu.vector_load_idx %arg6[%add3A_789] : memref<4096xf32, #tpu.memory_space<vmem>>[vector<16xi32>], vector<16xf32>,
    %swap3A_791 = arith.constant 1 : i32
    %swap3A_792 = arith.index_cast %swap3A_791 : i32 to index
    %swap3A_793 = arith.constant 352 : index
    %swap3A_794 = tpu.vector_load %arg7[%swap3A_792, %swap3A_793] {strides = array<i32>} : memref<4x1024xf32, #tpu.memory_space<vmem>>, vector<16xf32>,
    tpu.vector_store %arg7[%swap3A_792, %swap3A_793], %gather3A_790 {strides = array<i32>} : memref<4x1024xf32, #tpu.memory_space<vmem>>, vector<16xf32>,
    %add3A_795 = arith.constant 2048 : i32
    %add3A_796 = vector.broadcast %add3A_795 : i32 to vector<16xi32>
    %add3A_797 = arith.addi %get3A_778, %add3A_796 : vector<16xi32>
    %gather3A_798 = tpu.vector_load_idx %arg6[%add3A_797] : memref<4096xf32, #tpu.memory_space<vmem>>[vector<16xi32>], vector<16xf32>,
    %swap3A_799 = arith.constant 2 : i32
    %swap3A_800 = arith.index_cast %swap3A_799 : i32 to index
    %swap3A_801 = arith.constant 352 : index
    %swap3A_802 = tpu.vector_load %arg7[%swap3A_800, %swap3A_801] {strides = array<i32>} : memref<4x1024xf32, #tpu.memory_space<vmem>>, vector<16xf32>,
    tpu.vector_store %arg7[%swap3A_800, %swap3A_801], %gather3A_798 {strides = array<i32>} : memref<4x1024xf32, #tpu.memory_space<vmem>>, vector<16xf32>,
    %add3A_803 = arith.constant 3072 : i32
    %add3A_804 = vector.broadcast %add3A_803 : i32 to vector<16xi32>
    %add3A_805 = arith.addi %get3A_778, %add3A_804 : vector<16xi32>
    %gather3A_806 = tpu.vector_load_idx %arg6[%add3A_805] : memref<4096xf32, #tpu.memory_space<vmem>>[vector<16xi32>], vector<16xf32>,
    %swap3A_807 = arith.constant 3 : i32
    %swap3A_808 = arith.index_cast %swap3A_807 : i32 to index
    %swap3A_809 = arith.constant 352 : index
    %swap3A_810 = tpu.vector_load %arg7[%swap3A_808, %swap3A_809] {strides = array<i32>} : memref<4x1024xf32, #tpu.memory_space<vmem>>, vector<16xf32>,
    tpu.vector_store %arg7[%swap3A_808, %swap3A_809], %gather3A_806 {strides = array<i32>} : memref<4x1024xf32, #tpu.memory_space<vmem>>, vector<16xf32>,
    %get3A_811 = arith.constant 368 : index
    %get3A_812 = tpu.vector_load %arg5[%get3A_811] {strides = array<i32>} : memref<1024xi32, #tpu.memory_space<vmem>>, vector<16xi32>,
    %add3A_813 = arith.constant 0 : i32
    %add3A_814 = vector.broadcast %add3A_813 : i32 to vector<16xi32>
    %add3A_815 = arith.addi %get3A_812, %add3A_814 : vector<16xi32>
    %gather3A_816 = tpu.vector_load_idx %arg6[%add3A_815] : memref<4096xf32, #tpu.memory_space<vmem>>[vector<16xi32>], vector<16xf32>,
    %swap3A_817 = arith.constant 0 : i32
    %swap3A_818 = arith.index_cast %swap3A_817 : i32 to index
    %swap3A_819 = arith.constant 368 : index
    %swap3A_820 = tpu.vector_load %arg7[%swap3A_818, %swap3A_819] {strides = array<i32>} : memref<4x1024xf32, #tpu.memory_space<vmem>>, vector<16xf32>,
    tpu.vector_store %arg7[%swap3A_818, %swap3A_819], %gather3A_816 {strides = array<i32>} : memref<4x1024xf32, #tpu.memory_space<vmem>>, vector<16xf32>,
    %add3A_821 = arith.constant 1024 : i32
    %add3A_822 = vector.broadcast %add3A_821 : i32 to vector<16xi32>
    %add3A_823 = arith.addi %get3A_812, %add3A_822 : vector<16xi32>
    %gather3A_824 = tpu.vector_load_idx %arg6[%add3A_823] : memref<4096xf32, #tpu.memory_space<vmem>>[vector<16xi32>], vector<16xf32>,
    %swap3A_825 = arith.constant 1 : i32
    %swap3A_826 = arith.index_cast %swap3A_825 : i32 to index
    %swap3A_827 = arith.constant 368 : index
    %swap3A_828 = tpu.vector_load %arg7[%swap3A_826, %swap3A_827] {strides = array<i32>} : memref<4x1024xf32, #tpu.memory_space<vmem>>, vector<16xf32>,
    tpu.vector_store %arg7[%swap3A_826, %swap3A_827], %gather3A_824 {strides = array<i32>} : memref<4x1024xf32, #tpu.memory_space<vmem>>, vector<16xf32>,
    %add3A_829 = arith.constant 2048 : i32
    %add3A_830 = vector.broadcast %add3A_829 : i32 to vector<16xi32>
    %add3A_831 = arith.addi %get3A_812, %add3A_830 : vector<16xi32>
    %gather3A_832 = tpu.vector_load_idx %arg6[%add3A_831] : memref<4096xf32, #tpu.memory_space<vmem>>[vector<16xi32>], vector<16xf32>,
    %swap3A_833 = arith.constant 2 : i32
    %swap3A_834 = arith.index_cast %swap3A_833 : i32 to index
    %swap3A_835 = arith.constant 368 : index
    %swap3A_836 = tpu.vector_load %arg7[%swap3A_834, %swap3A_835] {strides = array<i32>} : memref<4x1024xf32, #tpu.memory_space<vmem>>, vector<16xf32>,
    tpu.vector_store %arg7[%swap3A_834, %swap3A_835], %gather3A_832 {strides = array<i32>} : memref<4x1024xf32, #tpu.memory_space<vmem>>, vector<16xf32>,
    %add3A_837 = arith.constant 3072 : i32
    %add3A_838 = vector.broadcast %add3A_837 : i32 to vector<16xi32>
    %add3A_839 = arith.addi %get3A_812, %add3A_838 : vector<16xi32>
    %gather3A_840 = tpu.vector_load_idx %arg6[%add3A_839] : memref<4096xf32, #tpu.memory_space<vmem>>[vector<16xi32>], vector<16xf32>,
    %swap3A_841 = arith.constant 3 : i32
    %swap3A_842 = arith.index_cast %swap3A_841 : i32 to index
    %swap3A_843 = arith.constant 368 : index
    %swap3A_844 = tpu.vector_load %arg7[%swap3A_842, %swap3A_843] {strides = array<i32>} : memref<4x1024xf32, #tpu.memory_space<vmem>>, vector<16xf32>,
    tpu.vector_store %arg7[%swap3A_842, %swap3A_843], %gather3A_840 {strides = array<i32>} : memref<4x1024xf32, #tpu.memory_space<vmem>>, vector<16xf32>,
    %get3A_845 = arith.constant 384 : index
    %get3A_846 = tpu.vector_load %arg5[%get3A_845] {strides = array<i32>} : memref<1024xi32, #tpu.memory_space<vmem>>, vector<16xi32>,
    %add3A_847 = arith.constant 0 : i32
    %add3A_848 = vector.broadcast %add3A_847 : i32 to vector<16xi32>
    %add3A_849 = arith.addi %get3A_846, %add3A_848 : vector<16xi32>
    %gather3A_850 = tpu.vector_load_idx %arg6[%add3A_849] : memref<4096xf32, #tpu.memory_space<vmem>>[vector<16xi32>], vector<16xf32>,
    %swap3A_851 = arith.constant 0 : i32
    %swap3A_852 = arith.index_cast %swap3A_851 : i32 to index
    %swap3A_853 = arith.constant 384 : index
    %swap3A_854 = tpu.vector_load %arg7[%swap3A_852, %swap3A_853] {strides = array<i32>} : memref<4x1024xf32, #tpu.memory_space<vmem>>, vector<16xf32>,
    tpu.vector_store %arg7[%swap3A_852, %swap3A_853], %gather3A_850 {strides = array<i32>} : memref<4x1024xf32, #tpu.memory_space<vmem>>, vector<16xf32>,
    %add3A_855 = arith.constant 1024 : i32
    %add3A_856 = vector.broadcast %add3A_855 : i32 to vector<16xi32>
    %add3A_857 = arith.addi %get3A_846, %add3A_856 : vector<16xi32>
    %gather3A_858 = tpu.vector_load_idx %arg6[%add3A_857] : memref<4096xf32, #tpu.memory_space<vmem>>[vector<16xi32>], vector<16xf32>,
    %swap3A_859 = arith.constant 1 : i32
    %swap3A_860 = arith.index_cast %swap3A_859 : i32 to index
    %swap3A_861 = arith.constant 384 : index
    %swap3A_862 = tpu.vector_load %arg7[%swap3A_860, %swap3A_861] {strides = array<i32>} : memref<4x1024xf32, #tpu.memory_space<vmem>>, vector<16xf32>,
    tpu.vector_store %arg7[%swap3A_860, %swap3A_861], %gather3A_858 {strides = array<i32>} : memref<4x1024xf32, #tpu.memory_space<vmem>>, vector<16xf32>,
    %add3A_863 = arith.constant 2048 : i32
    %add3A_864 = vector.broadcast %add3A_863 : i32 to vector<16xi32>
    %add3A_865 = arith.addi %get3A_846, %add3A_864 : vector<16xi32>
    %gather3A_866 = tpu.vector_load_idx %arg6[%add3A_865] : memref<4096xf32, #tpu.memory_space<vmem>>[vector<16xi32>], vector<16xf32>,
    %swap3A_867 = arith.constant 2 : i32
    %swap3A_868 = arith.index_cast %swap3A_867 : i32 to index
    %swap3A_869 = arith.constant 384 : index
    %swap3A_870 = tpu.vector_load %arg7[%swap3A_868, %swap3A_869] {strides = array<i32>} : memref<4x1024xf32, #tpu.memory_space<vmem>>, vector<16xf32>,
    tpu.vector_store %arg7[%swap3A_868, %swap3A_869], %gather3A_866 {strides = array<i32>} : memref<4x1024xf32, #tpu.memory_space<vmem>>, vector<16xf32>,
    %add3A_871 = arith.constant 3072 : i32
    %add3A_872 = vector.broadcast %add3A_871 : i32 to vector<16xi32>
    %add3A_873 = arith.addi %get3A_846, %add3A_872 : vector<16xi32>
    %gather3A_874 = tpu.vector_load_idx %arg6[%add3A_873] : memref<4096xf32, #tpu.memory_space<vmem>>[vector<16xi32>], vector<16xf32>,
    %swap3A_875 = arith.constant 3 : i32
    %swap3A_876 = arith.index_cast %swap3A_875 : i32 to index
    %swap3A_877 = arith.constant 384 : index
    %swap3A_878 = tpu.vector_load %arg7[%swap3A_876, %swap3A_877] {strides = array<i32>} : memref<4x1024xf32, #tpu.memory_space<vmem>>, vector<16xf32>,
    tpu.vector_store %arg7[%swap3A_876, %swap3A_877], %gather3A_874 {strides = array<i32>} : memref<4x1024xf32, #tpu.memory_space<vmem>>, vector<16xf32>,
    %get3A_879 = arith.constant 400 : index
    %get3A_880 = tpu.vector_load %arg5[%get3A_879] {strides = array<i32>} : memref<1024xi32, #tpu.memory_space<vmem>>, vector<16xi32>,
    %add3A_881 = arith.constant 0 : i32
    %add3A_882 = vector.broadcast %add3A_881 : i32 to vector<16xi32>
    %add3A_883 = arith.addi %get3A_880, %add3A_882 : vector<16xi32>
    %gather3A_884 = tpu.vector_load_idx %arg6[%add3A_883] : memref<4096xf32, #tpu.memory_space<vmem>>[vector<16xi32>], vector<16xf32>,
    %swap3A_885 = arith.constant 0 : i32
    %swap3A_886 = arith.index_cast %swap3A_885 : i32 to index
    %swap3A_887 = arith.constant 400 : index
    %swap3A_888 = tpu.vector_load %arg7[%swap3A_886, %swap3A_887] {strides = array<i32>} : memref<4x1024xf32, #tpu.memory_space<vmem>>, vector<16xf32>,
    tpu.vector_store %arg7[%swap3A_886, %swap3A_887], %gather3A_884 {strides = array<i32>} : memref<4x1024xf32, #tpu.memory_space<vmem>>, vector<16xf32>,
    %add3A_889 = arith.constant 1024 : i32
    %add3A_890 = vector.broadcast %add3A_889 : i32 to vector<16xi32>
    %add3A_891 = arith.addi %get3A_880, %add3A_890 : vector<16xi32>
    %gather3A_892 = tpu.vector_load_idx %arg6[%add3A_891] : memref<4096xf32, #tpu.memory_space<vmem>>[vector<16xi32>], vector<16xf32>,
    %swap3A_893 = arith.constant 1 : i32
    %swap3A_894 = arith.index_cast %swap3A_893 : i32 to index
    %swap3A_895 = arith.constant 400 : index
    %swap3A_896 = tpu.vector_load %arg7[%swap3A_894, %swap3A_895] {strides = array<i32>} : memref<4x1024xf32, #tpu.memory_space<vmem>>, vector<16xf32>,
    tpu.vector_store %arg7[%swap3A_894, %swap3A_895], %gather3A_892 {strides = array<i32>} : memref<4x1024xf32, #tpu.memory_space<vmem>>, vector<16xf32>,
    %add3A_897 = arith.constant 2048 : i32
    %add3A_898 = vector.broadcast %add3A_897 : i32 to vector<16xi32>
    %add3A_899 = arith.addi %get3A_880, %add3A_898 : vector<16xi32>
    %gather3A_900 = tpu.vector_load_idx %arg6[%add3A_899] : memref<4096xf32, #tpu.memory_space<vmem>>[vector<16xi32>], vector<16xf32>,
    %swap3A_901 = arith.constant 2 : i32
    %swap3A_902 = arith.index_cast %swap3A_901 : i32 to index
    %swap3A_903 = arith.constant 400 : index
    %swap3A_904 = tpu.vector_load %arg7[%swap3A_902, %swap3A_903] {strides = array<i32>} : memref<4x1024xf32, #tpu.memory_space<vmem>>, vector<16xf32>,
    tpu.vector_store %arg7[%swap3A_902, %swap3A_903], %gather3A_900 {strides = array<i32>} : memref<4x1024xf32, #tpu.memory_space<vmem>>, vector<16xf32>,
    %add3A_905 = arith.constant 3072 : i32
    %add3A_906 = vector.broadcast %add3A_905 : i32 to vector<16xi32>
    %add3A_907 = arith.addi %get3A_880, %add3A_906 : vector<16xi32>
    %gather3A_908 = tpu.vector_load_idx %arg6[%add3A_907] : memref<4096xf32, #tpu.memory_space<vmem>>[vector<16xi32>], vector<16xf32>,
    %swap3A_909 = arith.constant 3 : i32
    %swap3A_910 = arith.index_cast %swap3A_909 : i32 to index
    %swap3A_911 = arith.constant 400 : index
    %swap3A_912 = tpu.vector_load %arg7[%swap3A_910, %swap3A_911] {strides = array<i32>} : memref<4x1024xf32, #tpu.memory_space<vmem>>, vector<16xf32>,
    tpu.vector_store %arg7[%swap3A_910, %swap3A_911], %gather3A_908 {strides = array<i32>} : memref<4x1024xf32, #tpu.memory_space<vmem>>, vector<16xf32>,
    %get3A_913 = arith.constant 416 : index
    %get3A_914 = tpu.vector_load %arg5[%get3A_913] {strides = array<i32>} : memref<1024xi32, #tpu.memory_space<vmem>>, vector<16xi32>,
    %add3A_915 = arith.constant 0 : i32
    %add3A_916 = vector.broadcast %add3A_915 : i32 to vector<16xi32>
    %add3A_917 = arith.addi %get3A_914, %add3A_916 : vector<16xi32>
    %gather3A_918 = tpu.vector_load_idx %arg6[%add3A_917] : memref<4096xf32, #tpu.memory_space<vmem>>[vector<16xi32>], vector<16xf32>,
    %swap3A_919 = arith.constant 0 : i32
    %swap3A_920 = arith.index_cast %swap3A_919 : i32 to index
    %swap3A_921 = arith.constant 416 : index
    %swap3A_922 = tpu.vector_load %arg7[%swap3A_920, %swap3A_921] {strides = array<i32>} : memref<4x1024xf32, #tpu.memory_space<vmem>>, vector<16xf32>,
    tpu.vector_store %arg7[%swap3A_920, %swap3A_921], %gather3A_918 {strides = array<i32>} : memref<4x1024xf32, #tpu.memory_space<vmem>>, vector<16xf32>,
    %add3A_923 = arith.constant 1024 : i32
    %add3A_924 = vector.broadcast %add3A_923 : i32 to vector<16xi32>
    %add3A_925 = arith.addi %get3A_914, %add3A_924 : vector<16xi32>
    %gather3A_926 = tpu.vector_load_idx %arg6[%add3A_925] : memref<4096xf32, #tpu.memory_space<vmem>>[vector<16xi32>], vector<16xf32>,
    %swap3A_927 = arith.constant 1 : i32
    %swap3A_928 = arith.index_cast %swap3A_927 : i32 to index
    %swap3A_929 = arith.constant 416 : index
    %swap3A_930 = tpu.vector_load %arg7[%swap3A_928, %swap3A_929] {strides = array<i32>} : memref<4x1024xf32, #tpu.memory_space<vmem>>, vector<16xf32>,
    tpu.vector_store %arg7[%swap3A_928, %swap3A_929], %gather3A_926 {strides = array<i32>} : memref<4x1024xf32, #tpu.memory_space<vmem>>, vector<16xf32>,
    %add3A_931 = arith.constant 2048 : i32
    %add3A_932 = vector.broadcast %add3A_931 : i32 to vector<16xi32>
    %add3A_933 = arith.addi %get3A_914, %add3A_932 : vector<16xi32>
    %gather3A_934 = tpu.vector_load_idx %arg6[%add3A_933] : memref<4096xf32, #tpu.memory_space<vmem>>[vector<16xi32>], vector<16xf32>,
    %swap3A_935 = arith.constant 2 : i32
    %swap3A_936 = arith.index_cast %swap3A_935 : i32 to index
    %swap3A_937 = arith.constant 416 : index
    %swap3A_938 = tpu.vector_load %arg7[%swap3A_936, %swap3A_937] {strides = array<i32>} : memref<4x1024xf32, #tpu.memory_space<vmem>>, vector<16xf32>,
    tpu.vector_store %arg7[%swap3A_936, %swap3A_937], %gather3A_934 {strides = array<i32>} : memref<4x1024xf32, #tpu.memory_space<vmem>>, vector<16xf32>,
    %add3A_939 = arith.constant 3072 : i32
    %add3A_940 = vector.broadcast %add3A_939 : i32 to vector<16xi32>
    %add3A_941 = arith.addi %get3A_914, %add3A_940 : vector<16xi32>
    %gather3A_942 = tpu.vector_load_idx %arg6[%add3A_941] : memref<4096xf32, #tpu.memory_space<vmem>>[vector<16xi32>], vector<16xf32>,
    %swap3A_943 = arith.constant 3 : i32
    %swap3A_944 = arith.index_cast %swap3A_943 : i32 to index
    %swap3A_945 = arith.constant 416 : index
    %swap3A_946 = tpu.vector_load %arg7[%swap3A_944, %swap3A_945] {strides = array<i32>} : memref<4x1024xf32, #tpu.memory_space<vmem>>, vector<16xf32>,
    tpu.vector_store %arg7[%swap3A_944, %swap3A_945], %gather3A_942 {strides = array<i32>} : memref<4x1024xf32, #tpu.memory_space<vmem>>, vector<16xf32>,
    %get3A_947 = arith.constant 432 : index
    %get3A_948 = tpu.vector_load %arg5[%get3A_947] {strides = array<i32>} : memref<1024xi32, #tpu.memory_space<vmem>>, vector<16xi32>,
    %add3A_949 = arith.constant 0 : i32
    %add3A_950 = vector.broadcast %add3A_949 : i32 to vector<16xi32>
    %add3A_951 = arith.addi %get3A_948, %add3A_950 : vector<16xi32>
    %gather3A_952 = tpu.vector_load_idx %arg6[%add3A_951] : memref<4096xf32, #tpu.memory_space<vmem>>[vector<16xi32>], vector<16xf32>,
    %swap3A_953 = arith.constant 0 : i32
    %swap3A_954 = arith.index_cast %swap3A_953 : i32 to index
    %swap3A_955 = arith.constant 432 : index
    %swap3A_956 = tpu.vector_load %arg7[%swap3A_954, %swap3A_955] {strides = array<i32>} : memref<4x1024xf32, #tpu.memory_space<vmem>>, vector<16xf32>,
    tpu.vector_store %arg7[%swap3A_954, %swap3A_955], %gather3A_952 {strides = array<i32>} : memref<4x1024xf32, #tpu.memory_space<vmem>>, vector<16xf32>,
    %add3A_957 = arith.constant 1024 : i32
    %add3A_958 = vector.broadcast %add3A_957 : i32 to vector<16xi32>
    %add3A_959 = arith.addi %get3A_948, %add3A_958 : vector<16xi32>
    %gather3A_960 = tpu.vector_load_idx %arg6[%add3A_959] : memref<4096xf32, #tpu.memory_space<vmem>>[vector<16xi32>], vector<16xf32>,
    %swap3A_961 = arith.constant 1 : i32
    %swap3A_962 = arith.index_cast %swap3A_961 : i32 to index
    %swap3A_963 = arith.constant 432 : index
    %swap3A_964 = tpu.vector_load %arg7[%swap3A_962, %swap3A_963] {strides = array<i32>} : memref<4x1024xf32, #tpu.memory_space<vmem>>, vector<16xf32>,
    tpu.vector_store %arg7[%swap3A_962, %swap3A_963], %gather3A_960 {strides = array<i32>} : memref<4x1024xf32, #tpu.memory_space<vmem>>, vector<16xf32>,
    %add3A_965 = arith.constant 2048 : i32
    %add3A_966 = vector.broadcast %add3A_965 : i32 to vector<16xi32>
    %add3A_967 = arith.addi %get3A_948, %add3A_966 : vector<16xi32>
    %gather3A_968 = tpu.vector_load_idx %arg6[%add3A_967] : memref<4096xf32, #tpu.memory_space<vmem>>[vector<16xi32>], vector<16xf32>,
    %swap3A_969 = arith.constant 2 : i32
    %swap3A_970 = arith.index_cast %swap3A_969 : i32 to index
    %swap3A_971 = arith.constant 432 : index
    %swap3A_972 = tpu.vector_load %arg7[%swap3A_970, %swap3A_971] {strides = array<i32>} : memref<4x1024xf32, #tpu.memory_space<vmem>>, vector<16xf32>,
    tpu.vector_store %arg7[%swap3A_970, %swap3A_971], %gather3A_968 {strides = array<i32>} : memref<4x1024xf32, #tpu.memory_space<vmem>>, vector<16xf32>,
    %add3A_973 = arith.constant 3072 : i32
    %add3A_974 = vector.broadcast %add3A_973 : i32 to vector<16xi32>
    %add3A_975 = arith.addi %get3A_948, %add3A_974 : vector<16xi32>
    %gather3A_976 = tpu.vector_load_idx %arg6[%add3A_975] : memref<4096xf32, #tpu.memory_space<vmem>>[vector<16xi32>], vector<16xf32>,
    %swap3A_977 = arith.constant 3 : i32
    %swap3A_978 = arith.index_cast %swap3A_977 : i32 to index
    %swap3A_979 = arith.constant 432 : index
    %swap3A_980 = tpu.vector_load %arg7[%swap3A_978, %swap3A_979] {strides = array<i32>} : memref<4x1024xf32, #tpu.memory_space<vmem>>, vector<16xf32>,
    tpu.vector_store %arg7[%swap3A_978, %swap3A_979], %gather3A_976 {strides = array<i32>} : memref<4x1024xf32, #tpu.memory_space<vmem>>, vector<16xf32>,
    %get3A_981 = arith.constant 448 : index
    %get3A_982 = tpu.vector_load %arg5[%get3A_981] {strides = array<i32>} : memref<1024xi32, #tpu.memory_space<vmem>>, vector<16xi32>,
    %add3A_983 = arith.constant 0 : i32
    %add3A_984 = vector.broadcast %add3A_983 : i32 to vector<16xi32>
    %add3A_985 = arith.addi %get3A_982, %add3A_984 : vector<16xi32>
    %gather3A_986 = tpu.vector_load_idx %arg6[%add3A_985] : memref<4096xf32, #tpu.memory_space<vmem>>[vector<16xi32>], vector<16xf32>,
    %swap3A_987 = arith.constant 0 : i32
    %swap3A_988 = arith.index_cast %swap3A_987 : i32 to index
    %swap3A_989 = arith.constant 448 : index
    %swap3A_990 = tpu.vector_load %arg7[%swap3A_988, %swap3A_989] {strides = array<i32>} : memref<4x1024xf32, #tpu.memory_space<vmem>>, vector<16xf32>,
    tpu.vector_store %arg7[%swap3A_988, %swap3A_989], %gather3A_986 {strides = array<i32>} : memref<4x1024xf32, #tpu.memory_space<vmem>>, vector<16xf32>,
    %add3A_991 = arith.constant 1024 : i32
    %add3A_992 = vector.broadcast %add3A_991 : i32 to vector<16xi32>
    %add3A_993 = arith.addi %get3A_982, %add3A_992 : vector<16xi32>
    %gather3A_994 = tpu.vector_load_idx %arg6[%add3A_993] : memref<4096xf32, #tpu.memory_space<vmem>>[vector<16xi32>], vector<16xf32>,
    %swap3A_995 = arith.constant 1 : i32
    %swap3A_996 = arith.index_cast %swap3A_995 : i32 to index
    %swap3A_997 = arith.constant 448 : index
    %swap3A_998 = tpu.vector_load %arg7[%swap3A_996, %swap3A_997] {strides = array<i32>} : memref<4x1024xf32, #tpu.memory_space<vmem>>, vector<16xf32>,
    tpu.vector_store %arg7[%swap3A_996, %swap3A_997], %gather3A_994 {strides = array<i32>} : memref<4x1024xf32, #tpu.memory_space<vmem>>, vector<16xf32>,
    %add3A_999 = arith.constant 2048 : i32
    %add3A_1000 = vector.broadcast %add3A_999 : i32 to vector<16xi32>
    %add3A_1001 = arith.addi %get3A_982, %add3A_1000 : vector<16xi32>
    %gather3A_1002 = tpu.vector_load_idx %arg6[%add3A_1001] : memref<4096xf32, #tpu.memory_space<vmem>>[vector<16xi32>], vector<16xf32>,
    %swap3A_1003 = arith.constant 2 : i32
    %swap3A_1004 = arith.index_cast %swap3A_1003 : i32 to index
    %swap3A_1005 = arith.constant 448 : index
    %swap3A_1006 = tpu.vector_load %arg7[%swap3A_1004, %swap3A_1005] {strides = array<i32>} : memref<4x1024xf32, #tpu.memory_space<vmem>>, vector<16xf32>,
    tpu.vector_store %arg7[%swap3A_1004, %swap3A_1005], %gather3A_1002 {strides = array<i32>} : memref<4x1024xf32, #tpu.memory_space<vmem>>, vector<16xf32>,
    %add3A_1007 = arith.constant 3072 : i32
    %add3A_1008 = vector.broadcast %add3A_1007 : i32 to vector<16xi32>
    %add3A_1009 = arith.addi %get3A_982, %add3A_1008 : vector<16xi32>
    %gather3A_1010 = tpu.vector_load_idx %arg6[%add3A_1009] : memref<4096xf32, #tpu.memory_space<vmem>>[vector<16xi32>], vector<16xf32>,
    %swap3A_1011 = arith.constant 3 : i32
    %swap3A_1012 = arith.index_cast %swap3A_1011 : i32 to index
    %swap3A_1013 = arith.constant 448 : index
    %swap3A_1014 = tpu.vector_load %arg7[%swap3A_1012, %swap3A_1013] {strides = array<i32>} : memref<4x1024xf32, #tpu.memory_space<vmem>>, vector<16xf32>,
    tpu.vector_store %arg7[%swap3A_1012, %swap3A_1013], %gather3A_1010 {strides = array<i32>} : memref<4x1024xf32, #tpu.memory_space<vmem>>, vector<16xf32>,
    %get3A_1015 = arith.constant 464 : index
    %get3A_1016 = tpu.vector_load %arg5[%get3A_1015] {strides = array<i32>} : memref<1024xi32, #tpu.memory_space<vmem>>, vector<16xi32>,
    %add3A_1017 = arith.constant 0 : i32
    %add3A_1018 = vector.broadcast %add3A_1017 : i32 to vector<16xi32>
    %add3A_1019 = arith.addi %get3A_1016, %add3A_1018 : vector<16xi32>
    %gather3A_1020 = tpu.vector_load_idx %arg6[%add3A_1019] : memref<4096xf32, #tpu.memory_space<vmem>>[vector<16xi32>], vector<16xf32>,
    %swap3A_1021 = arith.constant 0 : i32
    %swap3A_1022 = arith.index_cast %swap3A_1021 : i32 to index
    %swap3A_1023 = arith.constant 464 : index
    %swap3A_1024 = tpu.vector_load %arg7[%swap3A_1022, %swap3A_1023] {strides = array<i32>} : memref<4x1024xf32, #tpu.memory_space<vmem>>, vector<16xf32>,
    tpu.vector_store %arg7[%swap3A_1022, %swap3A_1023], %gather3A_1020 {strides = array<i32>} : memref<4x1024xf32, #tpu.memory_space<vmem>>, vector<16xf32>,
    %add3A_1025 = arith.constant 1024 : i32
    %add3A_1026 = vector.broadcast %add3A_1025 : i32 to vector<16xi32>
    %add3A_1027 = arith.addi %get3A_1016, %add3A_1026 : vector<16xi32>
    %gather3A_1028 = tpu.vector_load_idx %arg6[%add3A_1027] : memref<4096xf32, #tpu.memory_space<vmem>>[vector<16xi32>], vector<16xf32>,
    %swap3A_1029 = arith.constant 1 : i32
    %swap3A_1030 = arith.index_cast %swap3A_1029 : i32 to index
    %swap3A_1031 = arith.constant 464 : index
    %swap3A_1032 = tpu.vector_load %arg7[%swap3A_1030, %swap3A_1031] {strides = array<i32>} : memref<4x1024xf32, #tpu.memory_space<vmem>>, vector<16xf32>,
    tpu.vector_store %arg7[%swap3A_1030, %swap3A_1031], %gather3A_1028 {strides = array<i32>} : memref<4x1024xf32, #tpu.memory_space<vmem>>, vector<16xf32>,
    %add3A_1033 = arith.constant 2048 : i32
    %add3A_1034 = vector.broadcast %add3A_1033 : i32 to vector<16xi32>
    %add3A_1035 = arith.addi %get3A_1016, %add3A_1034 : vector<16xi32>
    %gather3A_1036 = tpu.vector_load_idx %arg6[%add3A_1035] : memref<4096xf32, #tpu.memory_space<vmem>>[vector<16xi32>], vector<16xf32>,
    %swap3A_1037 = arith.constant 2 : i32
    %swap3A_1038 = arith.index_cast %swap3A_1037 : i32 to index
    %swap3A_1039 = arith.constant 464 : index
    %swap3A_1040 = tpu.vector_load %arg7[%swap3A_1038, %swap3A_1039] {strides = array<i32>} : memref<4x1024xf32, #tpu.memory_space<vmem>>, vector<16xf32>,
    tpu.vector_store %arg7[%swap3A_1038, %swap3A_1039], %gather3A_1036 {strides = array<i32>} : memref<4x1024xf32, #tpu.memory_space<vmem>>, vector<16xf32>,
    %add3A_1041 = arith.constant 3072 : i32
    %add3A_1042 = vector.broadcast %add3A_1041 : i32 to vector<16xi32>
    %add3A_1043 = arith.addi %get3A_1016, %add3A_1042 : vector<16xi32>
    %gather3A_1044 = tpu.vector_load_idx %arg6[%add3A_1043] : memref<4096xf32, #tpu.memory_space<vmem>>[vector<16xi32>], vector<16xf32>,
    %swap3A_1045 = arith.constant 3 : i32
    %swap3A_1046 = arith.index_cast %swap3A_1045 : i32 to index
    %swap3A_1047 = arith.constant 464 : index
    %swap3A_1048 = tpu.vector_load %arg7[%swap3A_1046, %swap3A_1047] {strides = array<i32>} : memref<4x1024xf32, #tpu.memory_space<vmem>>, vector<16xf32>,
    tpu.vector_store %arg7[%swap3A_1046, %swap3A_1047], %gather3A_1044 {strides = array<i32>} : memref<4x1024xf32, #tpu.memory_space<vmem>>, vector<16xf32>,
    %get3A_1049 = arith.constant 480 : index
    %get3A_1050 = tpu.vector_load %arg5[%get3A_1049] {strides = array<i32>} : memref<1024xi32, #tpu.memory_space<vmem>>, vector<16xi32>,
    %add3A_1051 = arith.constant 0 : i32
    %add3A_1052 = vector.broadcast %add3A_1051 : i32 to vector<16xi32>
    %add3A_1053 = arith.addi %get3A_1050, %add3A_1052 : vector<16xi32>
    %gather3A_1054 = tpu.vector_load_idx %arg6[%add3A_1053] : memref<4096xf32, #tpu.memory_space<vmem>>[vector<16xi32>], vector<16xf32>,
    %swap3A_1055 = arith.constant 0 : i32
    %swap3A_1056 = arith.index_cast %swap3A_1055 : i32 to index
    %swap3A_1057 = arith.constant 480 : index
    %swap3A_1058 = tpu.vector_load %arg7[%swap3A_1056, %swap3A_1057] {strides = array<i32>} : memref<4x1024xf32, #tpu.memory_space<vmem>>, vector<16xf32>,
    tpu.vector_store %arg7[%swap3A_1056, %swap3A_1057], %gather3A_1054 {strides = array<i32>} : memref<4x1024xf32, #tpu.memory_space<vmem>>, vector<16xf32>,
    %add3A_1059 = arith.constant 1024 : i32
    %add3A_1060 = vector.broadcast %add3A_1059 : i32 to vector<16xi32>
    %add3A_1061 = arith.addi %get3A_1050, %add3A_1060 : vector<16xi32>
    %gather3A_1062 = tpu.vector_load_idx %arg6[%add3A_1061] : memref<4096xf32, #tpu.memory_space<vmem>>[vector<16xi32>], vector<16xf32>,
    %swap3A_1063 = arith.constant 1 : i32
    %swap3A_1064 = arith.index_cast %swap3A_1063 : i32 to index
    %swap3A_1065 = arith.constant 480 : index
    %swap3A_1066 = tpu.vector_load %arg7[%swap3A_1064, %swap3A_1065] {strides = array<i32>} : memref<4x1024xf32, #tpu.memory_space<vmem>>, vector<16xf32>,
    tpu.vector_store %arg7[%swap3A_1064, %swap3A_1065], %gather3A_1062 {strides = array<i32>} : memref<4x1024xf32, #tpu.memory_space<vmem>>, vector<16xf32>,
    %add3A_1067 = arith.constant 2048 : i32
    %add3A_1068 = vector.broadcast %add3A_1067 : i32 to vector<16xi32>
    %add3A_1069 = arith.addi %get3A_1050, %add3A_1068 : vector<16xi32>
    %gather3A_1070 = tpu.vector_load_idx %arg6[%add3A_1069] : memref<4096xf32, #tpu.memory_space<vmem>>[vector<16xi32>], vector<16xf32>,
    %swap3A_1071 = arith.constant 2 : i32
    %swap3A_1072 = arith.index_cast %swap3A_1071 : i32 to index
    %swap3A_1073 = arith.constant 480 : index
    %swap3A_1074 = tpu.vector_load %arg7[%swap3A_1072, %swap3A_1073] {strides = array<i32>} : memref<4x1024xf32, #tpu.memory_space<vmem>>, vector<16xf32>,
    tpu.vector_store %arg7[%swap3A_1072, %swap3A_1073], %gather3A_1070 {strides = array<i32>} : memref<4x1024xf32, #tpu.memory_space<vmem>>, vector<16xf32>,
    %add3A_1075 = arith.constant 3072 : i32
    %add3A_1076 = vector.broadcast %add3A_1075 : i32 to vector<16xi32>
    %add3A_1077 = arith.addi %get3A_1050, %add3A_1076 : vector<16xi32>
    %gather3A_1078 = tpu.vector_load_idx %arg6[%add3A_1077] : memref<4096xf32, #tpu.memory_space<vmem>>[vector<16xi32>], vector<16xf32>,
    %swap3A_1079 = arith.constant 3 : i32
    %swap3A_1080 = arith.index_cast %swap3A_1079 : i32 to index
    %swap3A_1081 = arith.constant 480 : index
    %swap3A_1082 = tpu.vector_load %arg7[%swap3A_1080, %swap3A_1081] {strides = array<i32>} : memref<4x1024xf32, #tpu.memory_space<vmem>>, vector<16xf32>,
    tpu.vector_store %arg7[%swap3A_1080, %swap3A_1081], %gather3A_1078 {strides = array<i32>} : memref<4x1024xf32, #tpu.memory_space<vmem>>, vector<16xf32>,
    %get3A_1083 = arith.constant 496 : index
    %get3A_1084 = tpu.vector_load %arg5[%get3A_1083] {strides = array<i32>} : memref<1024xi32, #tpu.memory_space<vmem>>, vector<16xi32>,
    %add3A_1085 = arith.constant 0 : i32
    %add3A_1086 = vector.broadcast %add3A_1085 : i32 to vector<16xi32>
    %add3A_1087 = arith.addi %get3A_1084, %add3A_1086 : vector<16xi32>
    %gather3A_1088 = tpu.vector_load_idx %arg6[%add3A_1087] : memref<4096xf32, #tpu.memory_space<vmem>>[vector<16xi32>], vector<16xf32>,
    %swap3A_1089 = arith.constant 0 : i32
    %swap3A_1090 = arith.index_cast %swap3A_1089 : i32 to index
    %swap3A_1091 = arith.constant 496 : index
    %swap3A_1092 = tpu.vector_load %arg7[%swap3A_1090, %swap3A_1091] {strides = array<i32>} : memref<4x1024xf32, #tpu.memory_space<vmem>>, vector<16xf32>,
    tpu.vector_store %arg7[%swap3A_1090, %swap3A_1091], %gather3A_1088 {strides = array<i32>} : memref<4x1024xf32, #tpu.memory_space<vmem>>, vector<16xf32>,
    %add3A_1093 = arith.constant 1024 : i32
    %add3A_1094 = vector.broadcast %add3A_1093 : i32 to vector<16xi32>
    %add3A_1095 = arith.addi %get3A_1084, %add3A_1094 : vector<16xi32>
    %gather3A_1096 = tpu.vector_load_idx %arg6[%add3A_1095] : memref<4096xf32, #tpu.memory_space<vmem>>[vector<16xi32>], vector<16xf32>,
    %swap3A_1097 = arith.constant 1 : i32
    %swap3A_1098 = arith.index_cast %swap3A_1097 : i32 to index
    %swap3A_1099 = arith.constant 496 : index
    %swap3A_1100 = tpu.vector_load %arg7[%swap3A_1098, %swap3A_1099] {strides = array<i32>} : memref<4x1024xf32, #tpu.memory_space<vmem>>, vector<16xf32>,
    tpu.vector_store %arg7[%swap3A_1098, %swap3A_1099], %gather3A_1096 {strides = array<i32>} : memref<4x1024xf32, #tpu.memory_space<vmem>>, vector<16xf32>,
    %add3A_1101 = arith.constant 2048 : i32
    %add3A_1102 = vector.broadcast %add3A_1101 : i32 to vector<16xi32>
    %add3A_1103 = arith.addi %get3A_1084, %add3A_1102 : vector<16xi32>
    %gather3A_1104 = tpu.vector_load_idx %arg6[%add3A_1103] : memref<4096xf32, #tpu.memory_space<vmem>>[vector<16xi32>], vector<16xf32>,
    %swap3A_1105 = arith.constant 2 : i32
    %swap3A_1106 = arith.index_cast %swap3A_1105 : i32 to index
    %swap3A_1107 = arith.constant 496 : index
    %swap3A_1108 = tpu.vector_load %arg7[%swap3A_1106, %swap3A_1107] {strides = array<i32>} : memref<4x1024xf32, #tpu.memory_space<vmem>>, vector<16xf32>,
    tpu.vector_store %arg7[%swap3A_1106, %swap3A_1107], %gather3A_1104 {strides = array<i32>} : memref<4x1024xf32, #tpu.memory_space<vmem>>, vector<16xf32>,
    %add3A_1109 = arith.constant 3072 : i32
    %add3A_1110 = vector.broadcast %add3A_1109 : i32 to vector<16xi32>
    %add3A_1111 = arith.addi %get3A_1084, %add3A_1110 : vector<16xi32>
    %gather3A_1112 = tpu.vector_load_idx %arg6[%add3A_1111] : memref<4096xf32, #tpu.memory_space<vmem>>[vector<16xi32>], vector<16xf32>,
    %swap3A_1113 = arith.constant 3 : i32
    %swap3A_1114 = arith.index_cast %swap3A_1113 : i32 to index
    %swap3A_1115 = arith.constant 496 : index
    %swap3A_1116 = tpu.vector_load %arg7[%swap3A_1114, %swap3A_1115] {strides = array<i32>} : memref<4x1024xf32, #tpu.memory_space<vmem>>, vector<16xf32>,
    tpu.vector_store %arg7[%swap3A_1114, %swap3A_1115], %gather3A_1112 {strides = array<i32>} : memref<4x1024xf32, #tpu.memory_space<vmem>>, vector<16xf32>,
    %get3A_1117 = arith.constant 512 : index
    %get3A_1118 = tpu.vector_load %arg5[%get3A_1117] {strides = array<i32>} : memref<1024xi32, #tpu.memory_space<vmem>>, vector<16xi32>,
    %add3A_1119 = arith.constant 0 : i32
    %add3A_1120 = vector.broadcast %add3A_1119 : i32 to vector<16xi32>
    %add3A_1121 = arith.addi %get3A_1118, %add3A_1120 : vector<16xi32>
    %gather3A_1122 = tpu.vector_load_idx %arg6[%add3A_1121] : memref<4096xf32, #tpu.memory_space<vmem>>[vector<16xi32>], vector<16xf32>,
    %swap3A_1123 = arith.constant 0 : i32
    %swap3A_1124 = arith.index_cast %swap3A_1123 : i32 to index
    %swap3A_1125 = arith.constant 512 : index
    %swap3A_1126 = tpu.vector_load %arg7[%swap3A_1124, %swap3A_1125] {strides = array<i32>} : memref<4x1024xf32, #tpu.memory_space<vmem>>, vector<16xf32>,
    tpu.vector_store %arg7[%swap3A_1124, %swap3A_1125], %gather3A_1122 {strides = array<i32>} : memref<4x1024xf32, #tpu.memory_space<vmem>>, vector<16xf32>,
    %add3A_1127 = arith.constant 1024 : i32
    %add3A_1128 = vector.broadcast %add3A_1127 : i32 to vector<16xi32>
    %add3A_1129 = arith.addi %get3A_1118, %add3A_1128 : vector<16xi32>
    %gather3A_1130 = tpu.vector_load_idx %arg6[%add3A_1129] : memref<4096xf32, #tpu.memory_space<vmem>>[vector<16xi32>], vector<16xf32>,
    %swap3A_1131 = arith.constant 1 : i32
    %swap3A_1132 = arith.index_cast %swap3A_1131 : i32 to index
    %swap3A_1133 = arith.constant 512 : index
    %swap3A_1134 = tpu.vector_load %arg7[%swap3A_1132, %swap3A_1133] {strides = array<i32>} : memref<4x1024xf32, #tpu.memory_space<vmem>>, vector<16xf32>,
    tpu.vector_store %arg7[%swap3A_1132, %swap3A_1133], %gather3A_1130 {strides = array<i32>} : memref<4x1024xf32, #tpu.memory_space<vmem>>, vector<16xf32>,
    %add3A_1135 = arith.constant 2048 : i32
    %add3A_1136 = vector.broadcast %add3A_1135 : i32 to vector<16xi32>
    %add3A_1137 = arith.addi %get3A_1118, %add3A_1136 : vector<16xi32>
    %gather3A_1138 = tpu.vector_load_idx %arg6[%add3A_1137] : memref<4096xf32, #tpu.memory_space<vmem>>[vector<16xi32>], vector<16xf32>,
    %swap3A_1139 = arith.constant 2 : i32
    %swap3A_1140 = arith.index_cast %swap3A_1139 : i32 to index
    %swap3A_1141 = arith.constant 512 : index
    %swap3A_1142 = tpu.vector_load %arg7[%swap3A_1140, %swap3A_1141] {strides = array<i32>} : memref<4x1024xf32, #tpu.memory_space<vmem>>, vector<16xf32>,
    tpu.vector_store %arg7[%swap3A_1140, %swap3A_1141], %gather3A_1138 {strides = array<i32>} : memref<4x1024xf32, #tpu.memory_space<vmem>>, vector<16xf32>,
    %add3A_1143 = arith.constant 3072 : i32
    %add3A_1144 = vector.broadcast %add3A_1143 : i32 to vector<16xi32>
    %add3A_1145 = arith.addi %get3A_1118, %add3A_1144 : vector<16xi32>
    %gather3A_1146 = tpu.vector_load_idx %arg6[%add3A_1145] : memref<4096xf32, #tpu.memory_space<vmem>>[vector<16xi32>], vector<16xf32>,
    %swap3A_1147 = arith.constant 3 : i32
    %swap3A_1148 = arith.index_cast %swap3A_1147 : i32 to index
    %swap3A_1149 = arith.constant 512 : index
    %swap3A_1150 = tpu.vector_load %arg7[%swap3A_1148, %swap3A_1149] {strides = array<i32>} : memref<4x1024xf32, #tpu.memory_space<vmem>>, vector<16xf32>,
    tpu.vector_store %arg7[%swap3A_1148, %swap3A_1149], %gather3A_1146 {strides = array<i32>} : memref<4x1024xf32, #tpu.memory_space<vmem>>, vector<16xf32>,
    %get3A_1151 = arith.constant 528 : index
    %get3A_1152 = tpu.vector_load %arg5[%get3A_1151] {strides = array<i32>} : memref<1024xi32, #tpu.memory_space<vmem>>, vector<16xi32>,
    %add3A_1153 = arith.constant 0 : i32
    %add3A_1154 = vector.broadcast %add3A_1153 : i32 to vector<16xi32>
    %add3A_1155 = arith.addi %get3A_1152, %add3A_1154 : vector<16xi32>
    %gather3A_1156 = tpu.vector_load_idx %arg6[%add3A_1155] : memref<4096xf32, #tpu.memory_space<vmem>>[vector<16xi32>], vector<16xf32>,
    %swap3A_1157 = arith.constant 0 : i32
    %swap3A_1158 = arith.index_cast %swap3A_1157 : i32 to index
    %swap3A_1159 = arith.constant 528 : index
    %swap3A_1160 = tpu.vector_load %arg7[%swap3A_1158, %swap3A_1159] {strides = array<i32>} : memref<4x1024xf32, #tpu.memory_space<vmem>>, vector<16xf32>,
    tpu.vector_store %arg7[%swap3A_1158, %swap3A_1159], %gather3A_1156 {strides = array<i32>} : memref<4x1024xf32, #tpu.memory_space<vmem>>, vector<16xf32>,
    %add3A_1161 = arith.constant 1024 : i32
    %add3A_1162 = vector.broadcast %add3A_1161 : i32 to vector<16xi32>
    %add3A_1163 = arith.addi %get3A_1152, %add3A_1162 : vector<16xi32>
    %gather3A_1164 = tpu.vector_load_idx %arg6[%add3A_1163] : memref<4096xf32, #tpu.memory_space<vmem>>[vector<16xi32>], vector<16xf32>,
    %swap3A_1165 = arith.constant 1 : i32
    %swap3A_1166 = arith.index_cast %swap3A_1165 : i32 to index
    %swap3A_1167 = arith.constant 528 : index
    %swap3A_1168 = tpu.vector_load %arg7[%swap3A_1166, %swap3A_1167] {strides = array<i32>} : memref<4x1024xf32, #tpu.memory_space<vmem>>, vector<16xf32>,
    tpu.vector_store %arg7[%swap3A_1166, %swap3A_1167], %gather3A_1164 {strides = array<i32>} : memref<4x1024xf32, #tpu.memory_space<vmem>>, vector<16xf32>,
    %add3A_1169 = arith.constant 2048 : i32
    %add3A_1170 = vector.broadcast %add3A_1169 : i32 to vector<16xi32>
    %add3A_1171 = arith.addi %get3A_1152, %add3A_1170 : vector<16xi32>
    %gather3A_1172 = tpu.vector_load_idx %arg6[%add3A_1171] : memref<4096xf32, #tpu.memory_space<vmem>>[vector<16xi32>], vector<16xf32>,
    %swap3A_1173 = arith.constant 2 : i32
    %swap3A_1174 = arith.index_cast %swap3A_1173 : i32 to index
    %swap3A_1175 = arith.constant 528 : index
    %swap3A_1176 = tpu.vector_load %arg7[%swap3A_1174, %swap3A_1175] {strides = array<i32>} : memref<4x1024xf32, #tpu.memory_space<vmem>>, vector<16xf32>,
    tpu.vector_store %arg7[%swap3A_1174, %swap3A_1175], %gather3A_1172 {strides = array<i32>} : memref<4x1024xf32, #tpu.memory_space<vmem>>, vector<16xf32>,
    %add3A_1177 = arith.constant 3072 : i32
    %add3A_1178 = vector.broadcast %add3A_1177 : i32 to vector<16xi32>
    %add3A_1179 = arith.addi %get3A_1152, %add3A_1178 : vector<16xi32>
    %gather3A_1180 = tpu.vector_load_idx %arg6[%add3A_1179] : memref<4096xf32, #tpu.memory_space<vmem>>[vector<16xi32>], vector<16xf32>,
    %swap3A_1181 = arith.constant 3 : i32
    %swap3A_1182 = arith.index_cast %swap3A_1181 : i32 to index
    %swap3A_1183 = arith.constant 528 : index
    %swap3A_1184 = tpu.vector_load %arg7[%swap3A_1182, %swap3A_1183] {strides = array<i32>} : memref<4x1024xf32, #tpu.memory_space<vmem>>, vector<16xf32>,
    tpu.vector_store %arg7[%swap3A_1182, %swap3A_1183], %gather3A_1180 {strides = array<i32>} : memref<4x1024xf32, #tpu.memory_space<vmem>>, vector<16xf32>,
    %get3A_1185 = arith.constant 544 : index
    %get3A_1186 = tpu.vector_load %arg5[%get3A_1185] {strides = array<i32>} : memref<1024xi32, #tpu.memory_space<vmem>>, vector<16xi32>,
    %add3A_1187 = arith.constant 0 : i32
    %add3A_1188 = vector.broadcast %add3A_1187 : i32 to vector<16xi32>
    %add3A_1189 = arith.addi %get3A_1186, %add3A_1188 : vector<16xi32>
    %gather3A_1190 = tpu.vector_load_idx %arg6[%add3A_1189] : memref<4096xf32, #tpu.memory_space<vmem>>[vector<16xi32>], vector<16xf32>,
    %swap3A_1191 = arith.constant 0 : i32
    %swap3A_1192 = arith.index_cast %swap3A_1191 : i32 to index
    %swap3A_1193 = arith.constant 544 : index
    %swap3A_1194 = tpu.vector_load %arg7[%swap3A_1192, %swap3A_1193] {strides = array<i32>} : memref<4x1024xf32, #tpu.memory_space<vmem>>, vector<16xf32>,
    tpu.vector_store %arg7[%swap3A_1192, %swap3A_1193], %gather3A_1190 {strides = array<i32>} : memref<4x1024xf32, #tpu.memory_space<vmem>>, vector<16xf32>,
    %add3A_1195 = arith.constant 1024 : i32
    %add3A_1196 = vector.broadcast %add3A_1195 : i32 to vector<16xi32>
    %add3A_1197 = arith.addi %get3A_1186, %add3A_1196 : vector<16xi32>
    %gather3A_1198 = tpu.vector_load_idx %arg6[%add3A_1197] : memref<4096xf32, #tpu.memory_space<vmem>>[vector<16xi32>], vector<16xf32>,
    %swap3A_1199 = arith.constant 1 : i32
    %swap3A_1200 = arith.index_cast %swap3A_1199 : i32 to index
    %swap3A_1201 = arith.constant 544 : index
    %swap3A_1202 = tpu.vector_load %arg7[%swap3A_1200, %swap3A_1201] {strides = array<i32>} : memref<4x1024xf32, #tpu.memory_space<vmem>>, vector<16xf32>,
    tpu.vector_store %arg7[%swap3A_1200, %swap3A_1201], %gather3A_1198 {strides = array<i32>} : memref<4x1024xf32, #tpu.memory_space<vmem>>, vector<16xf32>,
    %add3A_1203 = arith.constant 2048 : i32
    %add3A_1204 = vector.broadcast %add3A_1203 : i32 to vector<16xi32>
    %add3A_1205 = arith.addi %get3A_1186, %add3A_1204 : vector<16xi32>
    %gather3A_1206 = tpu.vector_load_idx %arg6[%add3A_1205] : memref<4096xf32, #tpu.memory_space<vmem>>[vector<16xi32>], vector<16xf32>,
    %swap3A_1207 = arith.constant 2 : i32
    %swap3A_1208 = arith.index_cast %swap3A_1207 : i32 to index
    %swap3A_1209 = arith.constant 544 : index
    %swap3A_1210 = tpu.vector_load %arg7[%swap3A_1208, %swap3A_1209] {strides = array<i32>} : memref<4x1024xf32, #tpu.memory_space<vmem>>, vector<16xf32>,
    tpu.vector_store %arg7[%swap3A_1208, %swap3A_1209], %gather3A_1206 {strides = array<i32>} : memref<4x1024xf32, #tpu.memory_space<vmem>>, vector<16xf32>,
    %add3A_1211 = arith.constant 3072 : i32
    %add3A_1212 = vector.broadcast %add3A_1211 : i32 to vector<16xi32>
    %add3A_1213 = arith.addi %get3A_1186, %add3A_1212 : vector<16xi32>
    %gather3A_1214 = tpu.vector_load_idx %arg6[%add3A_1213] : memref<4096xf32, #tpu.memory_space<vmem>>[vector<16xi32>], vector<16xf32>,
    %swap3A_1215 = arith.constant 3 : i32
    %swap3A_1216 = arith.index_cast %swap3A_1215 : i32 to index
    %swap3A_1217 = arith.constant 544 : index
    %swap3A_1218 = tpu.vector_load %arg7[%swap3A_1216, %swap3A_1217] {strides = array<i32>} : memref<4x1024xf32, #tpu.memory_space<vmem>>, vector<16xf32>,
    tpu.vector_store %arg7[%swap3A_1216, %swap3A_1217], %gather3A_1214 {strides = array<i32>} : memref<4x1024xf32, #tpu.memory_space<vmem>>, vector<16xf32>,
    %get3A_1219 = arith.constant 560 : index
    %get3A_1220 = tpu.vector_load %arg5[%get3A_1219] {strides = array<i32>} : memref<1024xi32, #tpu.memory_space<vmem>>, vector<16xi32>,
    %add3A_1221 = arith.constant 0 : i32
    %add3A_1222 = vector.broadcast %add3A_1221 : i32 to vector<16xi32>
    %add3A_1223 = arith.addi %get3A_1220, %add3A_1222 : vector<16xi32>
    %gather3A_1224 = tpu.vector_load_idx %arg6[%add3A_1223] : memref<4096xf32, #tpu.memory_space<vmem>>[vector<16xi32>], vector<16xf32>,
    %swap3A_1225 = arith.constant 0 : i32
    %swap3A_1226 = arith.index_cast %swap3A_1225 : i32 to index
    %swap3A_1227 = arith.constant 560 : index
    %swap3A_1228 = tpu.vector_load %arg7[%swap3A_1226, %swap3A_1227] {strides = array<i32>} : memref<4x1024xf32, #tpu.memory_space<vmem>>, vector<16xf32>,
    tpu.vector_store %arg7[%swap3A_1226, %swap3A_1227], %gather3A_1224 {strides = array<i32>} : memref<4x1024xf32, #tpu.memory_space<vmem>>, vector<16xf32>,
    %add3A_1229 = arith.constant 1024 : i32
    %add3A_1230 = vector.broadcast %add3A_1229 : i32 to vector<16xi32>
    %add3A_1231 = arith.addi %get3A_1220, %add3A_1230 : vector<16xi32>
    %gather3A_1232 = tpu.vector_load_idx %arg6[%add3A_1231] : memref<4096xf32, #tpu.memory_space<vmem>>[vector<16xi32>], vector<16xf32>,
    %swap3A_1233 = arith.constant 1 : i32
    %swap3A_1234 = arith.index_cast %swap3A_1233 : i32 to index
    %swap3A_1235 = arith.constant 560 : index
    %swap3A_1236 = tpu.vector_load %arg7[%swap3A_1234, %swap3A_1235] {strides = array<i32>} : memref<4x1024xf32, #tpu.memory_space<vmem>>, vector<16xf32>,
    tpu.vector_store %arg7[%swap3A_1234, %swap3A_1235], %gather3A_1232 {strides = array<i32>} : memref<4x1024xf32, #tpu.memory_space<vmem>>, vector<16xf32>,
    %add3A_1237 = arith.constant 2048 : i32
    %add3A_1238 = vector.broadcast %add3A_1237 : i32 to vector<16xi32>
    %add3A_1239 = arith.addi %get3A_1220, %add3A_1238 : vector<16xi32>
    %gather3A_1240 = tpu.vector_load_idx %arg6[%add3A_1239] : memref<4096xf32, #tpu.memory_space<vmem>>[vector<16xi32>], vector<16xf32>,
    %swap3A_1241 = arith.constant 2 : i32
    %swap3A_1242 = arith.index_cast %swap3A_1241 : i32 to index
    %swap3A_1243 = arith.constant 560 : index
    %swap3A_1244 = tpu.vector_load %arg7[%swap3A_1242, %swap3A_1243] {strides = array<i32>} : memref<4x1024xf32, #tpu.memory_space<vmem>>, vector<16xf32>,
    tpu.vector_store %arg7[%swap3A_1242, %swap3A_1243], %gather3A_1240 {strides = array<i32>} : memref<4x1024xf32, #tpu.memory_space<vmem>>, vector<16xf32>,
    %add3A_1245 = arith.constant 3072 : i32
    %add3A_1246 = vector.broadcast %add3A_1245 : i32 to vector<16xi32>
    %add3A_1247 = arith.addi %get3A_1220, %add3A_1246 : vector<16xi32>
    %gather3A_1248 = tpu.vector_load_idx %arg6[%add3A_1247] : memref<4096xf32, #tpu.memory_space<vmem>>[vector<16xi32>], vector<16xf32>,
    %swap3A_1249 = arith.constant 3 : i32
    %swap3A_1250 = arith.index_cast %swap3A_1249 : i32 to index
    %swap3A_1251 = arith.constant 560 : index
    %swap3A_1252 = tpu.vector_load %arg7[%swap3A_1250, %swap3A_1251] {strides = array<i32>} : memref<4x1024xf32, #tpu.memory_space<vmem>>, vector<16xf32>,
    tpu.vector_store %arg7[%swap3A_1250, %swap3A_1251], %gather3A_1248 {strides = array<i32>} : memref<4x1024xf32, #tpu.memory_space<vmem>>, vector<16xf32>,
    %get3A_1253 = arith.constant 576 : index
    %get3A_1254 = tpu.vector_load %arg5[%get3A_1253] {strides = array<i32>} : memref<1024xi32, #tpu.memory_space<vmem>>, vector<16xi32>,
    %add3A_1255 = arith.constant 0 : i32
    %add3A_1256 = vector.broadcast %add3A_1255 : i32 to vector<16xi32>
    %add3A_1257 = arith.addi %get3A_1254, %add3A_1256 : vector<16xi32>
    %gather3A_1258 = tpu.vector_load_idx %arg6[%add3A_1257] : memref<4096xf32, #tpu.memory_space<vmem>>[vector<16xi32>], vector<16xf32>,
    %swap3A_1259 = arith.constant 0 : i32
    %swap3A_1260 = arith.index_cast %swap3A_1259 : i32 to index
    %swap3A_1261 = arith.constant 576 : index
    %swap3A_1262 = tpu.vector_load %arg7[%swap3A_1260, %swap3A_1261] {strides = array<i32>} : memref<4x1024xf32, #tpu.memory_space<vmem>>, vector<16xf32>,
    tpu.vector_store %arg7[%swap3A_1260, %swap3A_1261], %gather3A_1258 {strides = array<i32>} : memref<4x1024xf32, #tpu.memory_space<vmem>>, vector<16xf32>,
    %add3A_1263 = arith.constant 1024 : i32
    %add3A_1264 = vector.broadcast %add3A_1263 : i32 to vector<16xi32>
    %add3A_1265 = arith.addi %get3A_1254, %add3A_1264 : vector<16xi32>
    %gather3A_1266 = tpu.vector_load_idx %arg6[%add3A_1265] : memref<4096xf32, #tpu.memory_space<vmem>>[vector<16xi32>], vector<16xf32>,
    %swap3A_1267 = arith.constant 1 : i32
    %swap3A_1268 = arith.index_cast %swap3A_1267 : i32 to index
    %swap3A_1269 = arith.constant 576 : index
    %swap3A_1270 = tpu.vector_load %arg7[%swap3A_1268, %swap3A_1269] {strides = array<i32>} : memref<4x1024xf32, #tpu.memory_space<vmem>>, vector<16xf32>,
    tpu.vector_store %arg7[%swap3A_1268, %swap3A_1269], %gather3A_1266 {strides = array<i32>} : memref<4x1024xf32, #tpu.memory_space<vmem>>, vector<16xf32>,
    %add3A_1271 = arith.constant 2048 : i32
    %add3A_1272 = vector.broadcast %add3A_1271 : i32 to vector<16xi32>
    %add3A_1273 = arith.addi %get3A_1254, %add3A_1272 : vector<16xi32>
    %gather3A_1274 = tpu.vector_load_idx %arg6[%add3A_1273] : memref<4096xf32, #tpu.memory_space<vmem>>[vector<16xi32>], vector<16xf32>,
    %swap3A_1275 = arith.constant 2 : i32
    %swap3A_1276 = arith.index_cast %swap3A_1275 : i32 to index
    %swap3A_1277 = arith.constant 576 : index
    %swap3A_1278 = tpu.vector_load %arg7[%swap3A_1276, %swap3A_1277] {strides = array<i32>} : memref<4x1024xf32, #tpu.memory_space<vmem>>, vector<16xf32>,
    tpu.vector_store %arg7[%swap3A_1276, %swap3A_1277], %gather3A_1274 {strides = array<i32>} : memref<4x1024xf32, #tpu.memory_space<vmem>>, vector<16xf32>,
    %add3A_1279 = arith.constant 3072 : i32
    %add3A_1280 = vector.broadcast %add3A_1279 : i32 to vector<16xi32>
    %add3A_1281 = arith.addi %get3A_1254, %add3A_1280 : vector<16xi32>
    %gather3A_1282 = tpu.vector_load_idx %arg6[%add3A_1281] : memref<4096xf32, #tpu.memory_space<vmem>>[vector<16xi32>], vector<16xf32>,
    %swap3A_1283 = arith.constant 3 : i32
    %swap3A_1284 = arith.index_cast %swap3A_1283 : i32 to index
    %swap3A_1285 = arith.constant 576 : index
    %swap3A_1286 = tpu.vector_load %arg7[%swap3A_1284, %swap3A_1285] {strides = array<i32>} : memref<4x1024xf32, #tpu.memory_space<vmem>>, vector<16xf32>,
    tpu.vector_store %arg7[%swap3A_1284, %swap3A_1285], %gather3A_1282 {strides = array<i32>} : memref<4x1024xf32, #tpu.memory_space<vmem>>, vector<16xf32>,
    %get3A_1287 = arith.constant 592 : index
    %get3A_1288 = tpu.vector_load %arg5[%get3A_1287] {strides = array<i32>} : memref<1024xi32, #tpu.memory_space<vmem>>, vector<16xi32>,
    %add3A_1289 = arith.constant 0 : i32
    %add3A_1290 = vector.broadcast %add3A_1289 : i32 to vector<16xi32>
    %add3A_1291 = arith.addi %get3A_1288, %add3A_1290 : vector<16xi32>
    %gather3A_1292 = tpu.vector_load_idx %arg6[%add3A_1291] : memref<4096xf32, #tpu.memory_space<vmem>>[vector<16xi32>], vector<16xf32>,
    %swap3A_1293 = arith.constant 0 : i32
    %swap3A_1294 = arith.index_cast %swap3A_1293 : i32 to index
    %swap3A_1295 = arith.constant 592 : index
    %swap3A_1296 = tpu.vector_load %arg7[%swap3A_1294, %swap3A_1295] {strides = array<i32>} : memref<4x1024xf32, #tpu.memory_space<vmem>>, vector<16xf32>,
    tpu.vector_store %arg7[%swap3A_1294, %swap3A_1295], %gather3A_1292 {strides = array<i32>} : memref<4x1024xf32, #tpu.memory_space<vmem>>, vector<16xf32>,
    %add3A_1297 = arith.constant 1024 : i32
    %add3A_1298 = vector.broadcast %add3A_1297 : i32 to vector<16xi32>
    %add3A_1299 = arith.addi %get3A_1288, %add3A_1298 : vector<16xi32>
    %gather3A_1300 = tpu.vector_load_idx %arg6[%add3A_1299] : memref<4096xf32, #tpu.memory_space<vmem>>[vector<16xi32>], vector<16xf32>,
    %swap3A_1301 = arith.constant 1 : i32
    %swap3A_1302 = arith.index_cast %swap3A_1301 : i32 to index
    %swap3A_1303 = arith.constant 592 : index
    %swap3A_1304 = tpu.vector_load %arg7[%swap3A_1302, %swap3A_1303] {strides = array<i32>} : memref<4x1024xf32, #tpu.memory_space<vmem>>, vector<16xf32>,
    tpu.vector_store %arg7[%swap3A_1302, %swap3A_1303], %gather3A_1300 {strides = array<i32>} : memref<4x1024xf32, #tpu.memory_space<vmem>>, vector<16xf32>,
    %add3A_1305 = arith.constant 2048 : i32
    %add3A_1306 = vector.broadcast %add3A_1305 : i32 to vector<16xi32>
    %add3A_1307 = arith.addi %get3A_1288, %add3A_1306 : vector<16xi32>
    %gather3A_1308 = tpu.vector_load_idx %arg6[%add3A_1307] : memref<4096xf32, #tpu.memory_space<vmem>>[vector<16xi32>], vector<16xf32>,
    %swap3A_1309 = arith.constant 2 : i32
    %swap3A_1310 = arith.index_cast %swap3A_1309 : i32 to index
    %swap3A_1311 = arith.constant 592 : index
    %swap3A_1312 = tpu.vector_load %arg7[%swap3A_1310, %swap3A_1311] {strides = array<i32>} : memref<4x1024xf32, #tpu.memory_space<vmem>>, vector<16xf32>,
    tpu.vector_store %arg7[%swap3A_1310, %swap3A_1311], %gather3A_1308 {strides = array<i32>} : memref<4x1024xf32, #tpu.memory_space<vmem>>, vector<16xf32>,
    %add3A_1313 = arith.constant 3072 : i32
    %add3A_1314 = vector.broadcast %add3A_1313 : i32 to vector<16xi32>
    %add3A_1315 = arith.addi %get3A_1288, %add3A_1314 : vector<16xi32>
    %gather3A_1316 = tpu.vector_load_idx %arg6[%add3A_1315] : memref<4096xf32, #tpu.memory_space<vmem>>[vector<16xi32>], vector<16xf32>,
    %swap3A_1317 = arith.constant 3 : i32
    %swap3A_1318 = arith.index_cast %swap3A_1317 : i32 to index
    %swap3A_1319 = arith.constant 592 : index
    %swap3A_1320 = tpu.vector_load %arg7[%swap3A_1318, %swap3A_1319] {strides = array<i32>} : memref<4x1024xf32, #tpu.memory_space<vmem>>, vector<16xf32>,
    tpu.vector_store %arg7[%swap3A_1318, %swap3A_1319], %gather3A_1316 {strides = array<i32>} : memref<4x1024xf32, #tpu.memory_space<vmem>>, vector<16xf32>,
    %get3A_1321 = arith.constant 608 : index
    %get3A_1322 = tpu.vector_load %arg5[%get3A_1321] {strides = array<i32>} : memref<1024xi32, #tpu.memory_space<vmem>>, vector<16xi32>,
    %add3A_1323 = arith.constant 0 : i32
    %add3A_1324 = vector.broadcast %add3A_1323 : i32 to vector<16xi32>
    %add3A_1325 = arith.addi %get3A_1322, %add3A_1324 : vector<16xi32>
    %gather3A_1326 = tpu.vector_load_idx %arg6[%add3A_1325] : memref<4096xf32, #tpu.memory_space<vmem>>[vector<16xi32>], vector<16xf32>,
    %swap3A_1327 = arith.constant 0 : i32
    %swap3A_1328 = arith.index_cast %swap3A_1327 : i32 to index
    %swap3A_1329 = arith.constant 608 : index
    %swap3A_1330 = tpu.vector_load %arg7[%swap3A_1328, %swap3A_1329] {strides = array<i32>} : memref<4x1024xf32, #tpu.memory_space<vmem>>, vector<16xf32>,
    tpu.vector_store %arg7[%swap3A_1328, %swap3A_1329], %gather3A_1326 {strides = array<i32>} : memref<4x1024xf32, #tpu.memory_space<vmem>>, vector<16xf32>,
    %add3A_1331 = arith.constant 1024 : i32
    %add3A_1332 = vector.broadcast %add3A_1331 : i32 to vector<16xi32>
    %add3A_1333 = arith.addi %get3A_1322, %add3A_1332 : vector<16xi32>
    %gather3A_1334 = tpu.vector_load_idx %arg6[%add3A_1333] : memref<4096xf32, #tpu.memory_space<vmem>>[vector<16xi32>], vector<16xf32>,
    %swap3A_1335 = arith.constant 1 : i32
    %swap3A_1336 = arith.index_cast %swap3A_1335 : i32 to index
    %swap3A_1337 = arith.constant 608 : index
    %swap3A_1338 = tpu.vector_load %arg7[%swap3A_1336, %swap3A_1337] {strides = array<i32>} : memref<4x1024xf32, #tpu.memory_space<vmem>>, vector<16xf32>,
    tpu.vector_store %arg7[%swap3A_1336, %swap3A_1337], %gather3A_1334 {strides = array<i32>} : memref<4x1024xf32, #tpu.memory_space<vmem>>, vector<16xf32>,
    %add3A_1339 = arith.constant 2048 : i32
    %add3A_1340 = vector.broadcast %add3A_1339 : i32 to vector<16xi32>
    %add3A_1341 = arith.addi %get3A_1322, %add3A_1340 : vector<16xi32>
    %gather3A_1342 = tpu.vector_load_idx %arg6[%add3A_1341] : memref<4096xf32, #tpu.memory_space<vmem>>[vector<16xi32>], vector<16xf32>,
    %swap3A_1343 = arith.constant 2 : i32
    %swap3A_1344 = arith.index_cast %swap3A_1343 : i32 to index
    %swap3A_1345 = arith.constant 608 : index
    %swap3A_1346 = tpu.vector_load %arg7[%swap3A_1344, %swap3A_1345] {strides = array<i32>} : memref<4x1024xf32, #tpu.memory_space<vmem>>, vector<16xf32>,
    tpu.vector_store %arg7[%swap3A_1344, %swap3A_1345], %gather3A_1342 {strides = array<i32>} : memref<4x1024xf32, #tpu.memory_space<vmem>>, vector<16xf32>,
    %add3A_1347 = arith.constant 3072 : i32
    %add3A_1348 = vector.broadcast %add3A_1347 : i32 to vector<16xi32>
    %add3A_1349 = arith.addi %get3A_1322, %add3A_1348 : vector<16xi32>
    %gather3A_1350 = tpu.vector_load_idx %arg6[%add3A_1349] : memref<4096xf32, #tpu.memory_space<vmem>>[vector<16xi32>], vector<16xf32>,
    %swap3A_1351 = arith.constant 3 : i32
    %swap3A_1352 = arith.index_cast %swap3A_1351 : i32 to index
    %swap3A_1353 = arith.constant 608 : index
    %swap3A_1354 = tpu.vector_load %arg7[%swap3A_1352, %swap3A_1353] {strides = array<i32>} : memref<4x1024xf32, #tpu.memory_space<vmem>>, vector<16xf32>,
    tpu.vector_store %arg7[%swap3A_1352, %swap3A_1353], %gather3A_1350 {strides = array<i32>} : memref<4x1024xf32, #tpu.memory_space<vmem>>, vector<16xf32>,
    %get3A_1355 = arith.constant 624 : index
    %get3A_1356 = tpu.vector_load %arg5[%get3A_1355] {strides = array<i32>} : memref<1024xi32, #tpu.memory_space<vmem>>, vector<16xi32>,
    %add3A_1357 = arith.constant 0 : i32
    %add3A_1358 = vector.broadcast %add3A_1357 : i32 to vector<16xi32>
    %add3A_1359 = arith.addi %get3A_1356, %add3A_1358 : vector<16xi32>
    %gather3A_1360 = tpu.vector_load_idx %arg6[%add3A_1359] : memref<4096xf32, #tpu.memory_space<vmem>>[vector<16xi32>], vector<16xf32>,
    %swap3A_1361 = arith.constant 0 : i32
    %swap3A_1362 = arith.index_cast %swap3A_1361 : i32 to index
    %swap3A_1363 = arith.constant 624 : index
    %swap3A_1364 = tpu.vector_load %arg7[%swap3A_1362, %swap3A_1363] {strides = array<i32>} : memref<4x1024xf32, #tpu.memory_space<vmem>>, vector<16xf32>,
    tpu.vector_store %arg7[%swap3A_1362, %swap3A_1363], %gather3A_1360 {strides = array<i32>} : memref<4x1024xf32, #tpu.memory_space<vmem>>, vector<16xf32>,
    %add3A_1365 = arith.constant 1024 : i32
    %add3A_1366 = vector.broadcast %add3A_1365 : i32 to vector<16xi32>
    %add3A_1367 = arith.addi %get3A_1356, %add3A_1366 : vector<16xi32>
    %gather3A_1368 = tpu.vector_load_idx %arg6[%add3A_1367] : memref<4096xf32, #tpu.memory_space<vmem>>[vector<16xi32>], vector<16xf32>,
    %swap3A_1369 = arith.constant 1 : i32
    %swap3A_1370 = arith.index_cast %swap3A_1369 : i32 to index
    %swap3A_1371 = arith.constant 624 : index
    %swap3A_1372 = tpu.vector_load %arg7[%swap3A_1370, %swap3A_1371] {strides = array<i32>} : memref<4x1024xf32, #tpu.memory_space<vmem>>, vector<16xf32>,
    tpu.vector_store %arg7[%swap3A_1370, %swap3A_1371], %gather3A_1368 {strides = array<i32>} : memref<4x1024xf32, #tpu.memory_space<vmem>>, vector<16xf32>,
    %add3A_1373 = arith.constant 2048 : i32
    %add3A_1374 = vector.broadcast %add3A_1373 : i32 to vector<16xi32>
    %add3A_1375 = arith.addi %get3A_1356, %add3A_1374 : vector<16xi32>
    %gather3A_1376 = tpu.vector_load_idx %arg6[%add3A_1375] : memref<4096xf32, #tpu.memory_space<vmem>>[vector<16xi32>], vector<16xf32>,
    %swap3A_1377 = arith.constant 2 : i32
    %swap3A_1378 = arith.index_cast %swap3A_1377 : i32 to index
    %swap3A_1379 = arith.constant 624 : index
    %swap3A_1380 = tpu.vector_load %arg7[%swap3A_1378, %swap3A_1379] {strides = array<i32>} : memref<4x1024xf32, #tpu.memory_space<vmem>>, vector<16xf32>,
    tpu.vector_store %arg7[%swap3A_1378, %swap3A_1379], %gather3A_1376 {strides = array<i32>} : memref<4x1024xf32, #tpu.memory_space<vmem>>, vector<16xf32>,
    %add3A_1381 = arith.constant 3072 : i32
    %add3A_1382 = vector.broadcast %add3A_1381 : i32 to vector<16xi32>
    %add3A_1383 = arith.addi %get3A_1356, %add3A_1382 : vector<16xi32>
    %gather3A_1384 = tpu.vector_load_idx %arg6[%add3A_1383] : memref<4096xf32, #tpu.memory_space<vmem>>[vector<16xi32>], vector<16xf32>,
    %swap3A_1385 = arith.constant 3 : i32
    %swap3A_1386 = arith.index_cast %swap3A_1385 : i32 to index
    %swap3A_1387 = arith.constant 624 : index
    %swap3A_1388 = tpu.vector_load %arg7[%swap3A_1386, %swap3A_1387] {strides = array<i32>} : memref<4x1024xf32, #tpu.memory_space<vmem>>, vector<16xf32>,
    tpu.vector_store %arg7[%swap3A_1386, %swap3A_1387], %gather3A_1384 {strides = array<i32>} : memref<4x1024xf32, #tpu.memory_space<vmem>>, vector<16xf32>,
    %get3A_1389 = arith.constant 640 : index
    %get3A_1390 = tpu.vector_load %arg5[%get3A_1389] {strides = array<i32>} : memref<1024xi32, #tpu.memory_space<vmem>>, vector<16xi32>,
    %add3A_1391 = arith.constant 0 : i32
    %add3A_1392 = vector.broadcast %add3A_1391 : i32 to vector<16xi32>
    %add3A_1393 = arith.addi %get3A_1390, %add3A_1392 : vector<16xi32>
    %gather3A_1394 = tpu.vector_load_idx %arg6[%add3A_1393] : memref<4096xf32, #tpu.memory_space<vmem>>[vector<16xi32>], vector<16xf32>,
    %swap3A_1395 = arith.constant 0 : i32
    %swap3A_1396 = arith.index_cast %swap3A_1395 : i32 to index
    %swap3A_1397 = arith.constant 640 : index
    %swap3A_1398 = tpu.vector_load %arg7[%swap3A_1396, %swap3A_1397] {strides = array<i32>} : memref<4x1024xf32, #tpu.memory_space<vmem>>, vector<16xf32>,
    tpu.vector_store %arg7[%swap3A_1396, %swap3A_1397], %gather3A_1394 {strides = array<i32>} : memref<4x1024xf32, #tpu.memory_space<vmem>>, vector<16xf32>,
    %add3A_1399 = arith.constant 1024 : i32
    %add3A_1400 = vector.broadcast %add3A_1399 : i32 to vector<16xi32>
    %add3A_1401 = arith.addi %get3A_1390, %add3A_1400 : vector<16xi32>
    %gather3A_1402 = tpu.vector_load_idx %arg6[%add3A_1401] : memref<4096xf32, #tpu.memory_space<vmem>>[vector<16xi32>], vector<16xf32>,
    %swap3A_1403 = arith.constant 1 : i32
    %swap3A_1404 = arith.index_cast %swap3A_1403 : i32 to index
    %swap3A_1405 = arith.constant 640 : index
    %swap3A_1406 = tpu.vector_load %arg7[%swap3A_1404, %swap3A_1405] {strides = array<i32>} : memref<4x1024xf32, #tpu.memory_space<vmem>>, vector<16xf32>,
    tpu.vector_store %arg7[%swap3A_1404, %swap3A_1405], %gather3A_1402 {strides = array<i32>} : memref<4x1024xf32, #tpu.memory_space<vmem>>, vector<16xf32>,
    %add3A_1407 = arith.constant 2048 : i32
    %add3A_1408 = vector.broadcast %add3A_1407 : i32 to vector<16xi32>
    %add3A_1409 = arith.addi %get3A_1390, %add3A_1408 : vector<16xi32>
    %gather3A_1410 = tpu.vector_load_idx %arg6[%add3A_1409] : memref<4096xf32, #tpu.memory_space<vmem>>[vector<16xi32>], vector<16xf32>,
    %swap3A_1411 = arith.constant 2 : i32
    %swap3A_1412 = arith.index_cast %swap3A_1411 : i32 to index
    %swap3A_1413 = arith.constant 640 : index
    %swap3A_1414 = tpu.vector_load %arg7[%swap3A_1412, %swap3A_1413] {strides = array<i32>} : memref<4x1024xf32, #tpu.memory_space<vmem>>, vector<16xf32>,
    tpu.vector_store %arg7[%swap3A_1412, %swap3A_1413], %gather3A_1410 {strides = array<i32>} : memref<4x1024xf32, #tpu.memory_space<vmem>>, vector<16xf32>,
    %add3A_1415 = arith.constant 3072 : i32
    %add3A_1416 = vector.broadcast %add3A_1415 : i32 to vector<16xi32>
    %add3A_1417 = arith.addi %get3A_1390, %add3A_1416 : vector<16xi32>
    %gather3A_1418 = tpu.vector_load_idx %arg6[%add3A_1417] : memref<4096xf32, #tpu.memory_space<vmem>>[vector<16xi32>], vector<16xf32>,
    %swap3A_1419 = arith.constant 3 : i32
    %swap3A_1420 = arith.index_cast %swap3A_1419 : i32 to index
    %swap3A_1421 = arith.constant 640 : index
    %swap3A_1422 = tpu.vector_load %arg7[%swap3A_1420, %swap3A_1421] {strides = array<i32>} : memref<4x1024xf32, #tpu.memory_space<vmem>>, vector<16xf32>,
    tpu.vector_store %arg7[%swap3A_1420, %swap3A_1421], %gather3A_1418 {strides = array<i32>} : memref<4x1024xf32, #tpu.memory_space<vmem>>, vector<16xf32>,
    %get3A_1423 = arith.constant 656 : index
    %get3A_1424 = tpu.vector_load %arg5[%get3A_1423] {strides = array<i32>} : memref<1024xi32, #tpu.memory_space<vmem>>, vector<16xi32>,
    %add3A_1425 = arith.constant 0 : i32
    %add3A_1426 = vector.broadcast %add3A_1425 : i32 to vector<16xi32>
    %add3A_1427 = arith.addi %get3A_1424, %add3A_1426 : vector<16xi32>
    %gather3A_1428 = tpu.vector_load_idx %arg6[%add3A_1427] : memref<4096xf32, #tpu.memory_space<vmem>>[vector<16xi32>], vector<16xf32>,
    %swap3A_1429 = arith.constant 0 : i32
    %swap3A_1430 = arith.index_cast %swap3A_1429 : i32 to index
    %swap3A_1431 = arith.constant 656 : index
    %swap3A_1432 = tpu.vector_load %arg7[%swap3A_1430, %swap3A_1431] {strides = array<i32>} : memref<4x1024xf32, #tpu.memory_space<vmem>>, vector<16xf32>,
    tpu.vector_store %arg7[%swap3A_1430, %swap3A_1431], %gather3A_1428 {strides = array<i32>} : memref<4x1024xf32, #tpu.memory_space<vmem>>, vector<16xf32>,
    %add3A_1433 = arith.constant 1024 : i32
    %add3A_1434 = vector.broadcast %add3A_1433 : i32 to vector<16xi32>
    %add3A_1435 = arith.addi %get3A_1424, %add3A_1434 : vector<16xi32>
    %gather3A_1436 = tpu.vector_load_idx %arg6[%add3A_1435] : memref<4096xf32, #tpu.memory_space<vmem>>[vector<16xi32>], vector<16xf32>,
    %swap3A_1437 = arith.constant 1 : i32
    %swap3A_1438 = arith.index_cast %swap3A_1437 : i32 to index
    %swap3A_1439 = arith.constant 656 : index
    %swap3A_1440 = tpu.vector_load %arg7[%swap3A_1438, %swap3A_1439] {strides = array<i32>} : memref<4x1024xf32, #tpu.memory_space<vmem>>, vector<16xf32>,
    tpu.vector_store %arg7[%swap3A_1438, %swap3A_1439], %gather3A_1436 {strides = array<i32>} : memref<4x1024xf32, #tpu.memory_space<vmem>>, vector<16xf32>,
    %add3A_1441 = arith.constant 2048 : i32
    %add3A_1442 = vector.broadcast %add3A_1441 : i32 to vector<16xi32>
    %add3A_1443 = arith.addi %get3A_1424, %add3A_1442 : vector<16xi32>
    %gather3A_1444 = tpu.vector_load_idx %arg6[%add3A_1443] : memref<4096xf32, #tpu.memory_space<vmem>>[vector<16xi32>], vector<16xf32>,
    %swap3A_1445 = arith.constant 2 : i32
    %swap3A_1446 = arith.index_cast %swap3A_1445 : i32 to index
    %swap3A_1447 = arith.constant 656 : index
    %swap3A_1448 = tpu.vector_load %arg7[%swap3A_1446, %swap3A_1447] {strides = array<i32>} : memref<4x1024xf32, #tpu.memory_space<vmem>>, vector<16xf32>,
    tpu.vector_store %arg7[%swap3A_1446, %swap3A_1447], %gather3A_1444 {strides = array<i32>} : memref<4x1024xf32, #tpu.memory_space<vmem>>, vector<16xf32>,
    %add3A_1449 = arith.constant 3072 : i32
    %add3A_1450 = vector.broadcast %add3A_1449 : i32 to vector<16xi32>
    %add3A_1451 = arith.addi %get3A_1424, %add3A_1450 : vector<16xi32>
    %gather3A_1452 = tpu.vector_load_idx %arg6[%add3A_1451] : memref<4096xf32, #tpu.memory_space<vmem>>[vector<16xi32>], vector<16xf32>,
    %swap3A_1453 = arith.constant 3 : i32
    %swap3A_1454 = arith.index_cast %swap3A_1453 : i32 to index
    %swap3A_1455 = arith.constant 656 : index
    %swap3A_1456 = tpu.vector_load %arg7[%swap3A_1454, %swap3A_1455] {strides = array<i32>} : memref<4x1024xf32, #tpu.memory_space<vmem>>, vector<16xf32>,
    tpu.vector_store %arg7[%swap3A_1454, %swap3A_1455], %gather3A_1452 {strides = array<i32>} : memref<4x1024xf32, #tpu.memory_space<vmem>>, vector<16xf32>,
    %get3A_1457 = arith.constant 672 : index
    %get3A_1458 = tpu.vector_load %arg5[%get3A_1457] {strides = array<i32>} : memref<1024xi32, #tpu.memory_space<vmem>>, vector<16xi32>,
    %add3A_1459 = arith.constant 0 : i32
    %add3A_1460 = vector.broadcast %add3A_1459 : i32 to vector<16xi32>
    %add3A_1461 = arith.addi %get3A_1458, %add3A_1460 : vector<16xi32>
    %gather3A_1462 = tpu.vector_load_idx %arg6[%add3A_1461] : memref<4096xf32, #tpu.memory_space<vmem>>[vector<16xi32>], vector<16xf32>,
    %swap3A_1463 = arith.constant 0 : i32
    %swap3A_1464 = arith.index_cast %swap3A_1463 : i32 to index
    %swap3A_1465 = arith.constant 672 : index
    %swap3A_1466 = tpu.vector_load %arg7[%swap3A_1464, %swap3A_1465] {strides = array<i32>} : memref<4x1024xf32, #tpu.memory_space<vmem>>, vector<16xf32>,
    tpu.vector_store %arg7[%swap3A_1464, %swap3A_1465], %gather3A_1462 {strides = array<i32>} : memref<4x1024xf32, #tpu.memory_space<vmem>>, vector<16xf32>,
    %add3A_1467 = arith.constant 1024 : i32
    %add3A_1468 = vector.broadcast %add3A_1467 : i32 to vector<16xi32>
    %add3A_1469 = arith.addi %get3A_1458, %add3A_1468 : vector<16xi32>
    %gather3A_1470 = tpu.vector_load_idx %arg6[%add3A_1469] : memref<4096xf32, #tpu.memory_space<vmem>>[vector<16xi32>], vector<16xf32>,
    %swap3A_1471 = arith.constant 1 : i32
    %swap3A_1472 = arith.index_cast %swap3A_1471 : i32 to index
    %swap3A_1473 = arith.constant 672 : index
    %swap3A_1474 = tpu.vector_load %arg7[%swap3A_1472, %swap3A_1473] {strides = array<i32>} : memref<4x1024xf32, #tpu.memory_space<vmem>>, vector<16xf32>,
    tpu.vector_store %arg7[%swap3A_1472, %swap3A_1473], %gather3A_1470 {strides = array<i32>} : memref<4x1024xf32, #tpu.memory_space<vmem>>, vector<16xf32>,
    %add3A_1475 = arith.constant 2048 : i32
    %add3A_1476 = vector.broadcast %add3A_1475 : i32 to vector<16xi32>
    %add3A_1477 = arith.addi %get3A_1458, %add3A_1476 : vector<16xi32>
    %gather3A_1478 = tpu.vector_load_idx %arg6[%add3A_1477] : memref<4096xf32, #tpu.memory_space<vmem>>[vector<16xi32>], vector<16xf32>,
    %swap3A_1479 = arith.constant 2 : i32
    %swap3A_1480 = arith.index_cast %swap3A_1479 : i32 to index
    %swap3A_1481 = arith.constant 672 : index
    %swap3A_1482 = tpu.vector_load %arg7[%swap3A_1480, %swap3A_1481] {strides = array<i32>} : memref<4x1024xf32, #tpu.memory_space<vmem>>, vector<16xf32>,
    tpu.vector_store %arg7[%swap3A_1480, %swap3A_1481], %gather3A_1478 {strides = array<i32>} : memref<4x1024xf32, #tpu.memory_space<vmem>>, vector<16xf32>,
    %add3A_1483 = arith.constant 3072 : i32
    %add3A_1484 = vector.broadcast %add3A_1483 : i32 to vector<16xi32>
    %add3A_1485 = arith.addi %get3A_1458, %add3A_1484 : vector<16xi32>
    %gather3A_1486 = tpu.vector_load_idx %arg6[%add3A_1485] : memref<4096xf32, #tpu.memory_space<vmem>>[vector<16xi32>], vector<16xf32>,
    %swap3A_1487 = arith.constant 3 : i32
    %swap3A_1488 = arith.index_cast %swap3A_1487 : i32 to index
    %swap3A_1489 = arith.constant 672 : index
    %swap3A_1490 = tpu.vector_load %arg7[%swap3A_1488, %swap3A_1489] {strides = array<i32>} : memref<4x1024xf32, #tpu.memory_space<vmem>>, vector<16xf32>,
    tpu.vector_store %arg7[%swap3A_1488, %swap3A_1489], %gather3A_1486 {strides = array<i32>} : memref<4x1024xf32, #tpu.memory_space<vmem>>, vector<16xf32>,
    %get3A_1491 = arith.constant 688 : index
    %get3A_1492 = tpu.vector_load %arg5[%get3A_1491] {strides = array<i32>} : memref<1024xi32, #tpu.memory_space<vmem>>, vector<16xi32>,
    %add3A_1493 = arith.constant 0 : i32
    %add3A_1494 = vector.broadcast %add3A_1493 : i32 to vector<16xi32>
    %add3A_1495 = arith.addi %get3A_1492, %add3A_1494 : vector<16xi32>
    %gather3A_1496 = tpu.vector_load_idx %arg6[%add3A_1495] : memref<4096xf32, #tpu.memory_space<vmem>>[vector<16xi32>], vector<16xf32>,
    %swap3A_1497 = arith.constant 0 : i32
    %swap3A_1498 = arith.index_cast %swap3A_1497 : i32 to index
    %swap3A_1499 = arith.constant 688 : index
    %swap3A_1500 = tpu.vector_load %arg7[%swap3A_1498, %swap3A_1499] {strides = array<i32>} : memref<4x1024xf32, #tpu.memory_space<vmem>>, vector<16xf32>,
    tpu.vector_store %arg7[%swap3A_1498, %swap3A_1499], %gather3A_1496 {strides = array<i32>} : memref<4x1024xf32, #tpu.memory_space<vmem>>, vector<16xf32>,
    %add3A_1501 = arith.constant 1024 : i32
    %add3A_1502 = vector.broadcast %add3A_1501 : i32 to vector<16xi32>
    %add3A_1503 = arith.addi %get3A_1492, %add3A_1502 : vector<16xi32>
    %gather3A_1504 = tpu.vector_load_idx %arg6[%add3A_1503] : memref<4096xf32, #tpu.memory_space<vmem>>[vector<16xi32>], vector<16xf32>,
    %swap3A_1505 = arith.constant 1 : i32
    %swap3A_1506 = arith.index_cast %swap3A_1505 : i32 to index
    %swap3A_1507 = arith.constant 688 : index
    %swap3A_1508 = tpu.vector_load %arg7[%swap3A_1506, %swap3A_1507] {strides = array<i32>} : memref<4x1024xf32, #tpu.memory_space<vmem>>, vector<16xf32>,
    tpu.vector_store %arg7[%swap3A_1506, %swap3A_1507], %gather3A_1504 {strides = array<i32>} : memref<4x1024xf32, #tpu.memory_space<vmem>>, vector<16xf32>,
    %add3A_1509 = arith.constant 2048 : i32
    %add3A_1510 = vector.broadcast %add3A_1509 : i32 to vector<16xi32>
    %add3A_1511 = arith.addi %get3A_1492, %add3A_1510 : vector<16xi32>
    %gather3A_1512 = tpu.vector_load_idx %arg6[%add3A_1511] : memref<4096xf32, #tpu.memory_space<vmem>>[vector<16xi32>], vector<16xf32>,
    %swap3A_1513 = arith.constant 2 : i32
    %swap3A_1514 = arith.index_cast %swap3A_1513 : i32 to index
    %swap3A_1515 = arith.constant 688 : index
    %swap3A_1516 = tpu.vector_load %arg7[%swap3A_1514, %swap3A_1515] {strides = array<i32>} : memref<4x1024xf32, #tpu.memory_space<vmem>>, vector<16xf32>,
    tpu.vector_store %arg7[%swap3A_1514, %swap3A_1515], %gather3A_1512 {strides = array<i32>} : memref<4x1024xf32, #tpu.memory_space<vmem>>, vector<16xf32>,
    %add3A_1517 = arith.constant 3072 : i32
    %add3A_1518 = vector.broadcast %add3A_1517 : i32 to vector<16xi32>
    %add3A_1519 = arith.addi %get3A_1492, %add3A_1518 : vector<16xi32>
    %gather3A_1520 = tpu.vector_load_idx %arg6[%add3A_1519] : memref<4096xf32, #tpu.memory_space<vmem>>[vector<16xi32>], vector<16xf32>,
    %swap3A_1521 = arith.constant 3 : i32
    %swap3A_1522 = arith.index_cast %swap3A_1521 : i32 to index
    %swap3A_1523 = arith.constant 688 : index
    %swap3A_1524 = tpu.vector_load %arg7[%swap3A_1522, %swap3A_1523] {strides = array<i32>} : memref<4x1024xf32, #tpu.memory_space<vmem>>, vector<16xf32>,
    tpu.vector_store %arg7[%swap3A_1522, %swap3A_1523], %gather3A_1520 {strides = array<i32>} : memref<4x1024xf32, #tpu.memory_space<vmem>>, vector<16xf32>,
    %get3A_1525 = arith.constant 704 : index
    %get3A_1526 = tpu.vector_load %arg5[%get3A_1525] {strides = array<i32>} : memref<1024xi32, #tpu.memory_space<vmem>>, vector<16xi32>,
    %add3A_1527 = arith.constant 0 : i32
    %add3A_1528 = vector.broadcast %add3A_1527 : i32 to vector<16xi32>
    %add3A_1529 = arith.addi %get3A_1526, %add3A_1528 : vector<16xi32>
    %gather3A_1530 = tpu.vector_load_idx %arg6[%add3A_1529] : memref<4096xf32, #tpu.memory_space<vmem>>[vector<16xi32>], vector<16xf32>,
    %swap3A_1531 = arith.constant 0 : i32
    %swap3A_1532 = arith.index_cast %swap3A_1531 : i32 to index
    %swap3A_1533 = arith.constant 704 : index
    %swap3A_1534 = tpu.vector_load %arg7[%swap3A_1532, %swap3A_1533] {strides = array<i32>} : memref<4x1024xf32, #tpu.memory_space<vmem>>, vector<16xf32>,
    tpu.vector_store %arg7[%swap3A_1532, %swap3A_1533], %gather3A_1530 {strides = array<i32>} : memref<4x1024xf32, #tpu.memory_space<vmem>>, vector<16xf32>,
    %add3A_1535 = arith.constant 1024 : i32
    %add3A_1536 = vector.broadcast %add3A_1535 : i32 to vector<16xi32>
    %add3A_1537 = arith.addi %get3A_1526, %add3A_1536 : vector<16xi32>
    %gather3A_1538 = tpu.vector_load_idx %arg6[%add3A_1537] : memref<4096xf32, #tpu.memory_space<vmem>>[vector<16xi32>], vector<16xf32>,
    %swap3A_1539 = arith.constant 1 : i32
    %swap3A_1540 = arith.index_cast %swap3A_1539 : i32 to index
    %swap3A_1541 = arith.constant 704 : index
    %swap3A_1542 = tpu.vector_load %arg7[%swap3A_1540, %swap3A_1541] {strides = array<i32>} : memref<4x1024xf32, #tpu.memory_space<vmem>>, vector<16xf32>,
    tpu.vector_store %arg7[%swap3A_1540, %swap3A_1541], %gather3A_1538 {strides = array<i32>} : memref<4x1024xf32, #tpu.memory_space<vmem>>, vector<16xf32>,
    %add3A_1543 = arith.constant 2048 : i32
    %add3A_1544 = vector.broadcast %add3A_1543 : i32 to vector<16xi32>
    %add3A_1545 = arith.addi %get3A_1526, %add3A_1544 : vector<16xi32>
    %gather3A_1546 = tpu.vector_load_idx %arg6[%add3A_1545] : memref<4096xf32, #tpu.memory_space<vmem>>[vector<16xi32>], vector<16xf32>,
    %swap3A_1547 = arith.constant 2 : i32
    %swap3A_1548 = arith.index_cast %swap3A_1547 : i32 to index
    %swap3A_1549 = arith.constant 704 : index
    %swap3A_1550 = tpu.vector_load %arg7[%swap3A_1548, %swap3A_1549] {strides = array<i32>} : memref<4x1024xf32, #tpu.memory_space<vmem>>, vector<16xf32>,
    tpu.vector_store %arg7[%swap3A_1548, %swap3A_1549], %gather3A_1546 {strides = array<i32>} : memref<4x1024xf32, #tpu.memory_space<vmem>>, vector<16xf32>,
    %add3A_1551 = arith.constant 3072 : i32
    %add3A_1552 = vector.broadcast %add3A_1551 : i32 to vector<16xi32>
    %add3A_1553 = arith.addi %get3A_1526, %add3A_1552 : vector<16xi32>
    %gather3A_1554 = tpu.vector_load_idx %arg6[%add3A_1553] : memref<4096xf32, #tpu.memory_space<vmem>>[vector<16xi32>], vector<16xf32>,
    %swap3A_1555 = arith.constant 3 : i32
    %swap3A_1556 = arith.index_cast %swap3A_1555 : i32 to index
    %swap3A_1557 = arith.constant 704 : index
    %swap3A_1558 = tpu.vector_load %arg7[%swap3A_1556, %swap3A_1557] {strides = array<i32>} : memref<4x1024xf32, #tpu.memory_space<vmem>>, vector<16xf32>,
    tpu.vector_store %arg7[%swap3A_1556, %swap3A_1557], %gather3A_1554 {strides = array<i32>} : memref<4x1024xf32, #tpu.memory_space<vmem>>, vector<16xf32>,
    %get3A_1559 = arith.constant 720 : index
    %get3A_1560 = tpu.vector_load %arg5[%get3A_1559] {strides = array<i32>} : memref<1024xi32, #tpu.memory_space<vmem>>, vector<16xi32>,
    %add3A_1561 = arith.constant 0 : i32
    %add3A_1562 = vector.broadcast %add3A_1561 : i32 to vector<16xi32>
    %add3A_1563 = arith.addi %get3A_1560, %add3A_1562 : vector<16xi32>
    %gather3A_1564 = tpu.vector_load_idx %arg6[%add3A_1563] : memref<4096xf32, #tpu.memory_space<vmem>>[vector<16xi32>], vector<16xf32>,
    %swap3A_1565 = arith.constant 0 : i32
    %swap3A_1566 = arith.index_cast %swap3A_1565 : i32 to index
    %swap3A_1567 = arith.constant 720 : index
    %swap3A_1568 = tpu.vector_load %arg7[%swap3A_1566, %swap3A_1567] {strides = array<i32>} : memref<4x1024xf32, #tpu.memory_space<vmem>>, vector<16xf32>,
    tpu.vector_store %arg7[%swap3A_1566, %swap3A_1567], %gather3A_1564 {strides = array<i32>} : memref<4x1024xf32, #tpu.memory_space<vmem>>, vector<16xf32>,
    %add3A_1569 = arith.constant 1024 : i32
    %add3A_1570 = vector.broadcast %add3A_1569 : i32 to vector<16xi32>
    %add3A_1571 = arith.addi %get3A_1560, %add3A_1570 : vector<16xi32>
    %gather3A_1572 = tpu.vector_load_idx %arg6[%add3A_1571] : memref<4096xf32, #tpu.memory_space<vmem>>[vector<16xi32>], vector<16xf32>,
    %swap3A_1573 = arith.constant 1 : i32
    %swap3A_1574 = arith.index_cast %swap3A_1573 : i32 to index
    %swap3A_1575 = arith.constant 720 : index
    %swap3A_1576 = tpu.vector_load %arg7[%swap3A_1574, %swap3A_1575] {strides = array<i32>} : memref<4x1024xf32, #tpu.memory_space<vmem>>, vector<16xf32>,
    tpu.vector_store %arg7[%swap3A_1574, %swap3A_1575], %gather3A_1572 {strides = array<i32>} : memref<4x1024xf32, #tpu.memory_space<vmem>>, vector<16xf32>,
    %add3A_1577 = arith.constant 2048 : i32
    %add3A_1578 = vector.broadcast %add3A_1577 : i32 to vector<16xi32>
    %add3A_1579 = arith.addi %get3A_1560, %add3A_1578 : vector<16xi32>
    %gather3A_1580 = tpu.vector_load_idx %arg6[%add3A_1579] : memref<4096xf32, #tpu.memory_space<vmem>>[vector<16xi32>], vector<16xf32>,
    %swap3A_1581 = arith.constant 2 : i32
    %swap3A_1582 = arith.index_cast %swap3A_1581 : i32 to index
    %swap3A_1583 = arith.constant 720 : index
    %swap3A_1584 = tpu.vector_load %arg7[%swap3A_1582, %swap3A_1583] {strides = array<i32>} : memref<4x1024xf32, #tpu.memory_space<vmem>>, vector<16xf32>,
    tpu.vector_store %arg7[%swap3A_1582, %swap3A_1583], %gather3A_1580 {strides = array<i32>} : memref<4x1024xf32, #tpu.memory_space<vmem>>, vector<16xf32>,
    %add3A_1585 = arith.constant 3072 : i32
    %add3A_1586 = vector.broadcast %add3A_1585 : i32 to vector<16xi32>
    %add3A_1587 = arith.addi %get3A_1560, %add3A_1586 : vector<16xi32>
    %gather3A_1588 = tpu.vector_load_idx %arg6[%add3A_1587] : memref<4096xf32, #tpu.memory_space<vmem>>[vector<16xi32>], vector<16xf32>,
    %swap3A_1589 = arith.constant 3 : i32
    %swap3A_1590 = arith.index_cast %swap3A_1589 : i32 to index
    %swap3A_1591 = arith.constant 720 : index
    %swap3A_1592 = tpu.vector_load %arg7[%swap3A_1590, %swap3A_1591] {strides = array<i32>} : memref<4x1024xf32, #tpu.memory_space<vmem>>, vector<16xf32>,
    tpu.vector_store %arg7[%swap3A_1590, %swap3A_1591], %gather3A_1588 {strides = array<i32>} : memref<4x1024xf32, #tpu.memory_space<vmem>>, vector<16xf32>,
    %get3A_1593 = arith.constant 736 : index
    %get3A_1594 = tpu.vector_load %arg5[%get3A_1593] {strides = array<i32>} : memref<1024xi32, #tpu.memory_space<vmem>>, vector<16xi32>,
    %add3A_1595 = arith.constant 0 : i32
    %add3A_1596 = vector.broadcast %add3A_1595 : i32 to vector<16xi32>
    %add3A_1597 = arith.addi %get3A_1594, %add3A_1596 : vector<16xi32>
    %gather3A_1598 = tpu.vector_load_idx %arg6[%add3A_1597] : memref<4096xf32, #tpu.memory_space<vmem>>[vector<16xi32>], vector<16xf32>,
    %swap3A_1599 = arith.constant 0 : i32
    %swap3A_1600 = arith.index_cast %swap3A_1599 : i32 to index
    %swap3A_1601 = arith.constant 736 : index
    %swap3A_1602 = tpu.vector_load %arg7[%swap3A_1600, %swap3A_1601] {strides = array<i32>} : memref<4x1024xf32, #tpu.memory_space<vmem>>, vector<16xf32>,
    tpu.vector_store %arg7[%swap3A_1600, %swap3A_1601], %gather3A_1598 {strides = array<i32>} : memref<4x1024xf32, #tpu.memory_space<vmem>>, vector<16xf32>,
    %add3A_1603 = arith.constant 1024 : i32
    %add3A_1604 = vector.broadcast %add3A_1603 : i32 to vector<16xi32>
    %add3A_1605 = arith.addi %get3A_1594, %add3A_1604 : vector<16xi32>
    %gather3A_1606 = tpu.vector_load_idx %arg6[%add3A_1605] : memref<4096xf32, #tpu.memory_space<vmem>>[vector<16xi32>], vector<16xf32>,
    %swap3A_1607 = arith.constant 1 : i32
    %swap3A_1608 = arith.index_cast %swap3A_1607 : i32 to index
    %swap3A_1609 = arith.constant 736 : index
    %swap3A_1610 = tpu.vector_load %arg7[%swap3A_1608, %swap3A_1609] {strides = array<i32>} : memref<4x1024xf32, #tpu.memory_space<vmem>>, vector<16xf32>,
    tpu.vector_store %arg7[%swap3A_1608, %swap3A_1609], %gather3A_1606 {strides = array<i32>} : memref<4x1024xf32, #tpu.memory_space<vmem>>, vector<16xf32>,
    %add3A_1611 = arith.constant 2048 : i32
    %add3A_1612 = vector.broadcast %add3A_1611 : i32 to vector<16xi32>
    %add3A_1613 = arith.addi %get3A_1594, %add3A_1612 : vector<16xi32>
    %gather3A_1614 = tpu.vector_load_idx %arg6[%add3A_1613] : memref<4096xf32, #tpu.memory_space<vmem>>[vector<16xi32>], vector<16xf32>,
    %swap3A_1615 = arith.constant 2 : i32
    %swap3A_1616 = arith.index_cast %swap3A_1615 : i32 to index
    %swap3A_1617 = arith.constant 736 : index
    %swap3A_1618 = tpu.vector_load %arg7[%swap3A_1616, %swap3A_1617] {strides = array<i32>} : memref<4x1024xf32, #tpu.memory_space<vmem>>, vector<16xf32>,
    tpu.vector_store %arg7[%swap3A_1616, %swap3A_1617], %gather3A_1614 {strides = array<i32>} : memref<4x1024xf32, #tpu.memory_space<vmem>>, vector<16xf32>,
    %add3A_1619 = arith.constant 3072 : i32
    %add3A_1620 = vector.broadcast %add3A_1619 : i32 to vector<16xi32>
    %add3A_1621 = arith.addi %get3A_1594, %add3A_1620 : vector<16xi32>
    %gather3A_1622 = tpu.vector_load_idx %arg6[%add3A_1621] : memref<4096xf32, #tpu.memory_space<vmem>>[vector<16xi32>], vector<16xf32>,
    %swap3A_1623 = arith.constant 3 : i32
    %swap3A_1624 = arith.index_cast %swap3A_1623 : i32 to index
    %swap3A_1625 = arith.constant 736 : index
    %swap3A_1626 = tpu.vector_load %arg7[%swap3A_1624, %swap3A_1625] {strides = array<i32>} : memref<4x1024xf32, #tpu.memory_space<vmem>>, vector<16xf32>,
    tpu.vector_store %arg7[%swap3A_1624, %swap3A_1625], %gather3A_1622 {strides = array<i32>} : memref<4x1024xf32, #tpu.memory_space<vmem>>, vector<16xf32>,
    %get3A_1627 = arith.constant 752 : index
    %get3A_1628 = tpu.vector_load %arg5[%get3A_1627] {strides = array<i32>} : memref<1024xi32, #tpu.memory_space<vmem>>, vector<16xi32>,
    %add3A_1629 = arith.constant 0 : i32
    %add3A_1630 = vector.broadcast %add3A_1629 : i32 to vector<16xi32>
    %add3A_1631 = arith.addi %get3A_1628, %add3A_1630 : vector<16xi32>
    %gather3A_1632 = tpu.vector_load_idx %arg6[%add3A_1631] : memref<4096xf32, #tpu.memory_space<vmem>>[vector<16xi32>], vector<16xf32>,
    %swap3A_1633 = arith.constant 0 : i32
    %swap3A_1634 = arith.index_cast %swap3A_1633 : i32 to index
    %swap3A_1635 = arith.constant 752 : index
    %swap3A_1636 = tpu.vector_load %arg7[%swap3A_1634, %swap3A_1635] {strides = array<i32>} : memref<4x1024xf32, #tpu.memory_space<vmem>>, vector<16xf32>,
    tpu.vector_store %arg7[%swap3A_1634, %swap3A_1635], %gather3A_1632 {strides = array<i32>} : memref<4x1024xf32, #tpu.memory_space<vmem>>, vector<16xf32>,
    %add3A_1637 = arith.constant 1024 : i32
    %add3A_1638 = vector.broadcast %add3A_1637 : i32 to vector<16xi32>
    %add3A_1639 = arith.addi %get3A_1628, %add3A_1638 : vector<16xi32>
    %gather3A_1640 = tpu.vector_load_idx %arg6[%add3A_1639] : memref<4096xf32, #tpu.memory_space<vmem>>[vector<16xi32>], vector<16xf32>,
    %swap3A_1641 = arith.constant 1 : i32
    %swap3A_1642 = arith.index_cast %swap3A_1641 : i32 to index
    %swap3A_1643 = arith.constant 752 : index
    %swap3A_1644 = tpu.vector_load %arg7[%swap3A_1642, %swap3A_1643] {strides = array<i32>} : memref<4x1024xf32, #tpu.memory_space<vmem>>, vector<16xf32>,
    tpu.vector_store %arg7[%swap3A_1642, %swap3A_1643], %gather3A_1640 {strides = array<i32>} : memref<4x1024xf32, #tpu.memory_space<vmem>>, vector<16xf32>,
    %add3A_1645 = arith.constant 2048 : i32
    %add3A_1646 = vector.broadcast %add3A_1645 : i32 to vector<16xi32>
    %add3A_1647 = arith.addi %get3A_1628, %add3A_1646 : vector<16xi32>
    %gather3A_1648 = tpu.vector_load_idx %arg6[%add3A_1647] : memref<4096xf32, #tpu.memory_space<vmem>>[vector<16xi32>], vector<16xf32>,
    %swap3A_1649 = arith.constant 2 : i32
    %swap3A_1650 = arith.index_cast %swap3A_1649 : i32 to index
    %swap3A_1651 = arith.constant 752 : index
    %swap3A_1652 = tpu.vector_load %arg7[%swap3A_1650, %swap3A_1651] {strides = array<i32>} : memref<4x1024xf32, #tpu.memory_space<vmem>>, vector<16xf32>,
    tpu.vector_store %arg7[%swap3A_1650, %swap3A_1651], %gather3A_1648 {strides = array<i32>} : memref<4x1024xf32, #tpu.memory_space<vmem>>, vector<16xf32>,
    %add3A_1653 = arith.constant 3072 : i32
    %add3A_1654 = vector.broadcast %add3A_1653 : i32 to vector<16xi32>
    %add3A_1655 = arith.addi %get3A_1628, %add3A_1654 : vector<16xi32>
    %gather3A_1656 = tpu.vector_load_idx %arg6[%add3A_1655] : memref<4096xf32, #tpu.memory_space<vmem>>[vector<16xi32>], vector<16xf32>,
    %swap3A_1657 = arith.constant 3 : i32
    %swap3A_1658 = arith.index_cast %swap3A_1657 : i32 to index
    %swap3A_1659 = arith.constant 752 : index
    %swap3A_1660 = tpu.vector_load %arg7[%swap3A_1658, %swap3A_1659] {strides = array<i32>} : memref<4x1024xf32, #tpu.memory_space<vmem>>, vector<16xf32>,
    tpu.vector_store %arg7[%swap3A_1658, %swap3A_1659], %gather3A_1656 {strides = array<i32>} : memref<4x1024xf32, #tpu.memory_space<vmem>>, vector<16xf32>,
    %get3A_1661 = arith.constant 768 : index
    %get3A_1662 = tpu.vector_load %arg5[%get3A_1661] {strides = array<i32>} : memref<1024xi32, #tpu.memory_space<vmem>>, vector<16xi32>,
    %add3A_1663 = arith.constant 0 : i32
    %add3A_1664 = vector.broadcast %add3A_1663 : i32 to vector<16xi32>
    %add3A_1665 = arith.addi %get3A_1662, %add3A_1664 : vector<16xi32>
    %gather3A_1666 = tpu.vector_load_idx %arg6[%add3A_1665] : memref<4096xf32, #tpu.memory_space<vmem>>[vector<16xi32>], vector<16xf32>,
    %swap3A_1667 = arith.constant 0 : i32
    %swap3A_1668 = arith.index_cast %swap3A_1667 : i32 to index
    %swap3A_1669 = arith.constant 768 : index
    %swap3A_1670 = tpu.vector_load %arg7[%swap3A_1668, %swap3A_1669] {strides = array<i32>} : memref<4x1024xf32, #tpu.memory_space<vmem>>, vector<16xf32>,
    tpu.vector_store %arg7[%swap3A_1668, %swap3A_1669], %gather3A_1666 {strides = array<i32>} : memref<4x1024xf32, #tpu.memory_space<vmem>>, vector<16xf32>,
    %add3A_1671 = arith.constant 1024 : i32
    %add3A_1672 = vector.broadcast %add3A_1671 : i32 to vector<16xi32>
    %add3A_1673 = arith.addi %get3A_1662, %add3A_1672 : vector<16xi32>
    %gather3A_1674 = tpu.vector_load_idx %arg6[%add3A_1673] : memref<4096xf32, #tpu.memory_space<vmem>>[vector<16xi32>], vector<16xf32>,
    %swap3A_1675 = arith.constant 1 : i32
    %swap3A_1676 = arith.index_cast %swap3A_1675 : i32 to index
    %swap3A_1677 = arith.constant 768 : index
    %swap3A_1678 = tpu.vector_load %arg7[%swap3A_1676, %swap3A_1677] {strides = array<i32>} : memref<4x1024xf32, #tpu.memory_space<vmem>>, vector<16xf32>,
    tpu.vector_store %arg7[%swap3A_1676, %swap3A_1677], %gather3A_1674 {strides = array<i32>} : memref<4x1024xf32, #tpu.memory_space<vmem>>, vector<16xf32>,
    %add3A_1679 = arith.constant 2048 : i32
    %add3A_1680 = vector.broadcast %add3A_1679 : i32 to vector<16xi32>
    %add3A_1681 = arith.addi %get3A_1662, %add3A_1680 : vector<16xi32>
    %gather3A_1682 = tpu.vector_load_idx %arg6[%add3A_1681] : memref<4096xf32, #tpu.memory_space<vmem>>[vector<16xi32>], vector<16xf32>,
    %swap3A_1683 = arith.constant 2 : i32
    %swap3A_1684 = arith.index_cast %swap3A_1683 : i32 to index
    %swap3A_1685 = arith.constant 768 : index
    %swap3A_1686 = tpu.vector_load %arg7[%swap3A_1684, %swap3A_1685] {strides = array<i32>} : memref<4x1024xf32, #tpu.memory_space<vmem>>, vector<16xf32>,
    tpu.vector_store %arg7[%swap3A_1684, %swap3A_1685], %gather3A_1682 {strides = array<i32>} : memref<4x1024xf32, #tpu.memory_space<vmem>>, vector<16xf32>,
    %add3A_1687 = arith.constant 3072 : i32
    %add3A_1688 = vector.broadcast %add3A_1687 : i32 to vector<16xi32>
    %add3A_1689 = arith.addi %get3A_1662, %add3A_1688 : vector<16xi32>
    %gather3A_1690 = tpu.vector_load_idx %arg6[%add3A_1689] : memref<4096xf32, #tpu.memory_space<vmem>>[vector<16xi32>], vector<16xf32>,
    %swap3A_1691 = arith.constant 3 : i32
    %swap3A_1692 = arith.index_cast %swap3A_1691 : i32 to index
    %swap3A_1693 = arith.constant 768 : index
    %swap3A_1694 = tpu.vector_load %arg7[%swap3A_1692, %swap3A_1693] {strides = array<i32>} : memref<4x1024xf32, #tpu.memory_space<vmem>>, vector<16xf32>,
    tpu.vector_store %arg7[%swap3A_1692, %swap3A_1693], %gather3A_1690 {strides = array<i32>} : memref<4x1024xf32, #tpu.memory_space<vmem>>, vector<16xf32>,
    %get3A_1695 = arith.constant 784 : index
    %get3A_1696 = tpu.vector_load %arg5[%get3A_1695] {strides = array<i32>} : memref<1024xi32, #tpu.memory_space<vmem>>, vector<16xi32>,
    %add3A_1697 = arith.constant 0 : i32
    %add3A_1698 = vector.broadcast %add3A_1697 : i32 to vector<16xi32>
    %add3A_1699 = arith.addi %get3A_1696, %add3A_1698 : vector<16xi32>
    %gather3A_1700 = tpu.vector_load_idx %arg6[%add3A_1699] : memref<4096xf32, #tpu.memory_space<vmem>>[vector<16xi32>], vector<16xf32>,
    %swap3A_1701 = arith.constant 0 : i32
    %swap3A_1702 = arith.index_cast %swap3A_1701 : i32 to index
    %swap3A_1703 = arith.constant 784 : index
    %swap3A_1704 = tpu.vector_load %arg7[%swap3A_1702, %swap3A_1703] {strides = array<i32>} : memref<4x1024xf32, #tpu.memory_space<vmem>>, vector<16xf32>,
    tpu.vector_store %arg7[%swap3A_1702, %swap3A_1703], %gather3A_1700 {strides = array<i32>} : memref<4x1024xf32, #tpu.memory_space<vmem>>, vector<16xf32>,
    %add3A_1705 = arith.constant 1024 : i32
    %add3A_1706 = vector.broadcast %add3A_1705 : i32 to vector<16xi32>
    %add3A_1707 = arith.addi %get3A_1696, %add3A_1706 : vector<16xi32>
    %gather3A_1708 = tpu.vector_load_idx %arg6[%add3A_1707] : memref<4096xf32, #tpu.memory_space<vmem>>[vector<16xi32>], vector<16xf32>,
    %swap3A_1709 = arith.constant 1 : i32
    %swap3A_1710 = arith.index_cast %swap3A_1709 : i32 to index
    %swap3A_1711 = arith.constant 784 : index
    %swap3A_1712 = tpu.vector_load %arg7[%swap3A_1710, %swap3A_1711] {strides = array<i32>} : memref<4x1024xf32, #tpu.memory_space<vmem>>, vector<16xf32>,
    tpu.vector_store %arg7[%swap3A_1710, %swap3A_1711], %gather3A_1708 {strides = array<i32>} : memref<4x1024xf32, #tpu.memory_space<vmem>>, vector<16xf32>,
    %add3A_1713 = arith.constant 2048 : i32
    %add3A_1714 = vector.broadcast %add3A_1713 : i32 to vector<16xi32>
    %add3A_1715 = arith.addi %get3A_1696, %add3A_1714 : vector<16xi32>
    %gather3A_1716 = tpu.vector_load_idx %arg6[%add3A_1715] : memref<4096xf32, #tpu.memory_space<vmem>>[vector<16xi32>], vector<16xf32>,
    %swap3A_1717 = arith.constant 2 : i32
    %swap3A_1718 = arith.index_cast %swap3A_1717 : i32 to index
    %swap3A_1719 = arith.constant 784 : index
    %swap3A_1720 = tpu.vector_load %arg7[%swap3A_1718, %swap3A_1719] {strides = array<i32>} : memref<4x1024xf32, #tpu.memory_space<vmem>>, vector<16xf32>,
    tpu.vector_store %arg7[%swap3A_1718, %swap3A_1719], %gather3A_1716 {strides = array<i32>} : memref<4x1024xf32, #tpu.memory_space<vmem>>, vector<16xf32>,
    %add3A_1721 = arith.constant 3072 : i32
    %add3A_1722 = vector.broadcast %add3A_1721 : i32 to vector<16xi32>
    %add3A_1723 = arith.addi %get3A_1696, %add3A_1722 : vector<16xi32>
    %gather3A_1724 = tpu.vector_load_idx %arg6[%add3A_1723] : memref<4096xf32, #tpu.memory_space<vmem>>[vector<16xi32>], vector<16xf32>,
    %swap3A_1725 = arith.constant 3 : i32
    %swap3A_1726 = arith.index_cast %swap3A_1725 : i32 to index
    %swap3A_1727 = arith.constant 784 : index
    %swap3A_1728 = tpu.vector_load %arg7[%swap3A_1726, %swap3A_1727] {strides = array<i32>} : memref<4x1024xf32, #tpu.memory_space<vmem>>, vector<16xf32>,
    tpu.vector_store %arg7[%swap3A_1726, %swap3A_1727], %gather3A_1724 {strides = array<i32>} : memref<4x1024xf32, #tpu.memory_space<vmem>>, vector<16xf32>,
    %get3A_1729 = arith.constant 800 : index
    %get3A_1730 = tpu.vector_load %arg5[%get3A_1729] {strides = array<i32>} : memref<1024xi32, #tpu.memory_space<vmem>>, vector<16xi32>,
    %add3A_1731 = arith.constant 0 : i32
    %add3A_1732 = vector.broadcast %add3A_1731 : i32 to vector<16xi32>
    %add3A_1733 = arith.addi %get3A_1730, %add3A_1732 : vector<16xi32>
    %gather3A_1734 = tpu.vector_load_idx %arg6[%add3A_1733] : memref<4096xf32, #tpu.memory_space<vmem>>[vector<16xi32>], vector<16xf32>,
    %swap3A_1735 = arith.constant 0 : i32
    %swap3A_1736 = arith.index_cast %swap3A_1735 : i32 to index
    %swap3A_1737 = arith.constant 800 : index
    %swap3A_1738 = tpu.vector_load %arg7[%swap3A_1736, %swap3A_1737] {strides = array<i32>} : memref<4x1024xf32, #tpu.memory_space<vmem>>, vector<16xf32>,
    tpu.vector_store %arg7[%swap3A_1736, %swap3A_1737], %gather3A_1734 {strides = array<i32>} : memref<4x1024xf32, #tpu.memory_space<vmem>>, vector<16xf32>,
    %add3A_1739 = arith.constant 1024 : i32
    %add3A_1740 = vector.broadcast %add3A_1739 : i32 to vector<16xi32>
    %add3A_1741 = arith.addi %get3A_1730, %add3A_1740 : vector<16xi32>
    %gather3A_1742 = tpu.vector_load_idx %arg6[%add3A_1741] : memref<4096xf32, #tpu.memory_space<vmem>>[vector<16xi32>], vector<16xf32>,
    %swap3A_1743 = arith.constant 1 : i32
    %swap3A_1744 = arith.index_cast %swap3A_1743 : i32 to index
    %swap3A_1745 = arith.constant 800 : index
    %swap3A_1746 = tpu.vector_load %arg7[%swap3A_1744, %swap3A_1745] {strides = array<i32>} : memref<4x1024xf32, #tpu.memory_space<vmem>>, vector<16xf32>,
    tpu.vector_store %arg7[%swap3A_1744, %swap3A_1745], %gather3A_1742 {strides = array<i32>} : memref<4x1024xf32, #tpu.memory_space<vmem>>, vector<16xf32>,
    %add3A_1747 = arith.constant 2048 : i32
    %add3A_1748 = vector.broadcast %add3A_1747 : i32 to vector<16xi32>
    %add3A_1749 = arith.addi %get3A_1730, %add3A_1748 : vector<16xi32>
    %gather3A_1750 = tpu.vector_load_idx %arg6[%add3A_1749] : memref<4096xf32, #tpu.memory_space<vmem>>[vector<16xi32>], vector<16xf32>,
    %swap3A_1751 = arith.constant 2 : i32
    %swap3A_1752 = arith.index_cast %swap3A_1751 : i32 to index
    %swap3A_1753 = arith.constant 800 : index
    %swap3A_1754 = tpu.vector_load %arg7[%swap3A_1752, %swap3A_1753] {strides = array<i32>} : memref<4x1024xf32, #tpu.memory_space<vmem>>, vector<16xf32>,
    tpu.vector_store %arg7[%swap3A_1752, %swap3A_1753], %gather3A_1750 {strides = array<i32>} : memref<4x1024xf32, #tpu.memory_space<vmem>>, vector<16xf32>,
    %add3A_1755 = arith.constant 3072 : i32
    %add3A_1756 = vector.broadcast %add3A_1755 : i32 to vector<16xi32>
    %add3A_1757 = arith.addi %get3A_1730, %add3A_1756 : vector<16xi32>
    %gather3A_1758 = tpu.vector_load_idx %arg6[%add3A_1757] : memref<4096xf32, #tpu.memory_space<vmem>>[vector<16xi32>], vector<16xf32>,
    %swap3A_1759 = arith.constant 3 : i32
    %swap3A_1760 = arith.index_cast %swap3A_1759 : i32 to index
    %swap3A_1761 = arith.constant 800 : index
    %swap3A_1762 = tpu.vector_load %arg7[%swap3A_1760, %swap3A_1761] {strides = array<i32>} : memref<4x1024xf32, #tpu.memory_space<vmem>>, vector<16xf32>,
    tpu.vector_store %arg7[%swap3A_1760, %swap3A_1761], %gather3A_1758 {strides = array<i32>} : memref<4x1024xf32, #tpu.memory_space<vmem>>, vector<16xf32>,
    %get3A_1763 = arith.constant 816 : index
    %get3A_1764 = tpu.vector_load %arg5[%get3A_1763] {strides = array<i32>} : memref<1024xi32, #tpu.memory_space<vmem>>, vector<16xi32>,
    %add3A_1765 = arith.constant 0 : i32
    %add3A_1766 = vector.broadcast %add3A_1765 : i32 to vector<16xi32>
    %add3A_1767 = arith.addi %get3A_1764, %add3A_1766 : vector<16xi32>
    %gather3A_1768 = tpu.vector_load_idx %arg6[%add3A_1767] : memref<4096xf32, #tpu.memory_space<vmem>>[vector<16xi32>], vector<16xf32>,
    %swap3A_1769 = arith.constant 0 : i32
    %swap3A_1770 = arith.index_cast %swap3A_1769 : i32 to index
    %swap3A_1771 = arith.constant 816 : index
    %swap3A_1772 = tpu.vector_load %arg7[%swap3A_1770, %swap3A_1771] {strides = array<i32>} : memref<4x1024xf32, #tpu.memory_space<vmem>>, vector<16xf32>,
    tpu.vector_store %arg7[%swap3A_1770, %swap3A_1771], %gather3A_1768 {strides = array<i32>} : memref<4x1024xf32, #tpu.memory_space<vmem>>, vector<16xf32>,
    %add3A_1773 = arith.constant 1024 : i32
    %add3A_1774 = vector.broadcast %add3A_1773 : i32 to vector<16xi32>
    %add3A_1775 = arith.addi %get3A_1764, %add3A_1774 : vector<16xi32>
    %gather3A_1776 = tpu.vector_load_idx %arg6[%add3A_1775] : memref<4096xf32, #tpu.memory_space<vmem>>[vector<16xi32>], vector<16xf32>,
    %swap3A_1777 = arith.constant 1 : i32
    %swap3A_1778 = arith.index_cast %swap3A_1777 : i32 to index
    %swap3A_1779 = arith.constant 816 : index
    %swap3A_1780 = tpu.vector_load %arg7[%swap3A_1778, %swap3A_1779] {strides = array<i32>} : memref<4x1024xf32, #tpu.memory_space<vmem>>, vector<16xf32>,
    tpu.vector_store %arg7[%swap3A_1778, %swap3A_1779], %gather3A_1776 {strides = array<i32>} : memref<4x1024xf32, #tpu.memory_space<vmem>>, vector<16xf32>,
    %add3A_1781 = arith.constant 2048 : i32
    %add3A_1782 = vector.broadcast %add3A_1781 : i32 to vector<16xi32>
    %add3A_1783 = arith.addi %get3A_1764, %add3A_1782 : vector<16xi32>
    %gather3A_1784 = tpu.vector_load_idx %arg6[%add3A_1783] : memref<4096xf32, #tpu.memory_space<vmem>>[vector<16xi32>], vector<16xf32>,
    %swap3A_1785 = arith.constant 2 : i32
    %swap3A_1786 = arith.index_cast %swap3A_1785 : i32 to index
    %swap3A_1787 = arith.constant 816 : index
    %swap3A_1788 = tpu.vector_load %arg7[%swap3A_1786, %swap3A_1787] {strides = array<i32>} : memref<4x1024xf32, #tpu.memory_space<vmem>>, vector<16xf32>,
    tpu.vector_store %arg7[%swap3A_1786, %swap3A_1787], %gather3A_1784 {strides = array<i32>} : memref<4x1024xf32, #tpu.memory_space<vmem>>, vector<16xf32>,
    %add3A_1789 = arith.constant 3072 : i32
    %add3A_1790 = vector.broadcast %add3A_1789 : i32 to vector<16xi32>
    %add3A_1791 = arith.addi %get3A_1764, %add3A_1790 : vector<16xi32>
    %gather3A_1792 = tpu.vector_load_idx %arg6[%add3A_1791] : memref<4096xf32, #tpu.memory_space<vmem>>[vector<16xi32>], vector<16xf32>,
    %swap3A_1793 = arith.constant 3 : i32
    %swap3A_1794 = arith.index_cast %swap3A_1793 : i32 to index
    %swap3A_1795 = arith.constant 816 : index
    %swap3A_1796 = tpu.vector_load %arg7[%swap3A_1794, %swap3A_1795] {strides = array<i32>} : memref<4x1024xf32, #tpu.memory_space<vmem>>, vector<16xf32>,
    tpu.vector_store %arg7[%swap3A_1794, %swap3A_1795], %gather3A_1792 {strides = array<i32>} : memref<4x1024xf32, #tpu.memory_space<vmem>>, vector<16xf32>,
    %get3A_1797 = arith.constant 832 : index
    %get3A_1798 = tpu.vector_load %arg5[%get3A_1797] {strides = array<i32>} : memref<1024xi32, #tpu.memory_space<vmem>>, vector<16xi32>,
    %add3A_1799 = arith.constant 0 : i32
    %add3A_1800 = vector.broadcast %add3A_1799 : i32 to vector<16xi32>
    %add3A_1801 = arith.addi %get3A_1798, %add3A_1800 : vector<16xi32>
    %gather3A_1802 = tpu.vector_load_idx %arg6[%add3A_1801] : memref<4096xf32, #tpu.memory_space<vmem>>[vector<16xi32>], vector<16xf32>,
    %swap3A_1803 = arith.constant 0 : i32
    %swap3A_1804 = arith.index_cast %swap3A_1803 : i32 to index
    %swap3A_1805 = arith.constant 832 : index
    %swap3A_1806 = tpu.vector_load %arg7[%swap3A_1804, %swap3A_1805] {strides = array<i32>} : memref<4x1024xf32, #tpu.memory_space<vmem>>, vector<16xf32>,
    tpu.vector_store %arg7[%swap3A_1804, %swap3A_1805], %gather3A_1802 {strides = array<i32>} : memref<4x1024xf32, #tpu.memory_space<vmem>>, vector<16xf32>,
    %add3A_1807 = arith.constant 1024 : i32
    %add3A_1808 = vector.broadcast %add3A_1807 : i32 to vector<16xi32>
    %add3A_1809 = arith.addi %get3A_1798, %add3A_1808 : vector<16xi32>
    %gather3A_1810 = tpu.vector_load_idx %arg6[%add3A_1809] : memref<4096xf32, #tpu.memory_space<vmem>>[vector<16xi32>], vector<16xf32>,
    %swap3A_1811 = arith.constant 1 : i32
    %swap3A_1812 = arith.index_cast %swap3A_1811 : i32 to index
    %swap3A_1813 = arith.constant 832 : index
    %swap3A_1814 = tpu.vector_load %arg7[%swap3A_1812, %swap3A_1813] {strides = array<i32>} : memref<4x1024xf32, #tpu.memory_space<vmem>>, vector<16xf32>,
    tpu.vector_store %arg7[%swap3A_1812, %swap3A_1813], %gather3A_1810 {strides = array<i32>} : memref<4x1024xf32, #tpu.memory_space<vmem>>, vector<16xf32>,
    %add3A_1815 = arith.constant 2048 : i32
    %add3A_1816 = vector.broadcast %add3A_1815 : i32 to vector<16xi32>
    %add3A_1817 = arith.addi %get3A_1798, %add3A_1816 : vector<16xi32>
    %gather3A_1818 = tpu.vector_load_idx %arg6[%add3A_1817] : memref<4096xf32, #tpu.memory_space<vmem>>[vector<16xi32>], vector<16xf32>,
    %swap3A_1819 = arith.constant 2 : i32
    %swap3A_1820 = arith.index_cast %swap3A_1819 : i32 to index
    %swap3A_1821 = arith.constant 832 : index
    %swap3A_1822 = tpu.vector_load %arg7[%swap3A_1820, %swap3A_1821] {strides = array<i32>} : memref<4x1024xf32, #tpu.memory_space<vmem>>, vector<16xf32>,
    tpu.vector_store %arg7[%swap3A_1820, %swap3A_1821], %gather3A_1818 {strides = array<i32>} : memref<4x1024xf32, #tpu.memory_space<vmem>>, vector<16xf32>,
    %add3A_1823 = arith.constant 3072 : i32
    %add3A_1824 = vector.broadcast %add3A_1823 : i32 to vector<16xi32>
    %add3A_1825 = arith.addi %get3A_1798, %add3A_1824 : vector<16xi32>
    %gather3A_1826 = tpu.vector_load_idx %arg6[%add3A_1825] : memref<4096xf32, #tpu.memory_space<vmem>>[vector<16xi32>], vector<16xf32>,
    %swap3A_1827 = arith.constant 3 : i32
    %swap3A_1828 = arith.index_cast %swap3A_1827 : i32 to index
    %swap3A_1829 = arith.constant 832 : index
    %swap3A_1830 = tpu.vector_load %arg7[%swap3A_1828, %swap3A_1829] {strides = array<i32>} : memref<4x1024xf32, #tpu.memory_space<vmem>>, vector<16xf32>,
    tpu.vector_store %arg7[%swap3A_1828, %swap3A_1829], %gather3A_1826 {strides = array<i32>} : memref<4x1024xf32, #tpu.memory_space<vmem>>, vector<16xf32>,
    %get3A_1831 = arith.constant 848 : index
    %get3A_1832 = tpu.vector_load %arg5[%get3A_1831] {strides = array<i32>} : memref<1024xi32, #tpu.memory_space<vmem>>, vector<16xi32>,
    %add3A_1833 = arith.constant 0 : i32
    %add3A_1834 = vector.broadcast %add3A_1833 : i32 to vector<16xi32>
    %add3A_1835 = arith.addi %get3A_1832, %add3A_1834 : vector<16xi32>
    %gather3A_1836 = tpu.vector_load_idx %arg6[%add3A_1835] : memref<4096xf32, #tpu.memory_space<vmem>>[vector<16xi32>], vector<16xf32>,
    %swap3A_1837 = arith.constant 0 : i32
    %swap3A_1838 = arith.index_cast %swap3A_1837 : i32 to index
    %swap3A_1839 = arith.constant 848 : index
    %swap3A_1840 = tpu.vector_load %arg7[%swap3A_1838, %swap3A_1839] {strides = array<i32>} : memref<4x1024xf32, #tpu.memory_space<vmem>>, vector<16xf32>,
    tpu.vector_store %arg7[%swap3A_1838, %swap3A_1839], %gather3A_1836 {strides = array<i32>} : memref<4x1024xf32, #tpu.memory_space<vmem>>, vector<16xf32>,
    %add3A_1841 = arith.constant 1024 : i32
    %add3A_1842 = vector.broadcast %add3A_1841 : i32 to vector<16xi32>
    %add3A_1843 = arith.addi %get3A_1832, %add3A_1842 : vector<16xi32>
    %gather3A_1844 = tpu.vector_load_idx %arg6[%add3A_1843] : memref<4096xf32, #tpu.memory_space<vmem>>[vector<16xi32>], vector<16xf32>,
    %swap3A_1845 = arith.constant 1 : i32
    %swap3A_1846 = arith.index_cast %swap3A_1845 : i32 to index
    %swap3A_1847 = arith.constant 848 : index
    %swap3A_1848 = tpu.vector_load %arg7[%swap3A_1846, %swap3A_1847] {strides = array<i32>} : memref<4x1024xf32, #tpu.memory_space<vmem>>, vector<16xf32>,
    tpu.vector_store %arg7[%swap3A_1846, %swap3A_1847], %gather3A_1844 {strides = array<i32>} : memref<4x1024xf32, #tpu.memory_space<vmem>>, vector<16xf32>,
    %add3A_1849 = arith.constant 2048 : i32
    %add3A_1850 = vector.broadcast %add3A_1849 : i32 to vector<16xi32>
    %add3A_1851 = arith.addi %get3A_1832, %add3A_1850 : vector<16xi32>
    %gather3A_1852 = tpu.vector_load_idx %arg6[%add3A_1851] : memref<4096xf32, #tpu.memory_space<vmem>>[vector<16xi32>], vector<16xf32>,
    %swap3A_1853 = arith.constant 2 : i32
    %swap3A_1854 = arith.index_cast %swap3A_1853 : i32 to index
    %swap3A_1855 = arith.constant 848 : index
    %swap3A_1856 = tpu.vector_load %arg7[%swap3A_1854, %swap3A_1855] {strides = array<i32>} : memref<4x1024xf32, #tpu.memory_space<vmem>>, vector<16xf32>,
    tpu.vector_store %arg7[%swap3A_1854, %swap3A_1855], %gather3A_1852 {strides = array<i32>} : memref<4x1024xf32, #tpu.memory_space<vmem>>, vector<16xf32>,
    %add3A_1857 = arith.constant 3072 : i32
    %add3A_1858 = vector.broadcast %add3A_1857 : i32 to vector<16xi32>
    %add3A_1859 = arith.addi %get3A_1832, %add3A_1858 : vector<16xi32>
    %gather3A_1860 = tpu.vector_load_idx %arg6[%add3A_1859] : memref<4096xf32, #tpu.memory_space<vmem>>[vector<16xi32>], vector<16xf32>,
    %swap3A_1861 = arith.constant 3 : i32
    %swap3A_1862 = arith.index_cast %swap3A_1861 : i32 to index
    %swap3A_1863 = arith.constant 848 : index
    %swap3A_1864 = tpu.vector_load %arg7[%swap3A_1862, %swap3A_1863] {strides = array<i32>} : memref<4x1024xf32, #tpu.memory_space<vmem>>, vector<16xf32>,
    tpu.vector_store %arg7[%swap3A_1862, %swap3A_1863], %gather3A_1860 {strides = array<i32>} : memref<4x1024xf32, #tpu.memory_space<vmem>>, vector<16xf32>,
    %get3A_1865 = arith.constant 864 : index
    %get3A_1866 = tpu.vector_load %arg5[%get3A_1865] {strides = array<i32>} : memref<1024xi32, #tpu.memory_space<vmem>>, vector<16xi32>,
    %add3A_1867 = arith.constant 0 : i32
    %add3A_1868 = vector.broadcast %add3A_1867 : i32 to vector<16xi32>
    %add3A_1869 = arith.addi %get3A_1866, %add3A_1868 : vector<16xi32>
    %gather3A_1870 = tpu.vector_load_idx %arg6[%add3A_1869] : memref<4096xf32, #tpu.memory_space<vmem>>[vector<16xi32>], vector<16xf32>,
    %swap3A_1871 = arith.constant 0 : i32
    %swap3A_1872 = arith.index_cast %swap3A_1871 : i32 to index
    %swap3A_1873 = arith.constant 864 : index
    %swap3A_1874 = tpu.vector_load %arg7[%swap3A_1872, %swap3A_1873] {strides = array<i32>} : memref<4x1024xf32, #tpu.memory_space<vmem>>, vector<16xf32>,
    tpu.vector_store %arg7[%swap3A_1872, %swap3A_1873], %gather3A_1870 {strides = array<i32>} : memref<4x1024xf32, #tpu.memory_space<vmem>>, vector<16xf32>,
    %add3A_1875 = arith.constant 1024 : i32
    %add3A_1876 = vector.broadcast %add3A_1875 : i32 to vector<16xi32>
    %add3A_1877 = arith.addi %get3A_1866, %add3A_1876 : vector<16xi32>
    %gather3A_1878 = tpu.vector_load_idx %arg6[%add3A_1877] : memref<4096xf32, #tpu.memory_space<vmem>>[vector<16xi32>], vector<16xf32>,
    %swap3A_1879 = arith.constant 1 : i32
    %swap3A_1880 = arith.index_cast %swap3A_1879 : i32 to index
    %swap3A_1881 = arith.constant 864 : index
    %swap3A_1882 = tpu.vector_load %arg7[%swap3A_1880, %swap3A_1881] {strides = array<i32>} : memref<4x1024xf32, #tpu.memory_space<vmem>>, vector<16xf32>,
    tpu.vector_store %arg7[%swap3A_1880, %swap3A_1881], %gather3A_1878 {strides = array<i32>} : memref<4x1024xf32, #tpu.memory_space<vmem>>, vector<16xf32>,
    %add3A_1883 = arith.constant 2048 : i32
    %add3A_1884 = vector.broadcast %add3A_1883 : i32 to vector<16xi32>
    %add3A_1885 = arith.addi %get3A_1866, %add3A_1884 : vector<16xi32>
    %gather3A_1886 = tpu.vector_load_idx %arg6[%add3A_1885] : memref<4096xf32, #tpu.memory_space<vmem>>[vector<16xi32>], vector<16xf32>,
    %swap3A_1887 = arith.constant 2 : i32
    %swap3A_1888 = arith.index_cast %swap3A_1887 : i32 to index
    %swap3A_1889 = arith.constant 864 : index
    %swap3A_1890 = tpu.vector_load %arg7[%swap3A_1888, %swap3A_1889] {strides = array<i32>} : memref<4x1024xf32, #tpu.memory_space<vmem>>, vector<16xf32>,
    tpu.vector_store %arg7[%swap3A_1888, %swap3A_1889], %gather3A_1886 {strides = array<i32>} : memref<4x1024xf32, #tpu.memory_space<vmem>>, vector<16xf32>,
    %add3A_1891 = arith.constant 3072 : i32
    %add3A_1892 = vector.broadcast %add3A_1891 : i32 to vector<16xi32>
    %add3A_1893 = arith.addi %get3A_1866, %add3A_1892 : vector<16xi32>
    %gather3A_1894 = tpu.vector_load_idx %arg6[%add3A_1893] : memref<4096xf32, #tpu.memory_space<vmem>>[vector<16xi32>], vector<16xf32>,
    %swap3A_1895 = arith.constant 3 : i32
    %swap3A_1896 = arith.index_cast %swap3A_1895 : i32 to index
    %swap3A_1897 = arith.constant 864 : index
    %swap3A_1898 = tpu.vector_load %arg7[%swap3A_1896, %swap3A_1897] {strides = array<i32>} : memref<4x1024xf32, #tpu.memory_space<vmem>>, vector<16xf32>,
    tpu.vector_store %arg7[%swap3A_1896, %swap3A_1897], %gather3A_1894 {strides = array<i32>} : memref<4x1024xf32, #tpu.memory_space<vmem>>, vector<16xf32>,
    %get3A_1899 = arith.constant 880 : index
    %get3A_1900 = tpu.vector_load %arg5[%get3A_1899] {strides = array<i32>} : memref<1024xi32, #tpu.memory_space<vmem>>, vector<16xi32>,
    %add3A_1901 = arith.constant 0 : i32
    %add3A_1902 = vector.broadcast %add3A_1901 : i32 to vector<16xi32>
    %add3A_1903 = arith.addi %get3A_1900, %add3A_1902 : vector<16xi32>
    %gather3A_1904 = tpu.vector_load_idx %arg6[%add3A_1903] : memref<4096xf32, #tpu.memory_space<vmem>>[vector<16xi32>], vector<16xf32>,
    %swap3A_1905 = arith.constant 0 : i32
    %swap3A_1906 = arith.index_cast %swap3A_1905 : i32 to index
    %swap3A_1907 = arith.constant 880 : index
    %swap3A_1908 = tpu.vector_load %arg7[%swap3A_1906, %swap3A_1907] {strides = array<i32>} : memref<4x1024xf32, #tpu.memory_space<vmem>>, vector<16xf32>,
    tpu.vector_store %arg7[%swap3A_1906, %swap3A_1907], %gather3A_1904 {strides = array<i32>} : memref<4x1024xf32, #tpu.memory_space<vmem>>, vector<16xf32>,
    %add3A_1909 = arith.constant 1024 : i32
    %add3A_1910 = vector.broadcast %add3A_1909 : i32 to vector<16xi32>
    %add3A_1911 = arith.addi %get3A_1900, %add3A_1910 : vector<16xi32>
    %gather3A_1912 = tpu.vector_load_idx %arg6[%add3A_1911] : memref<4096xf32, #tpu.memory_space<vmem>>[vector<16xi32>], vector<16xf32>,
    %swap3A_1913 = arith.constant 1 : i32
    %swap3A_1914 = arith.index_cast %swap3A_1913 : i32 to index
    %swap3A_1915 = arith.constant 880 : index
    %swap3A_1916 = tpu.vector_load %arg7[%swap3A_1914, %swap3A_1915] {strides = array<i32>} : memref<4x1024xf32, #tpu.memory_space<vmem>>, vector<16xf32>,
    tpu.vector_store %arg7[%swap3A_1914, %swap3A_1915], %gather3A_1912 {strides = array<i32>} : memref<4x1024xf32, #tpu.memory_space<vmem>>, vector<16xf32>,
    %add3A_1917 = arith.constant 2048 : i32
    %add3A_1918 = vector.broadcast %add3A_1917 : i32 to vector<16xi32>
    %add3A_1919 = arith.addi %get3A_1900, %add3A_1918 : vector<16xi32>
    %gather3A_1920 = tpu.vector_load_idx %arg6[%add3A_1919] : memref<4096xf32, #tpu.memory_space<vmem>>[vector<16xi32>], vector<16xf32>,
    %swap3A_1921 = arith.constant 2 : i32
    %swap3A_1922 = arith.index_cast %swap3A_1921 : i32 to index
    %swap3A_1923 = arith.constant 880 : index
    %swap3A_1924 = tpu.vector_load %arg7[%swap3A_1922, %swap3A_1923] {strides = array<i32>} : memref<4x1024xf32, #tpu.memory_space<vmem>>, vector<16xf32>,
    tpu.vector_store %arg7[%swap3A_1922, %swap3A_1923], %gather3A_1920 {strides = array<i32>} : memref<4x1024xf32, #tpu.memory_space<vmem>>, vector<16xf32>,
    %add3A_1925 = arith.constant 3072 : i32
    %add3A_1926 = vector.broadcast %add3A_1925 : i32 to vector<16xi32>
    %add3A_1927 = arith.addi %get3A_1900, %add3A_1926 : vector<16xi32>
    %gather3A_1928 = tpu.vector_load_idx %arg6[%add3A_1927] : memref<4096xf32, #tpu.memory_space<vmem>>[vector<16xi32>], vector<16xf32>,
    %swap3A_1929 = arith.constant 3 : i32
    %swap3A_1930 = arith.index_cast %swap3A_1929 : i32 to index
    %swap3A_1931 = arith.constant 880 : index
    %swap3A_1932 = tpu.vector_load %arg7[%swap3A_1930, %swap3A_1931] {strides = array<i32>} : memref<4x1024xf32, #tpu.memory_space<vmem>>, vector<16xf32>,
    tpu.vector_store %arg7[%swap3A_1930, %swap3A_1931], %gather3A_1928 {strides = array<i32>} : memref<4x1024xf32, #tpu.memory_space<vmem>>, vector<16xf32>,
    %get3A_1933 = arith.constant 896 : index
    %get3A_1934 = tpu.vector_load %arg5[%get3A_1933] {strides = array<i32>} : memref<1024xi32, #tpu.memory_space<vmem>>, vector<16xi32>,
    %add3A_1935 = arith.constant 0 : i32
    %add3A_1936 = vector.broadcast %add3A_1935 : i32 to vector<16xi32>
    %add3A_1937 = arith.addi %get3A_1934, %add3A_1936 : vector<16xi32>
    %gather3A_1938 = tpu.vector_load_idx %arg6[%add3A_1937] : memref<4096xf32, #tpu.memory_space<vmem>>[vector<16xi32>], vector<16xf32>,
    %swap3A_1939 = arith.constant 0 : i32
    %swap3A_1940 = arith.index_cast %swap3A_1939 : i32 to index
    %swap3A_1941 = arith.constant 896 : index
    %swap3A_1942 = tpu.vector_load %arg7[%swap3A_1940, %swap3A_1941] {strides = array<i32>} : memref<4x1024xf32, #tpu.memory_space<vmem>>, vector<16xf32>,
    tpu.vector_store %arg7[%swap3A_1940, %swap3A_1941], %gather3A_1938 {strides = array<i32>} : memref<4x1024xf32, #tpu.memory_space<vmem>>, vector<16xf32>,
    %add3A_1943 = arith.constant 1024 : i32
    %add3A_1944 = vector.broadcast %add3A_1943 : i32 to vector<16xi32>
    %add3A_1945 = arith.addi %get3A_1934, %add3A_1944 : vector<16xi32>
    %gather3A_1946 = tpu.vector_load_idx %arg6[%add3A_1945] : memref<4096xf32, #tpu.memory_space<vmem>>[vector<16xi32>], vector<16xf32>,
    %swap3A_1947 = arith.constant 1 : i32
    %swap3A_1948 = arith.index_cast %swap3A_1947 : i32 to index
    %swap3A_1949 = arith.constant 896 : index
    %swap3A_1950 = tpu.vector_load %arg7[%swap3A_1948, %swap3A_1949] {strides = array<i32>} : memref<4x1024xf32, #tpu.memory_space<vmem>>, vector<16xf32>,
    tpu.vector_store %arg7[%swap3A_1948, %swap3A_1949], %gather3A_1946 {strides = array<i32>} : memref<4x1024xf32, #tpu.memory_space<vmem>>, vector<16xf32>,
    %add3A_1951 = arith.constant 2048 : i32
    %add3A_1952 = vector.broadcast %add3A_1951 : i32 to vector<16xi32>
    %add3A_1953 = arith.addi %get3A_1934, %add3A_1952 : vector<16xi32>
    %gather3A_1954 = tpu.vector_load_idx %arg6[%add3A_1953] : memref<4096xf32, #tpu.memory_space<vmem>>[vector<16xi32>], vector<16xf32>,
    %swap3A_1955 = arith.constant 2 : i32
    %swap3A_1956 = arith.index_cast %swap3A_1955 : i32 to index
    %swap3A_1957 = arith.constant 896 : index
    %swap3A_1958 = tpu.vector_load %arg7[%swap3A_1956, %swap3A_1957] {strides = array<i32>} : memref<4x1024xf32, #tpu.memory_space<vmem>>, vector<16xf32>,
    tpu.vector_store %arg7[%swap3A_1956, %swap3A_1957], %gather3A_1954 {strides = array<i32>} : memref<4x1024xf32, #tpu.memory_space<vmem>>, vector<16xf32>,
    %add3A_1959 = arith.constant 3072 : i32
    %add3A_1960 = vector.broadcast %add3A_1959 : i32 to vector<16xi32>
    %add3A_1961 = arith.addi %get3A_1934, %add3A_1960 : vector<16xi32>
    %gather3A_1962 = tpu.vector_load_idx %arg6[%add3A_1961] : memref<4096xf32, #tpu.memory_space<vmem>>[vector<16xi32>], vector<16xf32>,
    %swap3A_1963 = arith.constant 3 : i32
    %swap3A_1964 = arith.index_cast %swap3A_1963 : i32 to index
    %swap3A_1965 = arith.constant 896 : index
    %swap3A_1966 = tpu.vector_load %arg7[%swap3A_1964, %swap3A_1965] {strides = array<i32>} : memref<4x1024xf32, #tpu.memory_space<vmem>>, vector<16xf32>,
    tpu.vector_store %arg7[%swap3A_1964, %swap3A_1965], %gather3A_1962 {strides = array<i32>} : memref<4x1024xf32, #tpu.memory_space<vmem>>, vector<16xf32>,
    %get3A_1967 = arith.constant 912 : index
    %get3A_1968 = tpu.vector_load %arg5[%get3A_1967] {strides = array<i32>} : memref<1024xi32, #tpu.memory_space<vmem>>, vector<16xi32>,
    %add3A_1969 = arith.constant 0 : i32
    %add3A_1970 = vector.broadcast %add3A_1969 : i32 to vector<16xi32>
    %add3A_1971 = arith.addi %get3A_1968, %add3A_1970 : vector<16xi32>
    %gather3A_1972 = tpu.vector_load_idx %arg6[%add3A_1971] : memref<4096xf32, #tpu.memory_space<vmem>>[vector<16xi32>], vector<16xf32>,
    %swap3A_1973 = arith.constant 0 : i32
    %swap3A_1974 = arith.index_cast %swap3A_1973 : i32 to index
    %swap3A_1975 = arith.constant 912 : index
    %swap3A_1976 = tpu.vector_load %arg7[%swap3A_1974, %swap3A_1975] {strides = array<i32>} : memref<4x1024xf32, #tpu.memory_space<vmem>>, vector<16xf32>,
    tpu.vector_store %arg7[%swap3A_1974, %swap3A_1975], %gather3A_1972 {strides = array<i32>} : memref<4x1024xf32, #tpu.memory_space<vmem>>, vector<16xf32>,
    %add3A_1977 = arith.constant 1024 : i32
    %add3A_1978 = vector.broadcast %add3A_1977 : i32 to vector<16xi32>
    %add3A_1979 = arith.addi %get3A_1968, %add3A_1978 : vector<16xi32>
    %gather3A_1980 = tpu.vector_load_idx %arg6[%add3A_1979] : memref<4096xf32, #tpu.memory_space<vmem>>[vector<16xi32>], vector<16xf32>,
    %swap3A_1981 = arith.constant 1 : i32
    %swap3A_1982 = arith.index_cast %swap3A_1981 : i32 to index
    %swap3A_1983 = arith.constant 912 : index
    %swap3A_1984 = tpu.vector_load %arg7[%swap3A_1982, %swap3A_1983] {strides = array<i32>} : memref<4x1024xf32, #tpu.memory_space<vmem>>, vector<16xf32>,
    tpu.vector_store %arg7[%swap3A_1982, %swap3A_1983], %gather3A_1980 {strides = array<i32>} : memref<4x1024xf32, #tpu.memory_space<vmem>>, vector<16xf32>,
    %add3A_1985 = arith.constant 2048 : i32
    %add3A_1986 = vector.broadcast %add3A_1985 : i32 to vector<16xi32>
    %add3A_1987 = arith.addi %get3A_1968, %add3A_1986 : vector<16xi32>
    %gather3A_1988 = tpu.vector_load_idx %arg6[%add3A_1987] : memref<4096xf32, #tpu.memory_space<vmem>>[vector<16xi32>], vector<16xf32>,
    %swap3A_1989 = arith.constant 2 : i32
    %swap3A_1990 = arith.index_cast %swap3A_1989 : i32 to index
    %swap3A_1991 = arith.constant 912 : index
    %swap3A_1992 = tpu.vector_load %arg7[%swap3A_1990, %swap3A_1991] {strides = array<i32>} : memref<4x1024xf32, #tpu.memory_space<vmem>>, vector<16xf32>,
    tpu.vector_store %arg7[%swap3A_1990, %swap3A_1991], %gather3A_1988 {strides = array<i32>} : memref<4x1024xf32, #tpu.memory_space<vmem>>, vector<16xf32>,
    %add3A_1993 = arith.constant 3072 : i32
    %add3A_1994 = vector.broadcast %add3A_1993 : i32 to vector<16xi32>
    %add3A_1995 = arith.addi %get3A_1968, %add3A_1994 : vector<16xi32>
    %gather3A_1996 = tpu.vector_load_idx %arg6[%add3A_1995] : memref<4096xf32, #tpu.memory_space<vmem>>[vector<16xi32>], vector<16xf32>,
    %swap3A_1997 = arith.constant 3 : i32
    %swap3A_1998 = arith.index_cast %swap3A_1997 : i32 to index
    %swap3A_1999 = arith.constant 912 : index
    %swap3A_2000 = tpu.vector_load %arg7[%swap3A_1998, %swap3A_1999] {strides = array<i32>} : memref<4x1024xf32, #tpu.memory_space<vmem>>, vector<16xf32>,
    tpu.vector_store %arg7[%swap3A_1998, %swap3A_1999], %gather3A_1996 {strides = array<i32>} : memref<4x1024xf32, #tpu.memory_space<vmem>>, vector<16xf32>,
    %get3A_2001 = arith.constant 928 : index
    %get3A_2002 = tpu.vector_load %arg5[%get3A_2001] {strides = array<i32>} : memref<1024xi32, #tpu.memory_space<vmem>>, vector<16xi32>,
    %add3A_2003 = arith.constant 0 : i32
    %add3A_2004 = vector.broadcast %add3A_2003 : i32 to vector<16xi32>
    %add3A_2005 = arith.addi %get3A_2002, %add3A_2004 : vector<16xi32>
    %gather3A_2006 = tpu.vector_load_idx %arg6[%add3A_2005] : memref<4096xf32, #tpu.memory_space<vmem>>[vector<16xi32>], vector<16xf32>,
    %swap3A_2007 = arith.constant 0 : i32
    %swap3A_2008 = arith.index_cast %swap3A_2007 : i32 to index
    %swap3A_2009 = arith.constant 928 : index
    %swap3A_2010 = tpu.vector_load %arg7[%swap3A_2008, %swap3A_2009] {strides = array<i32>} : memref<4x1024xf32, #tpu.memory_space<vmem>>, vector<16xf32>,
    tpu.vector_store %arg7[%swap3A_2008, %swap3A_2009], %gather3A_2006 {strides = array<i32>} : memref<4x1024xf32, #tpu.memory_space<vmem>>, vector<16xf32>,
    %add3A_2011 = arith.constant 1024 : i32
    %add3A_2012 = vector.broadcast %add3A_2011 : i32 to vector<16xi32>
    %add3A_2013 = arith.addi %get3A_2002, %add3A_2012 : vector<16xi32>
    %gather3A_2014 = tpu.vector_load_idx %arg6[%add3A_2013] : memref<4096xf32, #tpu.memory_space<vmem>>[vector<16xi32>], vector<16xf32>,
    %swap3A_2015 = arith.constant 1 : i32
    %swap3A_2016 = arith.index_cast %swap3A_2015 : i32 to index
    %swap3A_2017 = arith.constant 928 : index
    %swap3A_2018 = tpu.vector_load %arg7[%swap3A_2016, %swap3A_2017] {strides = array<i32>} : memref<4x1024xf32, #tpu.memory_space<vmem>>, vector<16xf32>,
    tpu.vector_store %arg7[%swap3A_2016, %swap3A_2017], %gather3A_2014 {strides = array<i32>} : memref<4x1024xf32, #tpu.memory_space<vmem>>, vector<16xf32>,
    %add3A_2019 = arith.constant 2048 : i32
    %add3A_2020 = vector.broadcast %add3A_2019 : i32 to vector<16xi32>
    %add3A_2021 = arith.addi %get3A_2002, %add3A_2020 : vector<16xi32>
    %gather3A_2022 = tpu.vector_load_idx %arg6[%add3A_2021] : memref<4096xf32, #tpu.memory_space<vmem>>[vector<16xi32>], vector<16xf32>,
    %swap3A_2023 = arith.constant 2 : i32
    %swap3A_2024 = arith.index_cast %swap3A_2023 : i32 to index
    %swap3A_2025 = arith.constant 928 : index
    %swap3A_2026 = tpu.vector_load %arg7[%swap3A_2024, %swap3A_2025] {strides = array<i32>} : memref<4x1024xf32, #tpu.memory_space<vmem>>, vector<16xf32>,
    tpu.vector_store %arg7[%swap3A_2024, %swap3A_2025], %gather3A_2022 {strides = array<i32>} : memref<4x1024xf32, #tpu.memory_space<vmem>>, vector<16xf32>,
    %add3A_2027 = arith.constant 3072 : i32
    %add3A_2028 = vector.broadcast %add3A_2027 : i32 to vector<16xi32>
    %add3A_2029 = arith.addi %get3A_2002, %add3A_2028 : vector<16xi32>
    %gather3A_2030 = tpu.vector_load_idx %arg6[%add3A_2029] : memref<4096xf32, #tpu.memory_space<vmem>>[vector<16xi32>], vector<16xf32>,
    %swap3A_2031 = arith.constant 3 : i32
    %swap3A_2032 = arith.index_cast %swap3A_2031 : i32 to index
    %swap3A_2033 = arith.constant 928 : index
    %swap3A_2034 = tpu.vector_load %arg7[%swap3A_2032, %swap3A_2033] {strides = array<i32>} : memref<4x1024xf32, #tpu.memory_space<vmem>>, vector<16xf32>,
    tpu.vector_store %arg7[%swap3A_2032, %swap3A_2033], %gather3A_2030 {strides = array<i32>} : memref<4x1024xf32, #tpu.memory_space<vmem>>, vector<16xf32>,
    %get3A_2035 = arith.constant 944 : index
    %get3A_2036 = tpu.vector_load %arg5[%get3A_2035] {strides = array<i32>} : memref<1024xi32, #tpu.memory_space<vmem>>, vector<16xi32>,
    %add3A_2037 = arith.constant 0 : i32
    %add3A_2038 = vector.broadcast %add3A_2037 : i32 to vector<16xi32>
    %add3A_2039 = arith.addi %get3A_2036, %add3A_2038 : vector<16xi32>
    %gather3A_2040 = tpu.vector_load_idx %arg6[%add3A_2039] : memref<4096xf32, #tpu.memory_space<vmem>>[vector<16xi32>], vector<16xf32>,
    %swap3A_2041 = arith.constant 0 : i32
    %swap3A_2042 = arith.index_cast %swap3A_2041 : i32 to index
    %swap3A_2043 = arith.constant 944 : index
    %swap3A_2044 = tpu.vector_load %arg7[%swap3A_2042, %swap3A_2043] {strides = array<i32>} : memref<4x1024xf32, #tpu.memory_space<vmem>>, vector<16xf32>,
    tpu.vector_store %arg7[%swap3A_2042, %swap3A_2043], %gather3A_2040 {strides = array<i32>} : memref<4x1024xf32, #tpu.memory_space<vmem>>, vector<16xf32>,
    %add3A_2045 = arith.constant 1024 : i32
    %add3A_2046 = vector.broadcast %add3A_2045 : i32 to vector<16xi32>
    %add3A_2047 = arith.addi %get3A_2036, %add3A_2046 : vector<16xi32>
    %gather3A_2048 = tpu.vector_load_idx %arg6[%add3A_2047] : memref<4096xf32, #tpu.memory_space<vmem>>[vector<16xi32>], vector<16xf32>,
    %swap3A_2049 = arith.constant 1 : i32
    %swap3A_2050 = arith.index_cast %swap3A_2049 : i32 to index
    %swap3A_2051 = arith.constant 944 : index
    %swap3A_2052 = tpu.vector_load %arg7[%swap3A_2050, %swap3A_2051] {strides = array<i32>} : memref<4x1024xf32, #tpu.memory_space<vmem>>, vector<16xf32>,
    tpu.vector_store %arg7[%swap3A_2050, %swap3A_2051], %gather3A_2048 {strides = array<i32>} : memref<4x1024xf32, #tpu.memory_space<vmem>>, vector<16xf32>,
    %add3A_2053 = arith.constant 2048 : i32
    %add3A_2054 = vector.broadcast %add3A_2053 : i32 to vector<16xi32>
    %add3A_2055 = arith.addi %get3A_2036, %add3A_2054 : vector<16xi32>
    %gather3A_2056 = tpu.vector_load_idx %arg6[%add3A_2055] : memref<4096xf32, #tpu.memory_space<vmem>>[vector<16xi32>], vector<16xf32>,
    %swap3A_2057 = arith.constant 2 : i32
    %swap3A_2058 = arith.index_cast %swap3A_2057 : i32 to index
    %swap3A_2059 = arith.constant 944 : index
    %swap3A_2060 = tpu.vector_load %arg7[%swap3A_2058, %swap3A_2059] {strides = array<i32>} : memref<4x1024xf32, #tpu.memory_space<vmem>>, vector<16xf32>,
    tpu.vector_store %arg7[%swap3A_2058, %swap3A_2059], %gather3A_2056 {strides = array<i32>} : memref<4x1024xf32, #tpu.memory_space<vmem>>, vector<16xf32>,
    %add3A_2061 = arith.constant 3072 : i32
    %add3A_2062 = vector.broadcast %add3A_2061 : i32 to vector<16xi32>
    %add3A_2063 = arith.addi %get3A_2036, %add3A_2062 : vector<16xi32>
    %gather3A_2064 = tpu.vector_load_idx %arg6[%add3A_2063] : memref<4096xf32, #tpu.memory_space<vmem>>[vector<16xi32>], vector<16xf32>,
    %swap3A_2065 = arith.constant 3 : i32
    %swap3A_2066 = arith.index_cast %swap3A_2065 : i32 to index
    %swap3A_2067 = arith.constant 944 : index
    %swap3A_2068 = tpu.vector_load %arg7[%swap3A_2066, %swap3A_2067] {strides = array<i32>} : memref<4x1024xf32, #tpu.memory_space<vmem>>, vector<16xf32>,
    tpu.vector_store %arg7[%swap3A_2066, %swap3A_2067], %gather3A_2064 {strides = array<i32>} : memref<4x1024xf32, #tpu.memory_space<vmem>>, vector<16xf32>,
    %get3A_2069 = arith.constant 960 : index
    %get3A_2070 = tpu.vector_load %arg5[%get3A_2069] {strides = array<i32>} : memref<1024xi32, #tpu.memory_space<vmem>>, vector<16xi32>,
    %add3A_2071 = arith.constant 0 : i32
    %add3A_2072 = vector.broadcast %add3A_2071 : i32 to vector<16xi32>
    %add3A_2073 = arith.addi %get3A_2070, %add3A_2072 : vector<16xi32>
    %gather3A_2074 = tpu.vector_load_idx %arg6[%add3A_2073] : memref<4096xf32, #tpu.memory_space<vmem>>[vector<16xi32>], vector<16xf32>,
    %swap3A_2075 = arith.constant 0 : i32
    %swap3A_2076 = arith.index_cast %swap3A_2075 : i32 to index
    %swap3A_2077 = arith.constant 960 : index
    %swap3A_2078 = tpu.vector_load %arg7[%swap3A_2076, %swap3A_2077] {strides = array<i32>} : memref<4x1024xf32, #tpu.memory_space<vmem>>, vector<16xf32>,
    tpu.vector_store %arg7[%swap3A_2076, %swap3A_2077], %gather3A_2074 {strides = array<i32>} : memref<4x1024xf32, #tpu.memory_space<vmem>>, vector<16xf32>,
    %add3A_2079 = arith.constant 1024 : i32
    %add3A_2080 = vector.broadcast %add3A_2079 : i32 to vector<16xi32>
    %add3A_2081 = arith.addi %get3A_2070, %add3A_2080 : vector<16xi32>
    %gather3A_2082 = tpu.vector_load_idx %arg6[%add3A_2081] : memref<4096xf32, #tpu.memory_space<vmem>>[vector<16xi32>], vector<16xf32>,
    %swap3A_2083 = arith.constant 1 : i32
    %swap3A_2084 = arith.index_cast %swap3A_2083 : i32 to index
    %swap3A_2085 = arith.constant 960 : index
    %swap3A_2086 = tpu.vector_load %arg7[%swap3A_2084, %swap3A_2085] {strides = array<i32>} : memref<4x1024xf32, #tpu.memory_space<vmem>>, vector<16xf32>,
    tpu.vector_store %arg7[%swap3A_2084, %swap3A_2085], %gather3A_2082 {strides = array<i32>} : memref<4x1024xf32, #tpu.memory_space<vmem>>, vector<16xf32>,
    %add3A_2087 = arith.constant 2048 : i32
    %add3A_2088 = vector.broadcast %add3A_2087 : i32 to vector<16xi32>
    %add3A_2089 = arith.addi %get3A_2070, %add3A_2088 : vector<16xi32>
    %gather3A_2090 = tpu.vector_load_idx %arg6[%add3A_2089] : memref<4096xf32, #tpu.memory_space<vmem>>[vector<16xi32>], vector<16xf32>,
    %swap3A_2091 = arith.constant 2 : i32
    %swap3A_2092 = arith.index_cast %swap3A_2091 : i32 to index
    %swap3A_2093 = arith.constant 960 : index
    %swap3A_2094 = tpu.vector_load %arg7[%swap3A_2092, %swap3A_2093] {strides = array<i32>} : memref<4x1024xf32, #tpu.memory_space<vmem>>, vector<16xf32>,
    tpu.vector_store %arg7[%swap3A_2092, %swap3A_2093], %gather3A_2090 {strides = array<i32>} : memref<4x1024xf32, #tpu.memory_space<vmem>>, vector<16xf32>,
    %add3A_2095 = arith.constant 3072 : i32
    %add3A_2096 = vector.broadcast %add3A_2095 : i32 to vector<16xi32>
    %add3A_2097 = arith.addi %get3A_2070, %add3A_2096 : vector<16xi32>
    %gather3A_2098 = tpu.vector_load_idx %arg6[%add3A_2097] : memref<4096xf32, #tpu.memory_space<vmem>>[vector<16xi32>], vector<16xf32>,
    %swap3A_2099 = arith.constant 3 : i32
    %swap3A_2100 = arith.index_cast %swap3A_2099 : i32 to index
    %swap3A_2101 = arith.constant 960 : index
    %swap3A_2102 = tpu.vector_load %arg7[%swap3A_2100, %swap3A_2101] {strides = array<i32>} : memref<4x1024xf32, #tpu.memory_space<vmem>>, vector<16xf32>,
    tpu.vector_store %arg7[%swap3A_2100, %swap3A_2101], %gather3A_2098 {strides = array<i32>} : memref<4x1024xf32, #tpu.memory_space<vmem>>, vector<16xf32>,
    %get3A_2103 = arith.constant 976 : index
    %get3A_2104 = tpu.vector_load %arg5[%get3A_2103] {strides = array<i32>} : memref<1024xi32, #tpu.memory_space<vmem>>, vector<16xi32>,
    %add3A_2105 = arith.constant 0 : i32
    %add3A_2106 = vector.broadcast %add3A_2105 : i32 to vector<16xi32>
    %add3A_2107 = arith.addi %get3A_2104, %add3A_2106 : vector<16xi32>
    %gather3A_2108 = tpu.vector_load_idx %arg6[%add3A_2107] : memref<4096xf32, #tpu.memory_space<vmem>>[vector<16xi32>], vector<16xf32>,
    %swap3A_2109 = arith.constant 0 : i32
    %swap3A_2110 = arith.index_cast %swap3A_2109 : i32 to index
    %swap3A_2111 = arith.constant 976 : index
    %swap3A_2112 = tpu.vector_load %arg7[%swap3A_2110, %swap3A_2111] {strides = array<i32>} : memref<4x1024xf32, #tpu.memory_space<vmem>>, vector<16xf32>,
    tpu.vector_store %arg7[%swap3A_2110, %swap3A_2111], %gather3A_2108 {strides = array<i32>} : memref<4x1024xf32, #tpu.memory_space<vmem>>, vector<16xf32>,
    %add3A_2113 = arith.constant 1024 : i32
    %add3A_2114 = vector.broadcast %add3A_2113 : i32 to vector<16xi32>
    %add3A_2115 = arith.addi %get3A_2104, %add3A_2114 : vector<16xi32>
    %gather3A_2116 = tpu.vector_load_idx %arg6[%add3A_2115] : memref<4096xf32, #tpu.memory_space<vmem>>[vector<16xi32>], vector<16xf32>,
    %swap3A_2117 = arith.constant 1 : i32
    %swap3A_2118 = arith.index_cast %swap3A_2117 : i32 to index
    %swap3A_2119 = arith.constant 976 : index
    %swap3A_2120 = tpu.vector_load %arg7[%swap3A_2118, %swap3A_2119] {strides = array<i32>} : memref<4x1024xf32, #tpu.memory_space<vmem>>, vector<16xf32>,
    tpu.vector_store %arg7[%swap3A_2118, %swap3A_2119], %gather3A_2116 {strides = array<i32>} : memref<4x1024xf32, #tpu.memory_space<vmem>>, vector<16xf32>,
    %add3A_2121 = arith.constant 2048 : i32
    %add3A_2122 = vector.broadcast %add3A_2121 : i32 to vector<16xi32>
    %add3A_2123 = arith.addi %get3A_2104, %add3A_2122 : vector<16xi32>
    %gather3A_2124 = tpu.vector_load_idx %arg6[%add3A_2123] : memref<4096xf32, #tpu.memory_space<vmem>>[vector<16xi32>], vector<16xf32>,
    %swap3A_2125 = arith.constant 2 : i32
    %swap3A_2126 = arith.index_cast %swap3A_2125 : i32 to index
    %swap3A_2127 = arith.constant 976 : index
    %swap3A_2128 = tpu.vector_load %arg7[%swap3A_2126, %swap3A_2127] {strides = array<i32>} : memref<4x1024xf32, #tpu.memory_space<vmem>>, vector<16xf32>,
    tpu.vector_store %arg7[%swap3A_2126, %swap3A_2127], %gather3A_2124 {strides = array<i32>} : memref<4x1024xf32, #tpu.memory_space<vmem>>, vector<16xf32>,
    %add3A_2129 = arith.constant 3072 : i32
    %add3A_2130 = vector.broadcast %add3A_2129 : i32 to vector<16xi32>
    %add3A_2131 = arith.addi %get3A_2104, %add3A_2130 : vector<16xi32>
    %gather3A_2132 = tpu.vector_load_idx %arg6[%add3A_2131] : memref<4096xf32, #tpu.memory_space<vmem>>[vector<16xi32>], vector<16xf32>,
    %swap3A_2133 = arith.constant 3 : i32
    %swap3A_2134 = arith.index_cast %swap3A_2133 : i32 to index
    %swap3A_2135 = arith.constant 976 : index
    %swap3A_2136 = tpu.vector_load %arg7[%swap3A_2134, %swap3A_2135] {strides = array<i32>} : memref<4x1024xf32, #tpu.memory_space<vmem>>, vector<16xf32>,
    tpu.vector_store %arg7[%swap3A_2134, %swap3A_2135], %gather3A_2132 {strides = array<i32>} : memref<4x1024xf32, #tpu.memory_space<vmem>>, vector<16xf32>,
    %get3A_2137 = arith.constant 992 : index
    %get3A_2138 = tpu.vector_load %arg5[%get3A_2137] {strides = array<i32>} : memref<1024xi32, #tpu.memory_space<vmem>>, vector<16xi32>,
    %add3A_2139 = arith.constant 0 : i32
    %add3A_2140 = vector.broadcast %add3A_2139 : i32 to vector<16xi32>
    %add3A_2141 = arith.addi %get3A_2138, %add3A_2140 : vector<16xi32>
    %gather3A_2142 = tpu.vector_load_idx %arg6[%add3A_2141] : memref<4096xf32, #tpu.memory_space<vmem>>[vector<16xi32>], vector<16xf32>,
    %swap3A_2143 = arith.constant 0 : i32
    %swap3A_2144 = arith.index_cast %swap3A_2143 : i32 to index
    %swap3A_2145 = arith.constant 992 : index
    %swap3A_2146 = tpu.vector_load %arg7[%swap3A_2144, %swap3A_2145] {strides = array<i32>} : memref<4x1024xf32, #tpu.memory_space<vmem>>, vector<16xf32>,
    tpu.vector_store %arg7[%swap3A_2144, %swap3A_2145], %gather3A_2142 {strides = array<i32>} : memref<4x1024xf32, #tpu.memory_space<vmem>>, vector<16xf32>,
    %add3A_2147 = arith.constant 1024 : i32
    %add3A_2148 = vector.broadcast %add3A_2147 : i32 to vector<16xi32>
    %add3A_2149 = arith.addi %get3A_2138, %add3A_2148 : vector<16xi32>
    %gather3A_2150 = tpu.vector_load_idx %arg6[%add3A_2149] : memref<4096xf32, #tpu.memory_space<vmem>>[vector<16xi32>], vector<16xf32>,
    %swap3A_2151 = arith.constant 1 : i32
    %swap3A_2152 = arith.index_cast %swap3A_2151 : i32 to index
    %swap3A_2153 = arith.constant 992 : index
    %swap3A_2154 = tpu.vector_load %arg7[%swap3A_2152, %swap3A_2153] {strides = array<i32>} : memref<4x1024xf32, #tpu.memory_space<vmem>>, vector<16xf32>,
    tpu.vector_store %arg7[%swap3A_2152, %swap3A_2153], %gather3A_2150 {strides = array<i32>} : memref<4x1024xf32, #tpu.memory_space<vmem>>, vector<16xf32>,
    %add3A_2155 = arith.constant 2048 : i32
    %add3A_2156 = vector.broadcast %add3A_2155 : i32 to vector<16xi32>
    %add3A_2157 = arith.addi %get3A_2138, %add3A_2156 : vector<16xi32>
    %gather3A_2158 = tpu.vector_load_idx %arg6[%add3A_2157] : memref<4096xf32, #tpu.memory_space<vmem>>[vector<16xi32>], vector<16xf32>,
    %swap3A_2159 = arith.constant 2 : i32
    %swap3A_2160 = arith.index_cast %swap3A_2159 : i32 to index
    %swap3A_2161 = arith.constant 992 : index
    %swap3A_2162 = tpu.vector_load %arg7[%swap3A_2160, %swap3A_2161] {strides = array<i32>} : memref<4x1024xf32, #tpu.memory_space<vmem>>, vector<16xf32>,
    tpu.vector_store %arg7[%swap3A_2160, %swap3A_2161], %gather3A_2158 {strides = array<i32>} : memref<4x1024xf32, #tpu.memory_space<vmem>>, vector<16xf32>,
    %add3A_2163 = arith.constant 3072 : i32
    %add3A_2164 = vector.broadcast %add3A_2163 : i32 to vector<16xi32>
    %add3A_2165 = arith.addi %get3A_2138, %add3A_2164 : vector<16xi32>
    %gather3A_2166 = tpu.vector_load_idx %arg6[%add3A_2165] : memref<4096xf32, #tpu.memory_space<vmem>>[vector<16xi32>], vector<16xf32>,
    %swap3A_2167 = arith.constant 3 : i32
    %swap3A_2168 = arith.index_cast %swap3A_2167 : i32 to index
    %swap3A_2169 = arith.constant 992 : index
    %swap3A_2170 = tpu.vector_load %arg7[%swap3A_2168, %swap3A_2169] {strides = array<i32>} : memref<4x1024xf32, #tpu.memory_space<vmem>>, vector<16xf32>,
    tpu.vector_store %arg7[%swap3A_2168, %swap3A_2169], %gather3A_2166 {strides = array<i32>} : memref<4x1024xf32, #tpu.memory_space<vmem>>, vector<16xf32>,
    %get3A_2171 = arith.constant 1008 : index
    %get3A_2172 = tpu.vector_load %arg5[%get3A_2171] {strides = array<i32>} : memref<1024xi32, #tpu.memory_space<vmem>>, vector<16xi32>,
    %add3A_2173 = arith.constant 0 : i32
    %add3A_2174 = vector.broadcast %add3A_2173 : i32 to vector<16xi32>
    %add3A_2175 = arith.addi %get3A_2172, %add3A_2174 : vector<16xi32>
    %gather3A_2176 = tpu.vector_load_idx %arg6[%add3A_2175] : memref<4096xf32, #tpu.memory_space<vmem>>[vector<16xi32>], vector<16xf32>,
    %swap3A_2177 = arith.constant 0 : i32
    %swap3A_2178 = arith.index_cast %swap3A_2177 : i32 to index
    %swap3A_2179 = arith.constant 1008 : index
    %swap3A_2180 = tpu.vector_load %arg7[%swap3A_2178, %swap3A_2179] {strides = array<i32>} : memref<4x1024xf32, #tpu.memory_space<vmem>>, vector<16xf32>,
    tpu.vector_store %arg7[%swap3A_2178, %swap3A_2179], %gather3A_2176 {strides = array<i32>} : memref<4x1024xf32, #tpu.memory_space<vmem>>, vector<16xf32>,
    %add3A_2181 = arith.constant 1024 : i32
    %add3A_2182 = vector.broadcast %add3A_2181 : i32 to vector<16xi32>
    %add3A_2183 = arith.addi %get3A_2172, %add3A_2182 : vector<16xi32>
    %gather3A_2184 = tpu.vector_load_idx %arg6[%add3A_2183] : memref<4096xf32, #tpu.memory_space<vmem>>[vector<16xi32>], vector<16xf32>,
    %swap3A_2185 = arith.constant 1 : i32
    %swap3A_2186 = arith.index_cast %swap3A_2185 : i32 to index
    %swap3A_2187 = arith.constant 1008 : index
    %swap3A_2188 = tpu.vector_load %arg7[%swap3A_2186, %swap3A_2187] {strides = array<i32>} : memref<4x1024xf32, #tpu.memory_space<vmem>>, vector<16xf32>,
    tpu.vector_store %arg7[%swap3A_2186, %swap3A_2187], %gather3A_2184 {strides = array<i32>} : memref<4x1024xf32, #tpu.memory_space<vmem>>, vector<16xf32>,
    %add3A_2189 = arith.constant 2048 : i32
    %add3A_2190 = vector.broadcast %add3A_2189 : i32 to vector<16xi32>
    %add3A_2191 = arith.addi %get3A_2172, %add3A_2190 : vector<16xi32>
    %gather3A_2192 = tpu.vector_load_idx %arg6[%add3A_2191] : memref<4096xf32, #tpu.memory_space<vmem>>[vector<16xi32>], vector<16xf32>,
    %swap3A_2193 = arith.constant 2 : i32
    %swap3A_2194 = arith.index_cast %swap3A_2193 : i32 to index
    %swap3A_2195 = arith.constant 1008 : index
    %swap3A_2196 = tpu.vector_load %arg7[%swap3A_2194, %swap3A_2195] {strides = array<i32>} : memref<4x1024xf32, #tpu.memory_space<vmem>>, vector<16xf32>,
    tpu.vector_store %arg7[%swap3A_2194, %swap3A_2195], %gather3A_2192 {strides = array<i32>} : memref<4x1024xf32, #tpu.memory_space<vmem>>, vector<16xf32>,
    %add3A_2197 = arith.constant 3072 : i32
    %add3A_2198 = vector.broadcast %add3A_2197 : i32 to vector<16xi32>
    %add3A_2199 = arith.addi %get3A_2172, %add3A_2198 : vector<16xi32>
    %gather3A_2200 = tpu.vector_load_idx %arg6[%add3A_2199] : memref<4096xf32, #tpu.memory_space<vmem>>[vector<16xi32>], vector<16xf32>,
    %swap3A_2201 = arith.constant 3 : i32
    %swap3A_2202 = arith.index_cast %swap3A_2201 : i32 to index
    %swap3A_2203 = arith.constant 1008 : index
    %swap3A_2204 = tpu.vector_load %arg7[%swap3A_2202, %swap3A_2203] {strides = array<i32>} : memref<4x1024xf32, #tpu.memory_space<vmem>>, vector<16xf32>,
    tpu.vector_store %arg7[%swap3A_2202, %swap3A_2203], %gather3A_2200 {strides = array<i32>} : memref<4x1024xf32, #tpu.memory_space<vmem>>, vector<16xf32>,
    "tpu.region"() ({
      %run_scoped3A = tpu.sem_alloc : memref<!tpu.dma_semaphore, #tpu.memory_space<semaphore_mem>>
      %dma_start3A_2205 = arith.constant 0 : i32
      %dma_start3A_2206 = tpu.memref_slice %arg4[%select_n3A, %mul3A_21, %dma_start3A_2205] : memref<4x32x1024xf32, #tpu.memory_space<hbm>> -> memref<1x4x1024xf32, #tpu.memory_space<hbm>>
      %dma_start3A_2207 = tpu.memref_squeeze %dma_start3A_2206 : memref<1x4x1024xf32, #tpu.memory_space<hbm>> -> memref<4x1024xf32, #tpu.memory_space<hbm>>
      %dma_start3A_2208 = arith.constant 0 : i32
      %dma_start3A_2209 = tpu.memref_slice %arg4[%select_n3A, %mul3A_21, %dma_start3A_2208] : memref<4x32x1024xf32, #tpu.memory_space<hbm>> -> memref<1x4x1024xf32, #tpu.memory_space<hbm>>
      %dma_start3A_2210 = tpu.memref_squeeze %dma_start3A_2209 : memref<1x4x1024xf32, #tpu.memory_space<hbm>> -> memref<4x1024xf32, #tpu.memory_space<hbm>>
      tpu.enqueue_dma source(%arg7 : memref<4x1024xf32, #tpu.memory_space<vmem>>) target(%dma_start3A_2210 : memref<4x1024xf32, #tpu.memory_space<hbm>>) target_semaphore(%run_scoped3A : memref<!tpu.dma_semaphore, #tpu.memory_space<semaphore_mem>>)
      %dma_wait3A_2211 = arith.constant 0 : i32
      %dma_wait3A_2212 = tpu.memref_slice %arg4[%select_n3A, %mul3A_21, %dma_wait3A_2211] : memref<4x32x1024xf32, #tpu.memory_space<hbm>> -> memref<1x4x1024xf32, #tpu.memory_space<hbm>>
      %dma_wait3A_2213 = tpu.memref_squeeze %dma_wait3A_2212 : memref<1x4x1024xf32, #tpu.memory_space<hbm>> -> memref<4x1024xf32, #tpu.memory_space<hbm>>
      %dma_wait3A_2214 = arith.constant 0 : i32
      %dma_wait3A_2215 = tpu.memref_slice %arg4[%select_n3A, %mul3A_21, %dma_wait3A_2214] : memref<4x32x1024xf32, #tpu.memory_space<hbm>> -> memref<1x4x1024xf32, #tpu.memory_space<hbm>>
      %dma_wait3A_2216 = tpu.memref_squeeze %dma_wait3A_2215 : memref<1x4x1024xf32, #tpu.memory_space<hbm>> -> memref<4x1024xf32, #tpu.memory_space<hbm>>
      tpu.wait_dma2 semaphore(%run_scoped3A : memref<!tpu.dma_semaphore, #tpu.memory_space<semaphore_mem>>) src(%arg7 : memref<4x1024xf32, #tpu.memory_space<vmem>>) dst(%dma_wait3A_2216 : memref<4x1024xf32, #tpu.memory_space<hbm>>)
      tpu.yield
    }) : () -> ()
    return
  }
}

module attributes {stable_mosaic.version = 14 : i64} {
  func.func @_idx_body(%arg0: i32, %arg1: memref<1x32x32x32xf32, #tpu.memory_space<vmem>>, %arg2: memref<1024x32xf32, #tpu.memory_space<vmem>>, %arg3: memref<1024xi32, #tpu.memory_space<vmem>>, %arg4: memref<32768xf32, #tpu.memory_space<vmem>>) attributes {dimension_semantics = [#tpu.dimension_semantics<arbitrary>], iteration_bounds = array<i64: 4>, scalar_prefetch = 0 : i64, scratch_operands = 0 : i64, tpu.core_type = #tpu.core_type<tc>, window_params = [{transform_indices = @transform_0, window_bounds = array<i64: 1, 32, 32, 32>}, {pipeline_mode = #tpu.pipeline_mode<synchronous>, transform_indices = @transform_1, window_bounds = array<i64: 1024, 32>}, {transform_indices = @transform_2, window_bounds = array<i64: 1024>}, {pipeline_mode = #tpu.pipeline_mode<synchronous>, transform_indices = @transform_3, window_bounds = array<i64: 32768>}]} {
    %get3A = arith.constant 0 : index
    %get3A_0 = arith.constant 0 : index
    %get3A_1 = arith.constant 0 : index
    %get3A_2 = arith.constant 0 : index
    %get3A_3 = vector.load %arg1[%get3A, %get3A_0, %get3A_1, %get3A_2] : memref<1x32x32x32xf32, #tpu.memory_space<vmem>>, vector<1x32x32x32xf32>
    %get3A_4 = vector.shape_cast %get3A_3 : vector<1x32x32x32xf32> to vector<32x32x32xf32>
    %reshape3A = vector.shape_cast %get3A_4 : vector<32x32x32xf32> to vector<32x1024xf32>
    %get3A_5 = arith.constant 0 : index
    %get3A_6 = arith.constant 0 : index
    %get3A_7 = vector.load %arg2[%get3A_5, %get3A_6] : memref<1024x32xf32, #tpu.memory_space<vmem>>, vector<1024x32xf32>
    %mul3A = arith.mulf %get3A_7, %get3A_7 : vector<1024x32xf32>
    %reduce_sum3A = arith.constant dense<0.000000e+00> : vector<1024xf32>
    %reduce_sum3A_8 = vector.multi_reduction <add>, %mul3A, %reduce_sum3A [1] : vector<1024x32xf32> to vector<1024xf32>
    %broadcast_in_dim3A = vector.shape_cast %reduce_sum3A_8 : vector<1024xf32> to vector<1024x1xf32>
    %dot_general3A = arith.constant dense<0.000000e+00> : vector<1024x1024xf32>
    %dot_general3A_9 = tpu.matmul %get3A_7, %reshape3A, %dot_general3A {dimension_numbers = #tpu.dot_dimension_numbers<[1], [0], [0], [1], [0, 0, 1, 1], [], []>, precision = #tpu.contract_precision<fp32>, transpose_lhs_hint = false} : vector<1024x32xf32>, vector<32x1024xf32>, vector<1024x1024xf32> -> vector<1024x1024xf32>
    %mul3A_10 = arith.constant 2.000000e+00 : f32
    %mul3A_11 = vector.broadcast %mul3A_10 : f32 to vector<1024x1024xf32>
    %mul3A_12 = arith.mulf %mul3A_11, %dot_general3A_9 : vector<1024x1024xf32>
    %sub3A = vector.broadcast %broadcast_in_dim3A : vector<1024x1xf32> to vector<1024x1024xf32>
    %sub3A_13 = arith.subf %sub3A, %mul3A_12 : vector<1024x1024xf32>
    %reduce_min3A = arith.constant dense<0x7F800000> : vector<1024xf32>
    %reduce_min3A_14 = vector.multi_reduction <minimumf>, %sub3A_13, %reduce_min3A [0] : vector<1024x1024xf32> to vector<1024xf32>
    %broadcast_in_dim3A_15 = vector.shape_cast %reduce_min3A_14 : vector<1024xf32> to vector<1x1024xf32>
    %iota3A = tpu.iota {dimensions = array<i32: 0>} : vector<1024x1024xi32>
    %eq3A = vector.broadcast %broadcast_in_dim3A_15 : vector<1x1024xf32> to vector<1024x1024xf32>
    %eq3A_16 = arith.cmpf oeq, %sub3A_13, %eq3A : vector<1024x1024xf32>
    %jit3A = arith.constant 1024 : i32
    %broadcast_in_dim3A_17 = vector.broadcast %jit3A : i32 to vector<1024x1024xi32>
    %select_n3A = arith.select %eq3A_16, %iota3A, %broadcast_in_dim3A_17 : vector<1024x1024xi1>, vector<1024x1024xi32>
    %reduce_min3A_18 = arith.constant dense<2147483647> : vector<1024xi32>
    %reduce_min3A_19 = vector.multi_reduction <minsi>, %select_n3A, %reduce_min3A_18 [0] : vector<1024x1024xi32> to vector<1024xi32>
    %swap3A = arith.constant 0 : index
    %swap3A_20 = vector.load %arg3[%swap3A] : memref<1024xi32, #tpu.memory_space<vmem>>, vector<1024xi32>
    tpu.vector_store %arg3[%swap3A], %reduce_min3A_19 {strides = array<i32>} : memref<1024xi32, #tpu.memory_space<vmem>>, vector<1024xi32>,
    %eq3A_21 = arith.constant 0 : i32
    %eq3A_22 = arith.cmpi eq, %arg0, %eq3A_21 : i32
    %convert_element_type3A = arith.extui %eq3A_22 : i1 to i32
    %cond3A = arith.constant 0 : i32
    %cond3A_23 = arith.cmpi ne, %convert_element_type3A, %cond3A : i32
    scf.if %cond3A_23 {
      %transpose3A = tpu.transpose %get3A_7, [1, 0] : vector<1024x32xf32> -> vector<32x1024xf32>
      %reshape3A_24 = vector.shape_cast %transpose3A : vector<32x1024xf32> to vector<32768xf32>
      %swap3A_25 = arith.constant 0 : index
      %swap3A_26 = vector.load %arg4[%swap3A_25] : memref<32768xf32, #tpu.memory_space<vmem>>, vector<32768xf32>
      tpu.vector_store %arg4[%swap3A_25], %reshape3A_24 {strides = array<i32>} : memref<32768xf32, #tpu.memory_space<vmem>>, vector<32768xf32>,
    } else {
    }
    return
  }
  func.func @transform_0(%arg0: i32) -> (i32, i32, i32, i32) {
    %c0_i32 = arith.constant 0 : i32
    %c0_i32_0 = arith.constant 0 : i32
    %c0_i32_1 = arith.constant 0 : i32
    %c0_i32_2 = arith.constant 0 : i32
    return %arg0, %c0_i32, %c0_i32_0, %c0_i32_1 : i32, i32, i32, i32
  }
  func.func @transform_1(%arg0: i32) -> (i32, i32) {
    %c0_i32 = arith.constant 0 : i32
    %c0_i32_0 = arith.constant 0 : i32
    %c0_i32_1 = arith.constant 0 : i32
    return %c0_i32, %c0_i32_0 : i32, i32
  }
  func.func @transform_2(%arg0: i32) -> i32 {
    %c0_i32 = arith.constant 0 : i32
    return %arg0 : i32
  }
  func.func @transform_3(%arg0: i32) -> i32 {
    %c0_i32 = arith.constant 0 : i32
    %c0_i32_0 = arith.constant 0 : i32
    return %c0_i32 : i32
  }
}

</mosaic_0001>

<sc_bundles>
// kernel: kernel.4.cloned.1.call-start
scs
__scs_entry_jumppad:
0x0: {  	(pc) =	sbr.rel $0x88, $3  }
0x1: {  	(tag) =	ssettag $0x0;
	lr =	simm.s32 $0x1  }
0x2: {  	[smem:$0x3F9F] =	sst lr;
	_ =	strace $0xD0000000  }
0x3: {  	_ = 	snop  }
0x4: {  	_ = 	snop  }
0x5: {  	_ = 	snop  }
0x6: {  	_ = 	snop  }
0x7: {  	_ = 	snop  }
__scs_overlays_trampoline_lowered:
0x8: {  	[smem:$0x3FAE] =	sst s0  }
0x9: {  	[smem:$0x3FAF] =	sst s1  }
0xa: {  	[smem:$0x3FB0] =	sst s2  }
0xb: {  	[smem:$0x3FB1] =	sst s3  }
0xc: {  	[smem:$0x3FB2] =	sst s4  }
0xd: {  	[smem:$0x3FB3] =	sst s5  }
0xe: {  	[smem:$0x3FB4] =	sst s6  }
0xf: {  	[smem:$0x3FB5] =	sst s7  }
0x10: {  	[smem:$0x3FB6] =	sst s8  }
0x11: {  	[smem:$0x3FB7] =	sst s9;
	s0 =	simm.s32 @!p0 $0x0  }
0x12: {  	s1 =	sld [smem:$0x3F9D];
	s0 =	simm.s32 @p0 $0x1  }
0x13: {  	[smem:$0x3FB8] =	sst s0;
	s0 =	simm.s32 @!p1 $0x0  }
0x14: {  	s2 =	sld [smem:$0x3F9C];
	s0 =	simm.s32 @p1 $0x1  }
0x15: {  	[smem:$0x3FB9] =	sst s0;
	s0 =	simm.s32 @!p2 $0x0  }
0x16: {  	s3 =	sld [smem:$0x3FDB];
	s0 =	simm.s32 @p2 $0x1  }
0x17: {  	s4 =	simm.s32 $0x1BF5;
	[smem:$0x3FBB] =	sst s0  }
0x18: {  	s0 =	sld [smem:$0x3F9E];
	_ =	swait.ge [sflag:s4], $0x0  }
0x19: {  	s7 =	sld [smem:$0x3F9F]  }
0x1a: {  	s8 =	sadd.s32 $0xFFFFE003, lr  }
0x1b: {  	s9 =	sadd.s32 $0xFFFFFEF7, lr;
	s5 =	simm.s32 $0xFFFFFFFF;
	p2 =	slt.u32 s8, $0xFFFFF086  }
0x1c: {  	p1 =	slt.u32 s9, $0xF7A;
	s5 =	simm.s32 @!p2 $0x0  }
0x1d: {  	s5 =	simm.s32 @p1 $0x1;
	p0 =	seq.s32 s7, s2  }
0x1e: {  	s7 =	smul.u32 @!p0 $0xF7A, s2;
	p2 =	seq.s32 @!p0 s5, $0x0  }
0x1f: {  	s9 =	smul.u32 $0xF7A, s1;
	s8 =	simm.s32 @!p0 $0x1BF5;
	p2 =	por !p2, p0  }
0x20: {  	[sflag:s8] =	ssyncset.s32 @!p0 $0xFFFFF086;
	s6 =	sadd.s32 @!p0 s3, s7;
	s7 =	simm.s32 @!p0 $0x108  }
0x21: {  	s3 =	sadd.s32 s3, s9;
	s6 =	sadd.s32 @!p0 $0x88, s6;
	s7 =	simm.s32 @p2 $0x1082  }
0x22: {  	[simem:s7], [sflag:s8] =	dma.local @!p0 [hbm:s6], $0xF7A  }
0x23: {  	s9 =	sor.u32 $0xD0000000, s2;
	s6 =	simm.s32 $0x108;
	_ =	swait.ge @!p0 [sflag:s8], $0x0  }
0x24: {  	s3 =	sadd.s32 $0x88, s3;
	s6 =	simm.s32 @!p1 $0x1082;
	[sflag:s4] =	ssyncset.s32 $0xFFFFF086  }
0x25: {  	[simem:s6], [sflag:s4] =	dma.local [hbm:s3], $0xF7A  }
0x26: {  	[smem:$0x3F9F] =	sst s1;
	(tag) =	ssettag s2;
	_ =	strace s9  }
0x27: {  	s1 =	sld [smem:$0x3FAF]  }
0x28: {  	s2 =	sld [smem:$0x3FB0]  }
0x29: {  	s4 =	sld [smem:$0x3FB2]  }
0x2a: {  	p0 =	seq.s32 s5, $0x0;
	s5 =	sld [smem:$0x3FB3]  }
0x2b: {  	s6 =	sld [smem:$0x3FB4]  }
0x2c: {  	s7 =	sld [smem:$0x3FB5]  }
0x2d: {  	s3 =	simm.s32 $0x108;
	s8 =	sld [smem:$0x3FB6]  }
0x2e: {  	s3 =	simm.s32 @!p0 $0x1082;
	s9 =	sld [smem:$0x3FB7]  }
0x2f: {  	lr =	sadd.s32 s0, s3;
	s0 =	sld [smem:$0x3FAE]  }
0x30: {  	s3 =	sld [smem:$0x3FB1]  }
0x31: {  	[smem:$0x3FBA] =	sst s10  }
0x32: {  	s10 =	sld [smem:$0x3FB8];
	_ =	sdelay $0x3  }
0x33: {  	p0 =	seq.s32 s10, $0x1;
	s10 =	sld [smem:$0x3FBA];
	_ =	sdelay $0x3  }
0x34: {  	[smem:$0x3FBA] =	sst s10  }
0x35: {  	s10 =	sld [smem:$0x3FB9];
	_ =	sdelay $0x3  }
0x36: {  	p1 =	seq.s32 s10, $0x1;
	s10 =	sld [smem:$0x3FBA];
	_ =	sdelay $0x3  }
0x37: {  	[smem:$0x3FBA] =	sst s10  }
0x38: {  	s10 =	sld [smem:$0x3FBB]  }
0x39: {  	_ = 	snop;
	(pc) =	sbr.ind lr, $3  }
0x3a: {  	_ = 	snop  }
0x3b: {  	_ = 	snop  }
0x3c: {  	p2 =	seq.s32 s10, $0x1;
	s10 =	sld [smem:$0x3FBA]  }
0x3d: {  	_ =	shalt  }
0x3e: {  	_ =	shalt  }
0x3f: {  	_ =	shalt  }
0x40: {  	_ =	shalt  }
0x41: {  	_ =	shalt  }
0x42: {  	_ =	shalt  }
0x43: {  	_ =	shalt  }
0x44: {  	_ =	shalt  }
0x45: {  	_ =	shalt  }
0x46: {  	_ =	shalt  }
0x47: {  	_ =	shalt  }
0x48: {  	_ =	shalt  }
0x49: {  	_ =	shalt  }
0x4a: {  	_ =	shalt  }
0x4b: {  	_ =	shalt  }
0x4c: {  	_ =	shalt  }
0x4d: {  	_ =	shalt  }
0x4e: {  	_ =	shalt  }
0x4f: {  	_ =	shalt  }
0x50: {  	_ =	shalt  }
0x51: {  	_ =	shalt  }
0x52: {  	_ =	shalt  }
0x53: {  	_ =	shalt  }
0x54: {  	_ =	shalt  }
0x55: {  	_ =	shalt  }
0x56: {  	_ =	shalt  }
0x57: {  	_ =	shalt  }
0x58: {  	_ =	shalt  }
0x59: {  	_ =	shalt  }
0x5a: {  	_ =	shalt  }
0x5b: {  	_ =	shalt  }
0x5c: {  	_ =	shalt  }
0x5d: {  	_ =	shalt  }
0x5e: {  	_ =	shalt  }
0x5f: {  	_ =	shalt  }
0x60: {  	_ =	shalt  }
0x61: {  	_ =	shalt  }
0x62: {  	_ =	shalt  }
0x63: {  	_ =	shalt  }
0x64: {  	_ =	shalt  }
0x65: {  	_ =	shalt  }
0x66: {  	_ =	shalt  }
0x67: {  	_ =	shalt  }
0x68: {  	_ =	shalt  }
0x69: {  	_ =	shalt  }
0x6a: {  	_ =	shalt  }
0x6b: {  	_ =	shalt  }
0x6c: {  	_ =	shalt  }
0x6d: {  	_ =	shalt  }
0x6e: {  	_ =	shalt  }
0x6f: {  	_ =	shalt  }
0x70: {  	_ =	shalt  }
0x71: {  	_ =	shalt  }
0x72: {  	_ =	shalt  }
0x73: {  	_ =	shalt  }
0x74: {  	_ =	shalt  }
0x75: {  	_ =	shalt  }
0x76: {  	_ =	shalt  }
0x77: {  	_ =	shalt  }
0x78: {  	_ =	shalt  }
0x79: {  	_ =	shalt  }
0x7a: {  	_ =	shalt  }
0x7b: {  	_ =	shalt  }
0x7c: {  	_ =	shalt  }
0x7d: {  	_ =	shalt  }
0x7e: {  	_ =	shalt  }
0x7f: {  	_ =	shalt  }
0x80: {  	_ =	shalt  }
0x81: {  	_ =	shalt  }
0x82: {  	_ =	shalt  }
0x83: {  	_ =	shalt  }
0x84: {  	_ =	shalt  }
0x85: {  	_ =	shalt  }
0x86: {  	_ =	shalt  }
0x87: {  	_ =	shalt  }
.Lfunc_end0:
.L_simem_size_0:
called_computation_lowered:
.L_overlay_start_0:
0x88: {  	s2 =	sld [smem:$0x3FD9]  }
0x89: {  	s3 =	sld [smem:$0x3FFE];
	_ =	sdelay $0x1  }
0x8a: {  	s1 =	srdreg.scid  }
0x8b: {  	s0 =	sand.u32 $0x1, s1  }
0x8c: {  	s14 =	sshll.u32 s0, $0xA;
	s2 =	sadd.s32 s3, s2  }
0x8d: {  	s2 =	sadd.s32 s2, s14  }
0x8e: {  	[smem:$0x3FC6] =	sst s2  }
0x8f: {  	_ = 	snop  }
0x90: {  	s2 =	sld [smem:$0x3FD0];
	_ =	sdelay $0x2  }
0x91: {  	s15 =	simm.s32 $0xA;
	s4 =	simm.s32 $0x10  }
0x92: {  	[smem:s4], [sflag:s15] =	dma.local [hbm:s2], $0x1  }
0x93: {  	_ =	swait.eq [sflag:s15], $0x1  }
0x94: {  	[sflag:s15] =	ssyncset.done $0x0  }
0x95: {  	s16 =	sld [smem:$0x10];
	[sflag:s15] =	ssyncadd.s32 $0xFFFFFFFF  }
0x96: {  	s17 =	sld [smem:$0x11];
	(tm) =	ssettm $0x1  }
0x97: {  	s18 =	sld [smem:$0x3FFB];
	_ =	sdelay $0x3  }
0x98: {  	_ =	strace s18  }
0x99: {  	s4 =	sld [smem:$0x3FFC];
	_ =	sdelay $0x3  }
0x9a: {  	_ =	strace s4  }
0x9b: {  	s4 =	sld [smem:$0x3FFD];
	_ =	sdelay $0x3  }
0x9c: {  	_ =	strace s4  }
0x9d: {  	_ =	strace $0x8FFFFFFF  }
0x9e: {  	s19 =	sld [smem:$0x3FDB];
	_ =	sdelay $0x1  }
0x9f: {  	s5 =	simm.s32 $_scs_section_size  }
0xa0: {  	s6 =	simm.s32 $_size__tile_overlayer_lowered;
	s7 =	simm.s32 $_tile_overlayer_lowered  }
0xa1: {  	s22 =	simm.s32 $0x1BFF;
	s21 =	sshll.u32 s7, $0x1;
	s4 =	sadd.s32 s5, s19  }
0xa2: {  	s8 =	simm.s32 $0x0;
	s20 =	sshll.u32 s6, $0x1;
	s6 =	sadd.s32 s21, s4  }
0xa3: {  	[timem:s8], [sflag:s22] =	dma.local [hbm:s6], s20  }
0xa4: {  	_ =	swait.ge [sflag:s22], s20  }
0xa5: {  	s5 =	ssub.s32 $0x0, s20;
	[sflag:s22] =	ssyncset.done $0x0  }
0xa6: {  	[sflag:s22] =	ssyncadd.s32 s5;
	_ =	sdelay $0x1  }
0xa7: {  	s23 =	simm.s32 $0x1B8B  }
0xa8: {  	_ =	swait.ge [sflag:s23], $0x1  }
0xa9: {  	[sflag:s23] =	ssyncset.done $0x0  }
0xaa: {  	s25 =	simm.s32 $0x1B8E;
	s24 =	sld [smem:$0x3FFE];
	[sflag:s23] =	ssyncadd.s32 $0xFFFFFFFF  }
0xab: {  	s26 =	simm.s32 $execute0_lowered;
	[smem:$0x3FD2] =	sst s25  }
0xac: {  	s6 =	sshll.u32 s26, $0x1;
	_ =	strace $0x80000046;
	[dreg:$0x1] =	wrdreg $0xFFFFFFFF  }
0xad: {  	s28 =	simm.s32 $_size_execute0_lowered;
	s4 =	sadd.s32 s4, s6;
	[dreg:$0x0] =	wrdreg $0x0  }
0xae: {  	s6 =	sshll.u32 s28, $0x1;
	[dreg:$0x2] =	wrdreg s4  }
0xaf: {  	[dreg:$0x3] =	wrdreg s6  }
0xb0: {  	[dreg:$0x4] =	wrdreg $0xC0  }
0xb1: {  	_ =	task [dreg:s8], $0x5FFFF  }
0xb2: {  	[dreg:$0x1] =	wrdreg $0xFFFFFFFF  }
0xb3: {  	[dreg:$0x0] =	wrdreg $0x60  }
0xb4: {  	[dreg:$0x2] =	wrdreg s24  }
0xb5: {  	[dreg:$0x3] =	wrdreg s16  }
0xb6: {  	[dreg:$0x4] =	wrdreg s17  }
0xb7: {  	[dreg:$0x5] =	wrdreg $0x9  }
0xb8: {  	_ =	task.clear_ibuf [dreg:s8], $0x6FFFF;
	_ =	strace $0x90000046  }
0xb9: {  	s29 =	simm.s32 $0x9;
	_ =	strace $0x80000048  }
0xba: {  	_ =	swait.ge [sflag:s29], $0x1  }
0xbb: {  	[sflag:s29] =	ssyncadd.s32 $0xFFFFFFFF  }
0xbc: {  	_ =	strace $0x90000048  }
0xbd: {  	_ =	sfence  }
0xbe: {  	s30 =	sld [smem:$0x0];
	_ =	sdelay $0x2  }
0xbf: {  	s31 =	sshll.u32 s1, $0xD;
	s1 =	sshrl.u32 s1, $0x2  }
0xc0: {  	s3 =	sand.u32 $0x4000, s31;
	s1 =	sadd.s32 s1, s30  }
0xc1: {  	s0 =	sor.u32 s3, s0;
	s1 =	sshll.u32 s1, $0x11  }
0xc2: {  	s0 =	sor.u32 s1, s0  }
0xc3: {  	s0 =	sadd.s32 $0x8F2B, s0  }
0xc4: {  	[sflag:s0] =	ssyncadd.remote.s32 $0x1  }
0xc5: {  	_ =	sfence.sel $0xFFFF  }
0xc6: {  	[dreg:$0x0] =	wrdreg $0xFFFFFFFF;
	(pc) =	sbr.abs _section_cstart, $3  }
0xc7: {  	[dreg:$0x1] =	wrdreg $0xFFFFFFFF  }
0xc8: {  	_ =	task.clear_ibuf [dreg:s8], $0x2FFFF;
	_ =	strace $0x9FFFFFFF  }
0xc9: {  	(tm) =	ssettm $0x7FFFFFFF  }
tec
execute0_lowered:
.L_overlay_start_1:
0x0: {  	(tag) =	ssettag $0x1  }
0x1: {  	s3 =	rddreg [dreg:$0x0]  }
0x2: {  	s4 =	rddreg [dreg:$0x1]  }
0x3: {  	s5 =	rddreg [dreg:$0x2]  }
0x4: {  	s0 =	rddreg [dreg:$0x3]  }
0x5: {  	s2 =	simm.s32 $0x0;
	s1 =	stileid.u32;
	s7 =	srdreg.scid  }
0x6: {  	[smem:$0x7FF] =	sst s2;
	s6 =	sshrl.u32 s1, $0x2;
	s7 =	sand.u32 $0x1, s7  }
0x7: {  	s9 =	sshll.u32 s1, $0x1;
	_ =	strace $0x80000047;
	s8 =	sshll.u32 s6, $0x7  }
0x8: {  	s10 =	ssub.s32 $0x2, s7;
	s7 =	sor.u32 s7, s9;
	s30 =	sshll.u32 s6, $0x3  }
0x9: {  	s6 =	sshll.u32 s6, $0xF;
	s3 =	sadd.s32 s8, s3;
	s7 =	ssub.s32 s7, s30  }
0xa: {  	s31 =	sshrl.u32 s10, $0x1;
	s9 =	sshll.u32 s7, $0x9;
	s7 =	sshll.u32 s7, $0xC  }
0xb: {  	s8 =	ssub.s32 s10, s31;
	s3 =	sadd.s32 $0xE00, s3;
	s10 =	simm.s32 $0x2  }
0xc: {  	s9 =	sand.u32 $0x1FFFFE00, s9;
	s6 =	sadd.s32 s6, s7;
	s7 =	simm.s32 $0x400  }
0xd: {  	s4 =	sadd.s32 s4, s9;
	s6 =	sshrl.u32 s6, $0x3;
	s9 =	simm.s32 $0x1400  }
0xe: {  	s5 =	sadd.s32 s5, s6;
	s6 =	smax.u32 s8, $0x1;
	s8 =	simm.s32 $0x1  }
.LBB2_1:
0xf: {  	[tilespmem:s2], [sflag:$0x1] =	stream.linear.gather [hbm4b:s3+s2], $0x400, $0x38;
	[tilespmem:$0x2400] =	vst v63  }
0x10: {  	_ = 	snop  }
0x11: {  	[tilespmem:s7], [sflag:$0x1] =	stream.linear.gather [hbm4b:s4+s2], $0x1000, $0x38;
	[tilespmem:$0x2400] =	vst v63  }
0x12: {  	_ =	swait.ge [sflag:s8], $0x400  }
0x13: {  	[sflag:s8] =	ssyncset.done $0x0  }
0x14: {  	[sflag:s8] =	ssyncadd.s32 $0xFFFFFC00  }
0x15: {  	_ =	swait.ge [sflag:s8], $0x1000  }
0x16: {  	[sflag:s8] =	ssyncset.done $0x0  }
0x17: {  	[sflag:s8] =	ssyncadd.s32 $0xFFFFF000  }
0x18: {  	v0 =	vld [tilespmem:$0x0];
	_ =	sdelay $0x7  }
0x19: {  	v1 =	vld.idx.msk [tilespmem:v0+s7+$0x0], $0xffff  }
0x1a: {  	v2 =	vadd.s32 $0x400, v0;
	_ =	sdelay $0x3  }
0x1b: {  	[tilespmem:$0x1400] =	vst v1  }
0x1c: {  	v1 =	vld.idx.msk [tilespmem:v2+s7+$0x0], $0xffff  }
0x1d: {  	v53 =	vadd.s32 $0x800, v0;
	_ =	sdelay $0x3  }
0x1e: {  	[tilespmem:$0x1800] =	vst v1  }
0x1f: {  	v1 =	vld.idx.msk [tilespmem:v53+s7+$0x0], $0xffff  }
0x20: {  	v0 =	vadd.s32 $0xC00, v0;
	_ =	sdelay $0x2  }
0x21: {  	v54 =	vld [tilespmem:$0x10]  }
0x22: {  	[tilespmem:$0x1C00] =	vst v1  }
0x23: {  	v0 =	vld.idx.msk [tilespmem:v0+s7+$0x0], $0xffff;
	_ =	sdelay $0x4  }
0x24: {  	[tilespmem:$0x2000] =	vst v0  }
0x25: {  	v0 =	vld.idx.msk [tilespmem:v54+s7+$0x0], $0xffff  }
0x26: {  	v55 =	vadd.s32 $0x400, v54;
	_ =	sdelay $0x3  }
0x27: {  	[tilespmem:$0x1410] =	vst v0  }
0x28: {  	v0 =	vld.idx.msk [tilespmem:v55+s7+$0x0], $0xffff  }
0x29: {  	v56 =	vadd.s32 $0x800, v54;
	_ =	sdelay $0x3  }
0x2a: {  	[tilespmem:$0x1810] =	vst v0  }
0x2b: {  	v0 =	vld.idx.msk [tilespmem:v56+s7+$0x0], $0xffff  }
0x2c: {  	v57 =	vadd.s32 $0xC00, v54;
	_ =	sdelay $0x2  }
0x2d: {  	v58 =	vld [tilespmem:$0x20]  }
0x2e: {  	[tilespmem:$0x1C10] =	vst v0  }
0x2f: {  	v0 =	vld.idx.msk [tilespmem:v57+s7+$0x0], $0xffff;
	_ =	sdelay $0x4  }
0x30: {  	[tilespmem:$0x2010] =	vst v0  }
0x31: {  	v0 =	vld.idx.msk [tilespmem:v58+s7+$0x0], $0xffff  }
0x32: {  	v59 =	vadd.s32 $0x400, v58;
	_ =	sdelay $0x3  }
0x33: {  	[tilespmem:$0x1420] =	vst v0  }
0x34: {  	v0 =	vld.idx.msk [tilespmem:v59+s7+$0x0], $0xffff  }
0x35: {  	v60 =	vadd.s32 $0x800, v58;
	_ =	sdelay $0x3  }
0x36: {  	[tilespmem:$0x1820] =	vst v0  }
0x37: {  	v0 =	vld.idx.msk [tilespmem:v60+s7+$0x0], $0xffff  }
0x38: {  	v61 =	vadd.s32 $0xC00, v58;
	_ =	sdelay $0x2  }
0x39: {  	v62 =	vld [tilespmem:$0x30]  }
0x3a: {  	[tilespmem:$0x1C20] =	vst v0  }
0x3b: {  	v0 =	vld.idx.msk [tilespmem:v61+s7+$0x0], $0xffff;
	_ =	sdelay $0x4  }
0x3c: {  	[tilespmem:$0x2020] =	vst v0  }
0x3d: {  	v0 =	vld.idx.msk [tilespmem:v62+s7+$0x0], $0xffff  }
0x3e: {  	v63 =	vadd.s32 $0x400, v62;
	_ =	sdelay $0x3  }
0x3f: {  	[tilespmem:$0x1430] =	vst v0  }
0x40: {  	v0 =	vld.idx.msk [tilespmem:v63+s7+$0x0], $0xffff  }
0x41: {  	v4 =	vadd.s32 $0x800, v62;
	_ =	sdelay $0x3  }
0x42: {  	[tilespmem:$0x1830] =	vst v0  }
0x43: {  	v0 =	vld.idx.msk [tilespmem:v4+s7+$0x0], $0xffff  }
0x44: {  	v5 =	vadd.s32 $0xC00, v62;
	_ =	sdelay $0x2  }
0x45: {  	v6 =	vld [tilespmem:$0x40]  }
0x46: {  	[tilespmem:$0x1C30] =	vst v0  }
0x47: {  	v0 =	vld.idx.msk [tilespmem:v5+s7+$0x0], $0xffff;
	_ =	sdelay $0x4  }
0x48: {  	[tilespmem:$0x2030] =	vst v0  }
0x49: {  	v0 =	vld.idx.msk [tilespmem:v6+s7+$0x0], $0xffff  }
0x4a: {  	v7 =	vadd.s32 $0x400, v6;
	_ =	sdelay $0x3  }
0x4b: {  	[tilespmem:$0x1440] =	vst v0  }
0x4c: {  	v0 =	vld.idx.msk [tilespmem:v7+s7+$0x0], $0xffff  }
0x4d: {  	v8 =	vadd.s32 $0x800, v6;
	_ =	sdelay $0x3  }
0x4e: {  	[tilespmem:$0x1840] =	vst v0  }
0x4f: {  	v0 =	vld.idx.msk [tilespmem:v8+s7+$0x0], $0xffff  }
0x50: {  	v9 =	vadd.s32 $0xC00, v6;
	_ =	sdelay $0x2  }
0x51: {  	v10 =	vld [tilespmem:$0x50]  }
0x52: {  	[tilespmem:$0x1C40] =	vst v0  }
0x53: {  	v0 =	vld.idx.msk [tilespmem:v9+s7+$0x0], $0xffff;
	_ =	sdelay $0x4  }
0x54: {  	[tilespmem:$0x2040] =	vst v0  }
0x55: {  	v0 =	vld.idx.msk [tilespmem:v10+s7+$0x0], $0xffff  }
0x56: {  	v11 =	vadd.s32 $0x400, v10;
	_ =	sdelay $0x3  }
0x57: {  	[tilespmem:$0x1450] =	vst v0  }
0x58: {  	v0 =	vld.idx.msk [tilespmem:v11+s7+$0x0], $0xffff  }
0x59: {  	v12 =	vadd.s32 $0x800, v10;
	_ =	sdelay $0x3  }
0x5a: {  	[tilespmem:$0x1850] =	vst v0  }
0x5b: {  	v0 =	vld.idx.msk [tilespmem:v12+s7+$0x0], $0xffff  }
0x5c: {  	v13 =	vadd.s32 $0xC00, v10;
	_ =	sdelay $0x2  }
0x5d: {  	v14 =	vld [tilespmem:$0x60]  }
0x5e: {  	[tilespmem:$0x1C50] =	vst v0  }
0x5f: {  	v0 =	vld.idx.msk [tilespmem:v13+s7+$0x0], $0xffff;
	_ =	sdelay $0x4  }
0x60: {  	[tilespmem:$0x2050] =	vst v0  }
0x61: {  	v0 =	vld.idx.msk [tilespmem:v14+s7+$0x0], $0xffff  }
0x62: {  	v15 =	vadd.s32 $0x400, v14;
	_ =	sdelay $0x3  }
0x63: {  	[tilespmem:$0x1460] =	vst v0  }
0x64: {  	v0 =	vld.idx.msk [tilespmem:v15+s7+$0x0], $0xffff  }
0x65: {  	v16 =	vadd.s32 $0x800, v14;
	_ =	sdelay $0x3  }
0x66: {  	[tilespmem:$0x1860] =	vst v0  }
0x67: {  	v0 =	vld.idx.msk [tilespmem:v16+s7+$0x0], $0xffff  }
0x68: {  	v17 =	vadd.s32 $0xC00, v14;
	_ =	sdelay $0x2  }
0x69: {  	v18 =	vld [tilespmem:$0x70]  }
0x6a: {  	[tilespmem:$0x1C60] =	vst v0  }
0x6b: {  	v0 =	vld.idx.msk [tilespmem:v17+s7+$0x0], $0xffff;
	_ =	sdelay $0x4  }
0x6c: {  	[tilespmem:$0x2060] =	vst v0  }
0x6d: {  	v0 =	vld.idx.msk [tilespmem:v18+s7+$0x0], $0xffff  }
0x6e: {  	v19 =	vadd.s32 $0x400, v18;
	_ =	sdelay $0x3  }
0x6f: {  	[tilespmem:$0x1470] =	vst v0  }
0x70: {  	v0 =	vld.idx.msk [tilespmem:v19+s7+$0x0], $0xffff  }
0x71: {  	v20 =	vadd.s32 $0x800, v18;
	_ =	sdelay $0x3  }
0x72: {  	[tilespmem:$0x1870] =	vst v0  }
0x73: {  	v0 =	vld.idx.msk [tilespmem:v20+s7+$0x0], $0xffff  }
0x74: {  	v21 =	vadd.s32 $0xC00, v18;
	_ =	sdelay $0x2  }
0x75: {  	v22 =	vld [tilespmem:$0x80]  }
0x76: {  	[tilespmem:$0x1C70] =	vst v0  }
0x77: {  	v0 =	vld.idx.msk [tilespmem:v21+s7+$0x0], $0xffff;
	_ =	sdelay $0x4  }
0x78: {  	[tilespmem:$0x2070] =	vst v0  }
0x79: {  	v0 =	vld.idx.msk [tilespmem:v22+s7+$0x0], $0xffff  }
0x7a: {  	v23 =	vadd.s32 $0x400, v22;
	_ =	sdelay $0x3  }
0x7b: {  	[tilespmem:$0x1480] =	vst v0  }
0x7c: {  	v0 =	vld.idx.msk [tilespmem:v23+s7+$0x0], $0xffff  }
0x7d: {  	v24 =	vadd.s32 $0x800, v22;
	_ =	sdelay $0x3  }
0x7e: {  	[tilespmem:$0x1880] =	vst v0  }
0x7f: {  	v0 =	vld.idx.msk [tilespmem:v24+s7+$0x0], $0xffff  }
0x80: {  	v25 =	vadd.s32 $0xC00, v22;
	_ =	sdelay $0x3  }
0x81: {  	[tilespmem:$0x1C80] =	vst v0  }
0x82: {  	v0 =	vld.idx.msk [tilespmem:v25+s7+$0x0], $0xffff  }
0x83: {  	v1 =	vld [tilespmem:$0x90];
	_ =	sdelay $0x6  }
0x84: {  	[tilespmem:$0x2080] =	vst v0  }
0x85: {  	v0 =	vld.idx.msk [tilespmem:v1+s7+$0x0], $0xffff  }
0x86: {  	v26 =	vadd.s32 $0x400, v1;
	_ =	sdelay $0x3  }
0x87: {  	[tilespmem:$0x1490] =	vst v0  }
0x88: {  	v0 =	vld.idx.msk [tilespmem:v26+s7+$0x0], $0xffff  }
0x89: {  	v27 =	vadd.s32 $0x800, v1;
	_ =	sdelay $0x3  }
0x8a: {  	[tilespmem:$0x1890] =	vst v0  }
0x8b: {  	v0 =	vld.idx.msk [tilespmem:v27+s7+$0x0], $0xffff  }
0x8c: {  	v1 =	vadd.s32 $0xC00, v1;
	_ =	sdelay $0x2  }
0x8d: {  	v28 =	vld [tilespmem:$0xA0]  }
0x8e: {  	[tilespmem:$0x1C90] =	vst v0  }
0x8f: {  	v0 =	vld.idx.msk [tilespmem:v1+s7+$0x0], $0xffff;
	_ =	sdelay $0x4  }
0x90: {  	[tilespmem:$0x2090] =	vst v0  }
0x91: {  	v0 =	vld.idx.msk [tilespmem:v28+s7+$0x0], $0xffff  }
0x92: {  	v29 =	vadd.s32 $0x400, v28;
	_ =	sdelay $0x3  }
0x93: {  	[tilespmem:$0x14A0] =	vst v0  }
0x94: {  	v0 =	vld.idx.msk [tilespmem:v29+s7+$0x0], $0xffff  }
0x95: {  	v30 =	vadd.s32 $0x800, v28;
	_ =	sdelay $0x3  }
0x96: {  	[tilespmem:$0x18A0] =	vst v0  }
0x97: {  	v0 =	vld.idx.msk [tilespmem:v30+s7+$0x0], $0xffff  }
0x98: {  	v31 =	vadd.s32 $0xC00, v28;
	_ =	sdelay $0x2  }
0x99: {  	v32 =	vld [tilespmem:$0xB0]  }
0x9a: {  	[tilespmem:$0x1CA0] =	vst v0  }
0x9b: {  	v0 =	vld.idx.msk [tilespmem:v31+s7+$0x0], $0xffff;
	_ =	sdelay $0x4  }
0x9c: {  	[tilespmem:$0x20A0] =	vst v0  }
0x9d: {  	v0 =	vld.idx.msk [tilespmem:v32+s7+$0x0], $0xffff  }
0x9e: {  	v33 =	vadd.s32 $0x400, v32;
	_ =	sdelay $0x3  }
0x9f: {  	[tilespmem:$0x14B0] =	vst v0  }
0xa0: {  	v0 =	vld.idx.msk [tilespmem:v33+s7+$0x0], $0xffff  }
0xa1: {  	v34 =	vadd.s32 $0x800, v32;
	_ =	sdelay $0x3  }
0xa2: {  	[tilespmem:$0x18B0] =	vst v0  }
0xa3: {  	v0 =	vld.idx.msk [tilespmem:v34+s7+$0x0], $0xffff  }
0xa4: {  	v35 =	vadd.s32 $0xC00, v32;
	_ =	sdelay $0x2  }
0xa5: {  	v36 =	vld [tilespmem:$0xC0]  }
0xa6: {  	[tilespmem:$0x1CB0] =	vst v0  }
0xa7: {  	v0 =	vld.idx.msk [tilespmem:v35+s7+$0x0], $0xffff;
	_ =	sdelay $0x4  }
0xa8: {  	[tilespmem:$0x20B0] =	vst v0  }
0xa9: {  	v0 =	vld.idx.msk [tilespmem:v36+s7+$0x0], $0xffff  }
0xaa: {  	v37 =	vadd.s32 $0x400, v36;
	_ =	sdelay $0x3  }
0xab: {  	[tilespmem:$0x14C0] =	vst v0  }
0xac: {  	v0 =	vld.idx.msk [tilespmem:v37+s7+$0x0], $0xffff  }
0xad: {  	v38 =	vadd.s32 $0x800, v36;
	_ =	sdelay $0x3  }
0xae: {  	[tilespmem:$0x18C0] =	vst v0  }
0xaf: {  	v0 =	vld.idx.msk [tilespmem:v38+s7+$0x0], $0xffff  }
0xb0: {  	v39 =	vadd.s32 $0xC00, v36;
	_ =	sdelay $0x2  }
0xb1: {  	v40 =	vld [tilespmem:$0xD0]  }
0xb2: {  	[tilespmem:$0x1CC0] =	vst v0  }
0xb3: {  	v0 =	vld.idx.msk [tilespmem:v39+s7+$0x0], $0xffff;
	_ =	sdelay $0x4  }
0xb4: {  	[tilespmem:$0x20C0] =	vst v0  }
0xb5: {  	v0 =	vld.idx.msk [tilespmem:v40+s7+$0x0], $0xffff  }
0xb6: {  	v41 =	vadd.s32 $0x400, v40;
	_ =	sdelay $0x3  }
0xb7: {  	[tilespmem:$0x14D0] =	vst v0  }
0xb8: {  	v0 =	vld.idx.msk [tilespmem:v41+s7+$0x0], $0xffff  }
0xb9: {  	v42 =	vadd.s32 $0x800, v40;
	_ =	sdelay $0x3  }
0xba: {  	[tilespmem:$0x18D0] =	vst v0  }
0xbb: {  	v0 =	vld.idx.msk [tilespmem:v42+s7+$0x0], $0xffff  }
0xbc: {  	v43 =	vadd.s32 $0xC00, v40;
	_ =	sdelay $0x2  }
0xbd: {  	v44 =	vld [tilespmem:$0xE0]  }
0xbe: {  	[tilespmem:$0x1CD0] =	vst v0  }
0xbf: {  	v0 =	vld.idx.msk [tilespmem:v43+s7+$0x0], $0xffff;
	_ =	sdelay $0x4  }
0xc0: {  	[tilespmem:$0x20D0] =	vst v0  }
0xc1: {  	v0 =	vld.idx.msk [tilespmem:v44+s7+$0x0], $0xffff  }
0xc2: {  	v45 =	vadd.s32 $0x400, v44;
	_ =	sdelay $0x3  }
0xc3: {  	[tilespmem:$0x14E0] =	vst v0  }
0xc4: {  	v0 =	vld.idx.msk [tilespmem:v45+s7+$0x0], $0xffff  }
0xc5: {  	v46 =	vadd.s32 $0x800, v44;
	_ =	sdelay $0x3  }
0xc6: {  	[tilespmem:$0x18E0] =	vst v0  }
0xc7: {  	v0 =	vld.idx.msk [tilespmem:v46+s7+$0x0], $0xffff  }
0xc8: {  	v47 =	vadd.s32 $0xC00, v44;
	_ =	sdelay $0x2  }
0xc9: {  	v48 =	vld [tilespmem:$0xF0]  }
0xca: {  	[tilespmem:$0x1CE0] =	vst v0  }
0xcb: {  	v0 =	vld.idx.msk [tilespmem:v47+s7+$0x0], $0xffff;
	_ =	sdelay $0x4  }
0xcc: {  	[tilespmem:$0x20E0] =	vst v0  }
0xcd: {  	v0 =	vld.idx.msk [tilespmem:v48+s7+$0x0], $0xffff  }
0xce: {  	v49 =	vadd.s32 $0x400, v48;
	_ =	sdelay $0x3  }
0xcf: {  	[tilespmem:$0x14F0] =	vst v0  }
0xd0: {  	v0 =	vld.idx.msk [tilespmem:v49+s7+$0x0], $0xffff  }
0xd1: {  	v50 =	vadd.s32 $0x800, v48;
	_ =	sdelay $0x3  }
0xd2: {  	[tilespmem:$0x18F0] =	vst v0  }
0xd3: {  	v0 =	vld.idx.msk [tilespmem:v50+s7+$0x0], $0xffff  }
0xd4: {  	v51 =	vadd.s32 $0xC00, v48;
	_ =	sdelay $0x2  }
0xd5: {  	v52 =	vld [tilespmem:$0x100]  }
0xd6: {  	[tilespmem:$0x1CF0] =	vst v0  }
0xd7: {  	v0 =	vld.idx.msk [tilespmem:v51+s7+$0x0], $0xffff;
	_ =	sdelay $0x4  }
0xd8: {  	[tilespmem:$0x20F0] =	vst v0  }
0xd9: {  	v0 =	vld.idx.msk [tilespmem:v52+s7+$0x0], $0xffff  }
0xda: {  	v53 =	vadd.s32 $0x400, v52;
	_ =	sdelay $0x3  }
0xdb: {  	[tilespmem:$0x1500] =	vst v0  }
0xdc: {  	v0 =	vld.idx.msk [tilespmem:v53+s7+$0x0], $0xffff  }
0xdd: {  	v54 =	vadd.s32 $0x800, v52;
	_ =	sdelay $0x3  }
0xde: {  	[tilespmem:$0x1900] =	vst v0  }
0xdf: {  	v0 =	vld.idx.msk [tilespmem:v54+s7+$0x0], $0xffff  }
0xe0: {  	v55 =	vadd.s32 $0xC00, v52;
	_ =	sdelay $0x2  }
0xe1: {  	v56 =	vld [tilespmem:$0x110]  }
0xe2: {  	[tilespmem:$0x1D00] =	vst v0  }
0xe3: {  	v0 =	vld.idx.msk [tilespmem:v55+s7+$0x0], $0xffff;
	_ =	sdelay $0x4  }
0xe4: {  	[tilespmem:$0x2100] =	vst v0  }
0xe5: {  	v0 =	vld.idx.msk [tilespmem:v56+s7+$0x0], $0xffff  }
0xe6: {  	v57 =	vadd.s32 $0x400, v56;
	_ =	sdelay $0x3  }
0xe7: {  	[tilespmem:$0x1510] =	vst v0  }
0xe8: {  	v0 =	vld.idx.msk [tilespmem:v57+s7+$0x0], $0xffff  }
0xe9: {  	v58 =	vadd.s32 $0x800, v56;
	_ =	sdelay $0x3  }
0xea: {  	[tilespmem:$0x1910] =	vst v0  }
0xeb: {  	v0 =	vld.idx.msk [tilespmem:v58+s7+$0x0], $0xffff  }
0xec: {  	v59 =	vadd.s32 $0xC00, v56;
	_ =	sdelay $0x2  }
0xed: {  	v60 =	vld [tilespmem:$0x120]  }
0xee: {  	[tilespmem:$0x1D10] =	vst v0  }
0xef: {  	v0 =	vld.idx.msk [tilespmem:v59+s7+$0x0], $0xffff;
	_ =	sdelay $0x4  }
0xf0: {  	[tilespmem:$0x2110] =	vst v0  }
0xf1: {  	v0 =	vld.idx.msk [tilespmem:v60+s7+$0x0], $0xffff  }
0xf2: {  	v61 =	vadd.s32 $0x400, v60;
	_ =	sdelay $0x3  }
0xf3: {  	[tilespmem:$0x1520] =	vst v0  }
0xf4: {  	v0 =	vld.idx.msk [tilespmem:v61+s7+$0x0], $0xffff  }
0xf5: {  	v62 =	vadd.s32 $0x800, v60;
	_ =	sdelay $0x3  }
0xf6: {  	[tilespmem:$0x1920] =	vst v0  }
0xf7: {  	v0 =	vld.idx.msk [tilespmem:v62+s7+$0x0], $0xffff  }
0xf8: {  	v63 =	vadd.s32 $0xC00, v60;
	_ =	sdelay $0x2  }
0xf9: {  	v4 =	vld [tilespmem:$0x130]  }
0xfa: {  	[tilespmem:$0x1D20] =	vst v0  }
0xfb: {  	v0 =	vld.idx.msk [tilespmem:v63+s7+$0x0], $0xffff;
	_ =	sdelay $0x4  }
0xfc: {  	[tilespmem:$0x2120] =	vst v0  }
0xfd: {  	v0 =	vld.idx.msk [tilespmem:v4+s7+$0x0], $0xffff  }
0xfe: {  	v5 =	vadd.s32 $0x400, v4;
	_ =	sdelay $0x3  }
0xff: {  	[tilespmem:$0x1530] =	vst v0  }
0x100: {  	v0 =	vld.idx.msk [tilespmem:v5+s7+$0x0], $0xffff  }
0x101: {  	v6 =	vadd.s32 $0x800, v4;
	_ =	sdelay $0x3  }
0x102: {  	[tilespmem:$0x1930] =	vst v0  }
0x103: {  	v0 =	vld.idx.msk [tilespmem:v6+s7+$0x0], $0xffff  }
0x104: {  	v7 =	vadd.s32 $0xC00, v4;
	_ =	sdelay $0x2  }
0x105: {  	v8 =	vld [tilespmem:$0x140]  }
0x106: {  	[tilespmem:$0x1D30] =	vst v0  }
0x107: {  	v0 =	vld.idx.msk [tilespmem:v7+s7+$0x0], $0xffff;
	_ =	sdelay $0x4  }
0x108: {  	[tilespmem:$0x2130] =	vst v0  }
0x109: {  	v0 =	vld.idx.msk [tilespmem:v8+s7+$0x0], $0xffff  }
0x10a: {  	v9 =	vadd.s32 $0x400, v8;
	_ =	sdelay $0x3  }
0x10b: {  	[tilespmem:$0x1540] =	vst v0  }
0x10c: {  	v0 =	vld.idx.msk [tilespmem:v9+s7+$0x0], $0xffff  }
0x10d: {  	v10 =	vadd.s32 $0x800, v8;
	_ =	sdelay $0x3  }
0x10e: {  	[tilespmem:$0x1940] =	vst v0  }
0x10f: {  	v0 =	vld.idx.msk [tilespmem:v10+s7+$0x0], $0xffff  }
0x110: {  	v11 =	vadd.s32 $0xC00, v8;
	_ =	sdelay $0x2  }
0x111: {  	v12 =	vld [tilespmem:$0x150]  }
0x112: {  	[tilespmem:$0x1D40] =	vst v0  }
0x113: {  	v0 =	vld.idx.msk [tilespmem:v11+s7+$0x0], $0xffff;
	_ =	sdelay $0x4  }
0x114: {  	[tilespmem:$0x2140] =	vst v0  }
0x115: {  	v0 =	vld.idx.msk [tilespmem:v12+s7+$0x0], $0xffff  }
0x116: {  	v13 =	vadd.s32 $0x400, v12;
	_ =	sdelay $0x3  }
0x117: {  	[tilespmem:$0x1550] =	vst v0  }
0x118: {  	v0 =	vld.idx.msk [tilespmem:v13+s7+$0x0], $0xffff  }
0x119: {  	v14 =	vadd.s32 $0x800, v12;
	_ =	sdelay $0x3  }
0x11a: {  	[tilespmem:$0x1950] =	vst v0  }
0x11b: {  	v0 =	vld.idx.msk [tilespmem:v14+s7+$0x0], $0xffff  }
0x11c: {  	v15 =	vadd.s32 $0xC00, v12;
	_ =	sdelay $0x2  }
0x11d: {  	v16 =	vld [tilespmem:$0x160]  }
0x11e: {  	[tilespmem:$0x1D50] =	vst v0  }
0x11f: {  	v0 =	vld.idx.msk [tilespmem:v15+s7+$0x0], $0xffff;
	_ =	sdelay $0x4  }
0x120: {  	[tilespmem:$0x2150] =	vst v0  }
0x121: {  	v0 =	vld.idx.msk [tilespmem:v16+s7+$0x0], $0xffff  }
0x122: {  	v17 =	vadd.s32 $0x400, v16;
	_ =	sdelay $0x3  }
0x123: {  	[tilespmem:$0x1560] =	vst v0  }
0x124: {  	v0 =	vld.idx.msk [tilespmem:v17+s7+$0x0], $0xffff  }
0x125: {  	v18 =	vadd.s32 $0x800, v16;
	_ =	sdelay $0x3  }
0x126: {  	[tilespmem:$0x1960] =	vst v0  }
0x127: {  	v0 =	vld.idx.msk [tilespmem:v18+s7+$0x0], $0xffff  }
0x128: {  	v19 =	vadd.s32 $0xC00, v16;
	_ =	sdelay $0x2  }
0x129: {  	v20 =	vld [tilespmem:$0x170]  }
0x12a: {  	[tilespmem:$0x1D60] =	vst v0  }
0x12b: {  	v0 =	vld.idx.msk [tilespmem:v19+s7+$0x0], $0xffff;
	_ =	sdelay $0x4  }
0x12c: {  	[tilespmem:$0x2160] =	vst v0  }
0x12d: {  	v0 =	vld.idx.msk [tilespmem:v20+s7+$0x0], $0xffff  }
0x12e: {  	v21 =	vadd.s32 $0x400, v20;
	_ =	sdelay $0x3  }
0x12f: {  	[tilespmem:$0x1570] =	vst v0  }
0x130: {  	v0 =	vld.idx.msk [tilespmem:v21+s7+$0x0], $0xffff  }
0x131: {  	v22 =	vadd.s32 $0x800, v20;
	_ =	sdelay $0x3  }
0x132: {  	[tilespmem:$0x1970] =	vst v0  }
0x133: {  	v0 =	vld.idx.msk [tilespmem:v22+s7+$0x0], $0xffff  }
0x134: {  	v23 =	vadd.s32 $0xC00, v20;
	_ =	sdelay $0x2  }
0x135: {  	v24 =	vld [tilespmem:$0x180]  }
0x136: {  	[tilespmem:$0x1D70] =	vst v0  }
0x137: {  	v0 =	vld.idx.msk [tilespmem:v23+s7+$0x0], $0xffff;
	_ =	sdelay $0x4  }
0x138: {  	[tilespmem:$0x2170] =	vst v0  }
0x139: {  	v0 =	vld.idx.msk [tilespmem:v24+s7+$0x0], $0xffff  }
0x13a: {  	v25 =	vadd.s32 $0x400, v24;
	_ =	sdelay $0x3  }
0x13b: {  	[tilespmem:$0x1580] =	vst v0  }
0x13c: {  	v0 =	vld.idx.msk [tilespmem:v25+s7+$0x0], $0xffff  }
0x13d: {  	v26 =	vadd.s32 $0x800, v24;
	_ =	sdelay $0x3  }
0x13e: {  	[tilespmem:$0x1980] =	vst v0  }
0x13f: {  	v0 =	vld.idx.msk [tilespmem:v26+s7+$0x0], $0xffff  }
0x140: {  	v27 =	vadd.s32 $0xC00, v24;
	_ =	sdelay $0x2  }
0x141: {  	v28 =	vld [tilespmem:$0x190]  }
0x142: {  	[tilespmem:$0x1D80] =	vst v0  }
0x143: {  	v0 =	vld.idx.msk [tilespmem:v27+s7+$0x0], $0xffff;
	_ =	sdelay $0x4  }
0x144: {  	[tilespmem:$0x2180] =	vst v0  }
0x145: {  	v0 =	vld.idx.msk [tilespmem:v28+s7+$0x0], $0xffff  }
0x146: {  	v29 =	vadd.s32 $0x400, v28;
	_ =	sdelay $0x3  }
0x147: {  	[tilespmem:$0x1590] =	vst v0  }
0x148: {  	v0 =	vld.idx.msk [tilespmem:v29+s7+$0x0], $0xffff  }
0x149: {  	v30 =	vadd.s32 $0x800, v28;
	_ =	sdelay $0x3  }
0x14a: {  	[tilespmem:$0x1990] =	vst v0  }
0x14b: {  	v0 =	vld.idx.msk [tilespmem:v30+s7+$0x0], $0xffff  }
0x14c: {  	v31 =	vadd.s32 $0xC00, v28;
	_ =	sdelay $0x2  }
0x14d: {  	v32 =	vld [tilespmem:$0x1A0]  }
0x14e: {  	[tilespmem:$0x1D90] =	vst v0  }
0x14f: {  	v0 =	vld.idx.msk [tilespmem:v31+s7+$0x0], $0xffff;
	_ =	sdelay $0x4  }
0x150: {  	[tilespmem:$0x2190] =	vst v0  }
0x151: {  	v0 =	vld.idx.msk [tilespmem:v32+s7+$0x0], $0xffff  }
0x152: {  	v33 =	vadd.s32 $0x400, v32;
	_ =	sdelay $0x3  }
0x153: {  	[tilespmem:$0x15A0] =	vst v0  }
0x154: {  	v0 =	vld.idx.msk [tilespmem:v33+s7+$0x0], $0xffff  }
0x155: {  	v34 =	vadd.s32 $0x800, v32;
	_ =	sdelay $0x3  }
0x156: {  	[tilespmem:$0x19A0] =	vst v0  }
0x157: {  	v0 =	vld.idx.msk [tilespmem:v34+s7+$0x0], $0xffff  }
0x158: {  	v35 =	vadd.s32 $0xC00, v32;
	_ =	sdelay $0x2  }
0x159: {  	v36 =	vld [tilespmem:$0x1B0]  }
0x15a: {  	[tilespmem:$0x1DA0] =	vst v0  }
0x15b: {  	v0 =	vld.idx.msk [tilespmem:v35+s7+$0x0], $0xffff;
	_ =	sdelay $0x4  }
0x15c: {  	[tilespmem:$0x21A0] =	vst v0  }
0x15d: {  	v0 =	vld.idx.msk [tilespmem:v36+s7+$0x0], $0xffff  }
0x15e: {  	v37 =	vadd.s32 $0x400, v36;
	_ =	sdelay $0x3  }
0x15f: {  	[tilespmem:$0x15B0] =	vst v0  }
0x160: {  	v0 =	vld.idx.msk [tilespmem:v37+s7+$0x0], $0xffff  }
0x161: {  	v38 =	vadd.s32 $0x800, v36;
	_ =	sdelay $0x3  }
0x162: {  	[tilespmem:$0x19B0] =	vst v0  }
0x163: {  	v0 =	vld.idx.msk [tilespmem:v38+s7+$0x0], $0xffff  }
0x164: {  	v39 =	vadd.s32 $0xC00, v36;
	_ =	sdelay $0x2  }
0x165: {  	v40 =	vld [tilespmem:$0x1C0]  }
0x166: {  	[tilespmem:$0x1DB0] =	vst v0  }
0x167: {  	v0 =	vld.idx.msk [tilespmem:v39+s7+$0x0], $0xffff;
	_ =	sdelay $0x4  }
0x168: {  	[tilespmem:$0x21B0] =	vst v0  }
0x169: {  	v0 =	vld.idx.msk [tilespmem:v40+s7+$0x0], $0xffff  }
0x16a: {  	v41 =	vadd.s32 $0x400, v40;
	_ =	sdelay $0x3  }
0x16b: {  	[tilespmem:$0x15C0] =	vst v0  }
0x16c: {  	v0 =	vld.idx.msk [tilespmem:v41+s7+$0x0], $0xffff  }
0x16d: {  	v42 =	vadd.s32 $0x800, v40;
	_ =	sdelay $0x3  }
0x16e: {  	[tilespmem:$0x19C0] =	vst v0  }
0x16f: {  	v0 =	vld.idx.msk [tilespmem:v42+s7+$0x0], $0xffff  }
0x170: {  	v43 =	vadd.s32 $0xC00, v40;
	_ =	sdelay $0x2  }
0x171: {  	v44 =	vld [tilespmem:$0x1D0]  }
0x172: {  	[tilespmem:$0x1DC0] =	vst v0  }
0x173: {  	v0 =	vld.idx.msk [tilespmem:v43+s7+$0x0], $0xffff;
	_ =	sdelay $0x4  }
0x174: {  	[tilespmem:$0x21C0] =	vst v0  }
0x175: {  	v0 =	vld.idx.msk [tilespmem:v44+s7+$0x0], $0xffff  }
0x176: {  	v45 =	vadd.s32 $0x400, v44;
	_ =	sdelay $0x3  }
0x177: {  	[tilespmem:$0x15D0] =	vst v0  }
0x178: {  	v0 =	vld.idx.msk [tilespmem:v45+s7+$0x0], $0xffff  }
0x179: {  	v46 =	vadd.s32 $0x800, v44;
	_ =	sdelay $0x3  }
0x17a: {  	[tilespmem:$0x19D0] =	vst v0  }
0x17b: {  	v0 =	vld.idx.msk [tilespmem:v46+s7+$0x0], $0xffff  }
0x17c: {  	v47 =	vadd.s32 $0xC00, v44;
	_ =	sdelay $0x2  }
0x17d: {  	v48 =	vld [tilespmem:$0x1E0]  }
0x17e: {  	[tilespmem:$0x1DD0] =	vst v0  }
0x17f: {  	v0 =	vld.idx.msk [tilespmem:v47+s7+$0x0], $0xffff;
	_ =	sdelay $0x4  }
0x180: {  	[tilespmem:$0x21D0] =	vst v0  }
0x181: {  	v0 =	vld.idx.msk [tilespmem:v48+s7+$0x0], $0xffff  }
0x182: {  	v49 =	vadd.s32 $0x400, v48;
	_ =	sdelay $0x3  }
0x183: {  	[tilespmem:$0x15E0] =	vst v0  }
0x184: {  	v0 =	vld.idx.msk [tilespmem:v49+s7+$0x0], $0xffff  }
0x185: {  	v50 =	vadd.s32 $0x800, v48;
	_ =	sdelay $0x3  }
0x186: {  	[tilespmem:$0x19E0] =	vst v0  }
0x187: {  	v0 =	vld.idx.msk [tilespmem:v50+s7+$0x0], $0xffff  }
0x188: {  	v51 =	vadd.s32 $0xC00, v48;
	_ =	sdelay $0x2  }
0x189: {  	v52 =	vld [tilespmem:$0x1F0]  }
0x18a: {  	[tilespmem:$0x1DE0] =	vst v0  }
0x18b: {  	v0 =	vld.idx.msk [tilespmem:v51+s7+$0x0], $0xffff;
	_ =	sdelay $0x4  }
0x18c: {  	[tilespmem:$0x21E0] =	vst v0  }
0x18d: {  	v0 =	vld.idx.msk [tilespmem:v52+s7+$0x0], $0xffff  }
0x18e: {  	v53 =	vadd.s32 $0x400, v52;
	_ =	sdelay $0x3  }
0x18f: {  	[tilespmem:$0x15F0] =	vst v0  }
0x190: {  	v0 =	vld.idx.msk [tilespmem:v53+s7+$0x0], $0xffff  }
0x191: {  	v54 =	vadd.s32 $0x800, v52;
	_ =	sdelay $0x3  }
0x192: {  	[tilespmem:$0x19F0] =	vst v0  }
0x193: {  	v0 =	vld.idx.msk [tilespmem:v54+s7+$0x0], $0xffff  }
0x194: {  	v55 =	vadd.s32 $0xC00, v52;
	_ =	sdelay $0x2  }
0x195: {  	v56 =	vld [tilespmem:$0x200]  }
0x196: {  	[tilespmem:$0x1DF0] =	vst v0  }
0x197: {  	v0 =	vld.idx.msk [tilespmem:v55+s7+$0x0], $0xffff;
	_ =	sdelay $0x4  }
0x198: {  	[tilespmem:$0x21F0] =	vst v0  }
0x199: {  	v0 =	vld.idx.msk [tilespmem:v56+s7+$0x0], $0xffff  }
0x19a: {  	v57 =	vadd.s32 $0x400, v56;
	_ =	sdelay $0x3  }
0x19b: {  	[tilespmem:$0x1600] =	vst v0  }
0x19c: {  	v0 =	vld.idx.msk [tilespmem:v57+s7+$0x0], $0xffff  }
0x19d: {  	v58 =	vadd.s32 $0x800, v56;
	_ =	sdelay $0x3  }
0x19e: {  	[tilespmem:$0x1A00] =	vst v0  }
0x19f: {  	v0 =	vld.idx.msk [tilespmem:v58+s7+$0x0], $0xffff  }
0x1a0: {  	v59 =	vadd.s32 $0xC00, v56;
	_ =	sdelay $0x2  }
0x1a1: {  	v60 =	vld [tilespmem:$0x210]  }
0x1a2: {  	[tilespmem:$0x1E00] =	vst v0  }
0x1a3: {  	v0 =	vld.idx.msk [tilespmem:v59+s7+$0x0], $0xffff;
	_ =	sdelay $0x4  }
0x1a4: {  	[tilespmem:$0x2200] =	vst v0  }
0x1a5: {  	v0 =	vld.idx.msk [tilespmem:v60+s7+$0x0], $0xffff  }
0x1a6: {  	v61 =	vadd.s32 $0x400, v60;
	_ =	sdelay $0x3  }
0x1a7: {  	[tilespmem:$0x1610] =	vst v0  }
0x1a8: {  	v0 =	vld.idx.msk [tilespmem:v61+s7+$0x0], $0xffff  }
0x1a9: {  	v62 =	vadd.s32 $0x800, v60;
	_ =	sdelay $0x3  }
0x1aa: {  	[tilespmem:$0x1A10] =	vst v0  }
0x1ab: {  	v0 =	vld.idx.msk [tilespmem:v62+s7+$0x0], $0xffff  }
0x1ac: {  	v63 =	vadd.s32 $0xC00, v60;
	_ =	sdelay $0x2  }
0x1ad: {  	v4 =	vld [tilespmem:$0x220]  }
0x1ae: {  	[tilespmem:$0x1E10] =	vst v0  }
0x1af: {  	v0 =	vld.idx.msk [tilespmem:v63+s7+$0x0], $0xffff;
	_ =	sdelay $0x4  }
0x1b0: {  	[tilespmem:$0x2210] =	vst v0  }
0x1b1: {  	v0 =	vld.idx.msk [tilespmem:v4+s7+$0x0], $0xffff  }
0x1b2: {  	v5 =	vadd.s32 $0x400, v4;
	_ =	sdelay $0x3  }
0x1b3: {  	[tilespmem:$0x1620] =	vst v0  }
0x1b4: {  	v0 =	vld.idx.msk [tilespmem:v5+s7+$0x0], $0xffff  }
0x1b5: {  	v6 =	vadd.s32 $0x800, v4;
	_ =	sdelay $0x3  }
0x1b6: {  	[tilespmem:$0x1A20] =	vst v0  }
0x1b7: {  	v0 =	vld.idx.msk [tilespmem:v6+s7+$0x0], $0xffff  }
0x1b8: {  	v7 =	vadd.s32 $0xC00, v4;
	_ =	sdelay $0x2  }
0x1b9: {  	v8 =	vld [tilespmem:$0x230]  }
0x1ba: {  	[tilespmem:$0x1E20] =	vst v0  }
0x1bb: {  	v0 =	vld.idx.msk [tilespmem:v7+s7+$0x0], $0xffff;
	_ =	sdelay $0x4  }
0x1bc: {  	[tilespmem:$0x2220] =	vst v0  }
0x1bd: {  	v0 =	vld.idx.msk [tilespmem:v8+s7+$0x0], $0xffff  }
0x1be: {  	v9 =	vadd.s32 $0x400, v8;
	_ =	sdelay $0x3  }
0x1bf: {  	[tilespmem:$0x1630] =	vst v0  }
0x1c0: {  	v0 =	vld.idx.msk [tilespmem:v9+s7+$0x0], $0xffff  }
0x1c1: {  	v10 =	vadd.s32 $0x800, v8;
	_ =	sdelay $0x3  }
0x1c2: {  	[tilespmem:$0x1A30] =	vst v0  }
0x1c3: {  	v0 =	vld.idx.msk [tilespmem:v10+s7+$0x0], $0xffff  }
0x1c4: {  	v11 =	vadd.s32 $0xC00, v8;
	_ =	sdelay $0x2  }
0x1c5: {  	v12 =	vld [tilespmem:$0x240]  }
0x1c6: {  	[tilespmem:$0x1E30] =	vst v0  }
0x1c7: {  	v0 =	vld.idx.msk [tilespmem:v11+s7+$0x0], $0xffff;
	_ =	sdelay $0x4  }
0x1c8: {  	[tilespmem:$0x2230] =	vst v0  }
0x1c9: {  	v0 =	vld.idx.msk [tilespmem:v12+s7+$0x0], $0xffff  }
0x1ca: {  	v13 =	vadd.s32 $0x400, v12;
	_ =	sdelay $0x3  }
0x1cb: {  	[tilespmem:$0x1640] =	vst v0  }
0x1cc: {  	v0 =	vld.idx.msk [tilespmem:v13+s7+$0x0], $0xffff  }
0x1cd: {  	v14 =	vadd.s32 $0x800, v12;
	_ =	sdelay $0x3  }
0x1ce: {  	[tilespmem:$0x1A40] =	vst v0  }
0x1cf: {  	v0 =	vld.idx.msk [tilespmem:v14+s7+$0x0], $0xffff  }
0x1d0: {  	v15 =	vadd.s32 $0xC00, v12;
	_ =	sdelay $0x2  }
0x1d1: {  	v16 =	vld [tilespmem:$0x250]  }
0x1d2: {  	[tilespmem:$0x1E40] =	vst v0  }
0x1d3: {  	v0 =	vld.idx.msk [tilespmem:v15+s7+$0x0], $0xffff;
	_ =	sdelay $0x4  }
0x1d4: {  	[tilespmem:$0x2240] =	vst v0  }
0x1d5: {  	v0 =	vld.idx.msk [tilespmem:v16+s7+$0x0], $0xffff  }
0x1d6: {  	v17 =	vadd.s32 $0x400, v16;
	_ =	sdelay $0x3  }
0x1d7: {  	[tilespmem:$0x1650] =	vst v0  }
0x1d8: {  	v0 =	vld.idx.msk [tilespmem:v17+s7+$0x0], $0xffff  }
0x1d9: {  	v18 =	vadd.s32 $0x800, v16;
	_ =	sdelay $0x3  }
0x1da: {  	[tilespmem:$0x1A50] =	vst v0  }
0x1db: {  	v0 =	vld.idx.msk [tilespmem:v18+s7+$0x0], $0xffff  }
0x1dc: {  	v19 =	vadd.s32 $0xC00, v16;
	_ =	sdelay $0x2  }
0x1dd: {  	v20 =	vld [tilespmem:$0x260]  }
0x1de: {  	[tilespmem:$0x1E50] =	vst v0  }
0x1df: {  	v0 =	vld.idx.msk [tilespmem:v19+s7+$0x0], $0xffff;
	_ =	sdelay $0x4  }
0x1e0: {  	[tilespmem:$0x2250] =	vst v0  }
0x1e1: {  	v0 =	vld.idx.msk [tilespmem:v20+s7+$0x0], $0xffff  }
0x1e2: {  	v21 =	vadd.s32 $0x400, v20;
	_ =	sdelay $0x3  }
0x1e3: {  	[tilespmem:$0x1660] =	vst v0  }
0x1e4: {  	v0 =	vld.idx.msk [tilespmem:v21+s7+$0x0], $0xffff  }
0x1e5: {  	v22 =	vadd.s32 $0x800, v20;
	_ =	sdelay $0x3  }
0x1e6: {  	[tilespmem:$0x1A60] =	vst v0  }
0x1e7: {  	v0 =	vld.idx.msk [tilespmem:v22+s7+$0x0], $0xffff  }
0x1e8: {  	v23 =	vadd.s32 $0xC00, v20;
	_ =	sdelay $0x2  }
0x1e9: {  	v24 =	vld [tilespmem:$0x270]  }
0x1ea: {  	[tilespmem:$0x1E60] =	vst v0  }
0x1eb: {  	v0 =	vld.idx.msk [tilespmem:v23+s7+$0x0], $0xffff;
	_ =	sdelay $0x4  }
0x1ec: {  	[tilespmem:$0x2260] =	vst v0  }
0x1ed: {  	v0 =	vld.idx.msk [tilespmem:v24+s7+$0x0], $0xffff  }
0x1ee: {  	v25 =	vadd.s32 $0x400, v24;
	_ =	sdelay $0x3  }
0x1ef: {  	[tilespmem:$0x1670] =	vst v0  }
0x1f0: {  	v0 =	vld.idx.msk [tilespmem:v25+s7+$0x0], $0xffff  }
0x1f1: {  	v26 =	vadd.s32 $0x800, v24;
	_ =	sdelay $0x3  }
0x1f2: {  	[tilespmem:$0x1A70] =	vst v0  }
0x1f3: {  	v0 =	vld.idx.msk [tilespmem:v26+s7+$0x0], $0xffff  }
0x1f4: {  	v27 =	vadd.s32 $0xC00, v24;
	_ =	sdelay $0x2  }
0x1f5: {  	v28 =	vld [tilespmem:$0x280]  }
0x1f6: {  	[tilespmem:$0x1E70] =	vst v0  }
0x1f7: {  	v0 =	vld.idx.msk [tilespmem:v27+s7+$0x0], $0xffff;
	_ =	sdelay $0x4  }
0x1f8: {  	[tilespmem:$0x2270] =	vst v0  }
0x1f9: {  	v0 =	vld.idx.msk [tilespmem:v28+s7+$0x0], $0xffff  }
0x1fa: {  	v29 =	vadd.s32 $0x400, v28;
	_ =	sdelay $0x3  }
0x1fb: {  	[tilespmem:$0x1680] =	vst v0  }
0x1fc: {  	v0 =	vld.idx.msk [tilespmem:v29+s7+$0x0], $0xffff  }
0x1fd: {  	v30 =	vadd.s32 $0x800, v28;
	_ =	sdelay $0x3  }
0x1fe: {  	[tilespmem:$0x1A80] =	vst v0  }
0x1ff: {  	v0 =	vld.idx.msk [tilespmem:v30+s7+$0x0], $0xffff  }
0x200: {  	v31 =	vadd.s32 $0xC00, v28;
	_ =	sdelay $0x2  }
0x201: {  	v32 =	vld [tilespmem:$0x290]  }
0x202: {  	[tilespmem:$0x1E80] =	vst v0  }
0x203: {  	v0 =	vld.idx.msk [tilespmem:v31+s7+$0x0], $0xffff;
	_ =	sdelay $0x4  }
0x204: {  	[tilespmem:$0x2280] =	vst v0  }
0x205: {  	v0 =	vld.idx.msk [tilespmem:v32+s7+$0x0], $0xffff  }
0x206: {  	v33 =	vadd.s32 $0x400, v32;
	_ =	sdelay $0x3  }
0x207: {  	[tilespmem:$0x1690] =	vst v0  }
0x208: {  	v0 =	vld.idx.msk [tilespmem:v33+s7+$0x0], $0xffff  }
0x209: {  	v34 =	vadd.s32 $0x800, v32;
	_ =	sdelay $0x3  }
0x20a: {  	[tilespmem:$0x1A90] =	vst v0  }
0x20b: {  	v0 =	vld.idx.msk [tilespmem:v34+s7+$0x0], $0xffff  }
0x20c: {  	v35 =	vadd.s32 $0xC00, v32;
	_ =	sdelay $0x2  }
0x20d: {  	v36 =	vld [tilespmem:$0x2A0]  }
0x20e: {  	[tilespmem:$0x1E90] =	vst v0  }
0x20f: {  	v0 =	vld.idx.msk [tilespmem:v35+s7+$0x0], $0xffff;
	_ =	sdelay $0x4  }
0x210: {  	[tilespmem:$0x2290] =	vst v0  }
0x211: {  	v0 =	vld.idx.msk [tilespmem:v36+s7+$0x0], $0xffff  }
0x212: {  	v37 =	vadd.s32 $0x400, v36;
	_ =	sdelay $0x3  }
0x213: {  	[tilespmem:$0x16A0] =	vst v0  }
0x214: {  	v0 =	vld.idx.msk [tilespmem:v37+s7+$0x0], $0xffff  }
0x215: {  	v38 =	vadd.s32 $0x800, v36;
	_ =	sdelay $0x3  }
0x216: {  	[tilespmem:$0x1AA0] =	vst v0  }
0x217: {  	v0 =	vld.idx.msk [tilespmem:v38+s7+$0x0], $0xffff  }
0x218: {  	v39 =	vadd.s32 $0xC00, v36;
	_ =	sdelay $0x2  }
0x219: {  	v40 =	vld [tilespmem:$0x2B0]  }
0x21a: {  	[tilespmem:$0x1EA0] =	vst v0  }
0x21b: {  	v0 =	vld.idx.msk [tilespmem:v39+s7+$0x0], $0xffff;
	_ =	sdelay $0x4  }
0x21c: {  	[tilespmem:$0x22A0] =	vst v0  }
0x21d: {  	v0 =	vld.idx.msk [tilespmem:v40+s7+$0x0], $0xffff  }
0x21e: {  	v41 =	vadd.s32 $0x400, v40;
	_ =	sdelay $0x3  }
0x21f: {  	[tilespmem:$0x16B0] =	vst v0  }
0x220: {  	v0 =	vld.idx.msk [tilespmem:v41+s7+$0x0], $0xffff  }
0x221: {  	v42 =	vadd.s32 $0x800, v40;
	_ =	sdelay $0x3  }
0x222: {  	[tilespmem:$0x1AB0] =	vst v0  }
0x223: {  	v0 =	vld.idx.msk [tilespmem:v42+s7+$0x0], $0xffff  }
0x224: {  	v43 =	vadd.s32 $0xC00, v40;
	_ =	sdelay $0x2  }
0x225: {  	v44 =	vld [tilespmem:$0x2C0]  }
0x226: {  	[tilespmem:$0x1EB0] =	vst v0  }
0x227: {  	v0 =	vld.idx.msk [tilespmem:v43+s7+$0x0], $0xffff;
	_ =	sdelay $0x4  }
0x228: {  	[tilespmem:$0x22B0] =	vst v0  }
0x229: {  	v0 =	vld.idx.msk [tilespmem:v44+s7+$0x0], $0xffff  }
0x22a: {  	v45 =	vadd.s32 $0x400, v44;
	_ =	sdelay $0x3  }
0x22b: {  	[tilespmem:$0x16C0] =	vst v0  }
0x22c: {  	v0 =	vld.idx.msk [tilespmem:v45+s7+$0x0], $0xffff  }
0x22d: {  	v46 =	vadd.s32 $0x800, v44;
	_ =	sdelay $0x3  }
0x22e: {  	[tilespmem:$0x1AC0] =	vst v0  }
0x22f: {  	v0 =	vld.idx.msk [tilespmem:v46+s7+$0x0], $0xffff  }
0x230: {  	v47 =	vadd.s32 $0xC00, v44;
	_ =	sdelay $0x2  }
0x231: {  	v48 =	vld [tilespmem:$0x2D0]  }
0x232: {  	[tilespmem:$0x1EC0] =	vst v0  }
0x233: {  	v0 =	vld.idx.msk [tilespmem:v47+s7+$0x0], $0xffff;
	_ =	sdelay $0x4  }
0x234: {  	[tilespmem:$0x22C0] =	vst v0  }
0x235: {  	v0 =	vld.idx.msk [tilespmem:v48+s7+$0x0], $0xffff  }
0x236: {  	v49 =	vadd.s32 $0x400, v48;
	_ =	sdelay $0x3  }
0x237: {  	[tilespmem:$0x16D0] =	vst v0  }
0x238: {  	v0 =	vld.idx.msk [tilespmem:v49+s7+$0x0], $0xffff  }
0x239: {  	v50 =	vadd.s32 $0x800, v48;
	_ =	sdelay $0x3  }
0x23a: {  	[tilespmem:$0x1AD0] =	vst v0  }
0x23b: {  	v0 =	vld.idx.msk [tilespmem:v50+s7+$0x0], $0xffff  }
0x23c: {  	v51 =	vadd.s32 $0xC00, v48;
	_ =	sdelay $0x2  }
0x23d: {  	v52 =	vld [tilespmem:$0x2E0]  }
0x23e: {  	[tilespmem:$0x1ED0] =	vst v0  }
0x23f: {  	v0 =	vld.idx.msk [tilespmem:v51+s7+$0x0], $0xffff;
	_ =	sdelay $0x4  }
0x240: {  	[tilespmem:$0x22D0] =	vst v0  }
0x241: {  	v0 =	vld.idx.msk [tilespmem:v52+s7+$0x0], $0xffff  }
0x242: {  	v53 =	vadd.s32 $0x400, v52;
	_ =	sdelay $0x3  }
0x243: {  	[tilespmem:$0x16E0] =	vst v0  }
0x244: {  	v0 =	vld.idx.msk [tilespmem:v53+s7+$0x0], $0xffff  }
0x245: {  	v54 =	vadd.s32 $0x800, v52;
	_ =	sdelay $0x3  }
0x246: {  	[tilespmem:$0x1AE0] =	vst v0  }
0x247: {  	v0 =	vld.idx.msk [tilespmem:v54+s7+$0x0], $0xffff  }
0x248: {  	v55 =	vadd.s32 $0xC00, v52;
	_ =	sdelay $0x2  }
0x249: {  	v56 =	vld [tilespmem:$0x2F0]  }
0x24a: {  	[tilespmem:$0x1EE0] =	vst v0  }
0x24b: {  	v0 =	vld.idx.msk [tilespmem:v55+s7+$0x0], $0xffff;
	_ =	sdelay $0x4  }
0x24c: {  	[tilespmem:$0x22E0] =	vst v0  }
0x24d: {  	v0 =	vld.idx.msk [tilespmem:v56+s7+$0x0], $0xffff  }
0x24e: {  	v57 =	vadd.s32 $0x400, v56;
	_ =	sdelay $0x3  }
0x24f: {  	[tilespmem:$0x16F0] =	vst v0  }
0x250: {  	v0 =	vld.idx.msk [tilespmem:v57+s7+$0x0], $0xffff  }
0x251: {  	v58 =	vadd.s32 $0x800, v56;
	_ =	sdelay $0x3  }
0x252: {  	[tilespmem:$0x1AF0] =	vst v0  }
0x253: {  	v0 =	vld.idx.msk [tilespmem:v58+s7+$0x0], $0xffff  }
0x254: {  	v59 =	vadd.s32 $0xC00, v56;
	_ =	sdelay $0x2  }
0x255: {  	v60 =	vld [tilespmem:$0x300]  }
0x256: {  	[tilespmem:$0x1EF0] =	vst v0  }
0x257: {  	v0 =	vld.idx.msk [tilespmem:v59+s7+$0x0], $0xffff;
	_ =	sdelay $0x4  }
0x258: {  	[tilespmem:$0x22F0] =	vst v0  }
0x259: {  	v0 =	vld.idx.msk [tilespmem:v60+s7+$0x0], $0xffff  }
0x25a: {  	v61 =	vadd.s32 $0x400, v60;
	_ =	sdelay $0x3  }
0x25b: {  	[tilespmem:$0x1700] =	vst v0  }
0x25c: {  	v0 =	vld.idx.msk [tilespmem:v61+s7+$0x0], $0xffff  }
0x25d: {  	v62 =	vadd.s32 $0x800, v60;
	_ =	sdelay $0x3  }
0x25e: {  	[tilespmem:$0x1B00] =	vst v0  }
0x25f: {  	v0 =	vld.idx.msk [tilespmem:v62+s7+$0x0], $0xffff  }
0x260: {  	v63 =	vadd.s32 $0xC00, v60;
	_ =	sdelay $0x2  }
0x261: {  	v4 =	vld [tilespmem:$0x310]  }
0x262: {  	[tilespmem:$0x1F00] =	vst v0  }
0x263: {  	v0 =	vld.idx.msk [tilespmem:v63+s7+$0x0], $0xffff;
	_ =	sdelay $0x4  }
0x264: {  	[tilespmem:$0x2300] =	vst v0  }
0x265: {  	v0 =	vld.idx.msk [tilespmem:v4+s7+$0x0], $0xffff  }
0x266: {  	v5 =	vadd.s32 $0x400, v4;
	_ =	sdelay $0x3  }
0x267: {  	[tilespmem:$0x1710] =	vst v0  }
0x268: {  	v0 =	vld.idx.msk [tilespmem:v5+s7+$0x0], $0xffff  }
0x269: {  	v6 =	vadd.s32 $0x800, v4;
	_ =	sdelay $0x3  }
0x26a: {  	[tilespmem:$0x1B10] =	vst v0  }
0x26b: {  	v0 =	vld.idx.msk [tilespmem:v6+s7+$0x0], $0xffff  }
0x26c: {  	v7 =	vadd.s32 $0xC00, v4;
	_ =	sdelay $0x2  }
0x26d: {  	v8 =	vld [tilespmem:$0x320]  }
0x26e: {  	[tilespmem:$0x1F10] =	vst v0  }
0x26f: {  	v0 =	vld.idx.msk [tilespmem:v7+s7+$0x0], $0xffff;
	_ =	sdelay $0x4  }
0x270: {  	[tilespmem:$0x2310] =	vst v0  }
0x271: {  	v0 =	vld.idx.msk [tilespmem:v8+s7+$0x0], $0xffff  }
0x272: {  	v9 =	vadd.s32 $0x400, v8;
	_ =	sdelay $0x3  }
0x273: {  	[tilespmem:$0x1720] =	vst v0  }
0x274: {  	v0 =	vld.idx.msk [tilespmem:v9+s7+$0x0], $0xffff  }
0x275: {  	v10 =	vadd.s32 $0x800, v8;
	_ =	sdelay $0x3  }
0x276: {  	[tilespmem:$0x1B20] =	vst v0  }
0x277: {  	v0 =	vld.idx.msk [tilespmem:v10+s7+$0x0], $0xffff  }
0x278: {  	v11 =	vadd.s32 $0xC00, v8;
	_ =	sdelay $0x2  }
0x279: {  	v12 =	vld [tilespmem:$0x330]  }
0x27a: {  	[tilespmem:$0x1F20] =	vst v0  }
0x27b: {  	v0 =	vld.idx.msk [tilespmem:v11+s7+$0x0], $0xffff;
	_ =	sdelay $0x4  }
0x27c: {  	[tilespmem:$0x2320] =	vst v0  }
0x27d: {  	v0 =	vld.idx.msk [tilespmem:v12+s7+$0x0], $0xffff  }
0x27e: {  	v13 =	vadd.s32 $0x400, v12;
	_ =	sdelay $0x3  }
0x27f: {  	[tilespmem:$0x1730] =	vst v0  }
0x280: {  	v0 =	vld.idx.msk [tilespmem:v13+s7+$0x0], $0xffff  }
0x281: {  	v14 =	vadd.s32 $0x800, v12;
	_ =	sdelay $0x3  }
0x282: {  	[tilespmem:$0x1B30] =	vst v0  }
0x283: {  	v0 =	vld.idx.msk [tilespmem:v14+s7+$0x0], $0xffff  }
0x284: {  	v15 =	vadd.s32 $0xC00, v12;
	_ =	sdelay $0x2  }
0x285: {  	v16 =	vld [tilespmem:$0x340]  }
0x286: {  	[tilespmem:$0x1F30] =	vst v0  }
0x287: {  	v0 =	vld.idx.msk [tilespmem:v15+s7+$0x0], $0xffff;
	_ =	sdelay $0x4  }
0x288: {  	[tilespmem:$0x2330] =	vst v0  }
0x289: {  	v0 =	vld.idx.msk [tilespmem:v16+s7+$0x0], $0xffff  }
0x28a: {  	v17 =	vadd.s32 $0x400, v16;
	_ =	sdelay $0x3  }
0x28b: {  	[tilespmem:$0x1740] =	vst v0  }
0x28c: {  	v0 =	vld.idx.msk [tilespmem:v17+s7+$0x0], $0xffff  }
0x28d: {  	v18 =	vadd.s32 $0x800, v16;
	_ =	sdelay $0x3  }
0x28e: {  	[tilespmem:$0x1B40] =	vst v0  }
0x28f: {  	v0 =	vld.idx.msk [tilespmem:v18+s7+$0x0], $0xffff  }
0x290: {  	v19 =	vadd.s32 $0xC00, v16;
	_ =	sdelay $0x2  }
0x291: {  	v20 =	vld [tilespmem:$0x350]  }
0x292: {  	[tilespmem:$0x1F40] =	vst v0  }
0x293: {  	v0 =	vld.idx.msk [tilespmem:v19+s7+$0x0], $0xffff;
	_ =	sdelay $0x4  }
0x294: {  	[tilespmem:$0x2340] =	vst v0  }
0x295: {  	v0 =	vld.idx.msk [tilespmem:v20+s7+$0x0], $0xffff  }
0x296: {  	v21 =	vadd.s32 $0x400, v20;
	_ =	sdelay $0x3  }
0x297: {  	[tilespmem:$0x1750] =	vst v0  }
0x298: {  	v0 =	vld.idx.msk [tilespmem:v21+s7+$0x0], $0xffff  }
0x299: {  	v22 =	vadd.s32 $0x800, v20;
	_ =	sdelay $0x3  }
0x29a: {  	[tilespmem:$0x1B50] =	vst v0  }
0x29b: {  	v0 =	vld.idx.msk [tilespmem:v22+s7+$0x0], $0xffff  }
0x29c: {  	v23 =	vadd.s32 $0xC00, v20;
	_ =	sdelay $0x2  }
0x29d: {  	v24 =	vld [tilespmem:$0x360]  }
0x29e: {  	[tilespmem:$0x1F50] =	vst v0  }
0x29f: {  	v0 =	vld.idx.msk [tilespmem:v23+s7+$0x0], $0xffff;
	_ =	sdelay $0x4  }
0x2a0: {  	[tilespmem:$0x2350] =	vst v0  }
0x2a1: {  	v0 =	vld.idx.msk [tilespmem:v24+s7+$0x0], $0xffff  }
0x2a2: {  	v25 =	vadd.s32 $0x400, v24;
	_ =	sdelay $0x3  }
0x2a3: {  	[tilespmem:$0x1760] =	vst v0  }
0x2a4: {  	v0 =	vld.idx.msk [tilespmem:v25+s7+$0x0], $0xffff  }
0x2a5: {  	v26 =	vadd.s32 $0x800, v24;
	_ =	sdelay $0x3  }
0x2a6: {  	[tilespmem:$0x1B60] =	vst v0  }
0x2a7: {  	v0 =	vld.idx.msk [tilespmem:v26+s7+$0x0], $0xffff  }
0x2a8: {  	v27 =	vadd.s32 $0xC00, v24;
	_ =	sdelay $0x2  }
0x2a9: {  	v28 =	vld [tilespmem:$0x370]  }
0x2aa: {  	[tilespmem:$0x1F60] =	vst v0  }
0x2ab: {  	v0 =	vld.idx.msk [tilespmem:v27+s7+$0x0], $0xffff;
	_ =	sdelay $0x4  }
0x2ac: {  	[tilespmem:$0x2360] =	vst v0  }
0x2ad: {  	v0 =	vld.idx.msk [tilespmem:v28+s7+$0x0], $0xffff  }
0x2ae: {  	v29 =	vadd.s32 $0x400, v28;
	_ =	sdelay $0x3  }
0x2af: {  	[tilespmem:$0x1770] =	vst v0  }
0x2b0: {  	v0 =	vld.idx.msk [tilespmem:v29+s7+$0x0], $0xffff  }
0x2b1: {  	v30 =	vadd.s32 $0x800, v28;
	_ =	sdelay $0x3  }
0x2b2: {  	[tilespmem:$0x1B70] =	vst v0  }
0x2b3: {  	v0 =	vld.idx.msk [tilespmem:v30+s7+$0x0], $0xffff  }
0x2b4: {  	v31 =	vadd.s32 $0xC00, v28;
	_ =	sdelay $0x2  }
0x2b5: {  	v32 =	vld [tilespmem:$0x380]  }
0x2b6: {  	[tilespmem:$0x1F70] =	vst v0  }
0x2b7: {  	v0 =	vld.idx.msk [tilespmem:v31+s7+$0x0], $0xffff;
	_ =	sdelay $0x4  }
0x2b8: {  	[tilespmem:$0x2370] =	vst v0  }
0x2b9: {  	v0 =	vld.idx.msk [tilespmem:v32+s7+$0x0], $0xffff  }
0x2ba: {  	v33 =	vadd.s32 $0x400, v32;
	_ =	sdelay $0x3  }
0x2bb: {  	[tilespmem:$0x1780] =	vst v0  }
0x2bc: {  	v0 =	vld.idx.msk [tilespmem:v33+s7+$0x0], $0xffff  }
0x2bd: {  	v34 =	vadd.s32 $0x800, v32;
	_ =	sdelay $0x3  }
0x2be: {  	[tilespmem:$0x1B80] =	vst v0  }
0x2bf: {  	v0 =	vld.idx.msk [tilespmem:v34+s7+$0x0], $0xffff  }
0x2c0: {  	v35 =	vadd.s32 $0xC00, v32;
	_ =	sdelay $0x2  }
0x2c1: {  	v36 =	vld [tilespmem:$0x390]  }
0x2c2: {  	[tilespmem:$0x1F80] =	vst v0  }
0x2c3: {  	v0 =	vld.idx.msk [tilespmem:v35+s7+$0x0], $0xffff;
	_ =	sdelay $0x4  }
0x2c4: {  	[tilespmem:$0x2380] =	vst v0  }
0x2c5: {  	v0 =	vld.idx.msk [tilespmem:v36+s7+$0x0], $0xffff  }
0x2c6: {  	v37 =	vadd.s32 $0x400, v36;
	_ =	sdelay $0x3  }
0x2c7: {  	[tilespmem:$0x1790] =	vst v0  }
0x2c8: {  	v0 =	vld.idx.msk [tilespmem:v37+s7+$0x0], $0xffff  }
0x2c9: {  	v38 =	vadd.s32 $0x800, v36;
	_ =	sdelay $0x3  }
0x2ca: {  	[tilespmem:$0x1B90] =	vst v0  }
0x2cb: {  	v0 =	vld.idx.msk [tilespmem:v38+s7+$0x0], $0xffff  }
0x2cc: {  	v39 =	vadd.s32 $0xC00, v36;
	_ =	sdelay $0x2  }
0x2cd: {  	v40 =	vld [tilespmem:$0x3A0]  }
0x2ce: {  	[tilespmem:$0x1F90] =	vst v0  }
0x2cf: {  	v0 =	vld.idx.msk [tilespmem:v39+s7+$0x0], $0xffff;
	_ =	sdelay $0x4  }
0x2d0: {  	[tilespmem:$0x2390] =	vst v0  }
0x2d1: {  	v0 =	vld.idx.msk [tilespmem:v40+s7+$0x0], $0xffff  }
0x2d2: {  	v41 =	vadd.s32 $0x400, v40;
	_ =	sdelay $0x3  }
0x2d3: {  	[tilespmem:$0x17A0] =	vst v0  }
0x2d4: {  	v0 =	vld.idx.msk [tilespmem:v41+s7+$0x0], $0xffff  }
0x2d5: {  	v42 =	vadd.s32 $0x800, v40;
	_ =	sdelay $0x3  }
0x2d6: {  	[tilespmem:$0x1BA0] =	vst v0  }
0x2d7: {  	v0 =	vld.idx.msk [tilespmem:v42+s7+$0x0], $0xffff  }
0x2d8: {  	v43 =	vadd.s32 $0xC00, v40;
	_ =	sdelay $0x2  }
0x2d9: {  	v44 =	vld [tilespmem:$0x3B0]  }
0x2da: {  	[tilespmem:$0x1FA0] =	vst v0  }
0x2db: {  	v0 =	vld.idx.msk [tilespmem:v43+s7+$0x0], $0xffff;
	_ =	sdelay $0x4  }
0x2dc: {  	[tilespmem:$0x23A0] =	vst v0  }
0x2dd: {  	v0 =	vld.idx.msk [tilespmem:v44+s7+$0x0], $0xffff  }
0x2de: {  	v45 =	vadd.s32 $0x400, v44;
	_ =	sdelay $0x3  }
0x2df: {  	[tilespmem:$0x17B0] =	vst v0  }
0x2e0: {  	v0 =	vld.idx.msk [tilespmem:v45+s7+$0x0], $0xffff  }
0x2e1: {  	v46 =	vadd.s32 $0x800, v44;
	_ =	sdelay $0x3  }
0x2e2: {  	[tilespmem:$0x1BB0] =	vst v0  }
0x2e3: {  	v0 =	vld.idx.msk [tilespmem:v46+s7+$0x0], $0xffff  }
0x2e4: {  	v47 =	vadd.s32 $0xC00, v44;
	_ =	sdelay $0x2  }
0x2e5: {  	v48 =	vld [tilespmem:$0x3C0]  }
0x2e6: {  	[tilespmem:$0x1FB0] =	vst v0  }
0x2e7: {  	v0 =	vld.idx.msk [tilespmem:v47+s7+$0x0], $0xffff;
	_ =	sdelay $0x4  }
0x2e8: {  	[tilespmem:$0x23B0] =	vst v0  }
0x2e9: {  	v0 =	vld.idx.msk [tilespmem:v48+s7+$0x0], $0xffff  }
0x2ea: {  	v49 =	vadd.s32 $0x400, v48;
	_ =	sdelay $0x3  }
0x2eb: {  	[tilespmem:$0x17C0] =	vst v0  }
0x2ec: {  	v0 =	vld.idx.msk [tilespmem:v49+s7+$0x0], $0xffff  }
0x2ed: {  	v50 =	vadd.s32 $0x800, v48;
	_ =	sdelay $0x3  }
0x2ee: {  	[tilespmem:$0x1BC0] =	vst v0  }
0x2ef: {  	v0 =	vld.idx.msk [tilespmem:v50+s7+$0x0], $0xffff  }
0x2f0: {  	v51 =	vadd.s32 $0xC00, v48;
	_ =	sdelay $0x2  }
0x2f1: {  	v52 =	vld [tilespmem:$0x3D0]  }
0x2f2: {  	[tilespmem:$0x1FC0] =	vst v0  }
0x2f3: {  	v0 =	vld.idx.msk [tilespmem:v51+s7+$0x0], $0xffff;
	_ =	sdelay $0x4  }
0x2f4: {  	[tilespmem:$0x23C0] =	vst v0  }
0x2f5: {  	v0 =	vld.idx.msk [tilespmem:v52+s7+$0x0], $0xffff  }
0x2f6: {  	v53 =	vadd.s32 $0x400, v52;
	_ =	sdelay $0x3  }
0x2f7: {  	[tilespmem:$0x17D0] =	vst v0  }
0x2f8: {  	v0 =	vld.idx.msk [tilespmem:v53+s7+$0x0], $0xffff  }
0x2f9: {  	v54 =	vadd.s32 $0x800, v52;
	_ =	sdelay $0x3  }
0x2fa: {  	[tilespmem:$0x1BD0] =	vst v0  }
0x2fb: {  	v0 =	vld.idx.msk [tilespmem:v54+s7+$0x0], $0xffff  }
0x2fc: {  	v55 =	vadd.s32 $0xC00, v52;
	_ =	sdelay $0x2  }
0x2fd: {  	v56 =	vld [tilespmem:$0x3E0]  }
0x2fe: {  	[tilespmem:$0x1FD0] =	vst v0  }
0x2ff: {  	v0 =	vld.idx.msk [tilespmem:v55+s7+$0x0], $0xffff;
	_ =	sdelay $0x4  }
0x300: {  	[tilespmem:$0x23D0] =	vst v0  }
0x301: {  	v0 =	vld.idx.msk [tilespmem:v56+s7+$0x0], $0xffff  }
0x302: {  	v57 =	vadd.s32 $0x400, v56;
	_ =	sdelay $0x3  }
0x303: {  	[tilespmem:$0x17E0] =	vst v0  }
0x304: {  	v0 =	vld.idx.msk [tilespmem:v57+s7+$0x0], $0xffff  }
0x305: {  	v58 =	vadd.s32 $0x800, v56;
	_ =	sdelay $0x3  }
0x306: {  	[tilespmem:$0x1BE0] =	vst v0  }
0x307: {  	v0 =	vld.idx.msk [tilespmem:v58+s7+$0x0], $0xffff  }
0x308: {  	v59 =	vadd.s32 $0xC00, v56;
	_ =	sdelay $0x2  }
0x309: {  	v60 =	vld [tilespmem:$0x3F0]  }
0x30a: {  	[tilespmem:$0x1FE0] =	vst v0  }
0x30b: {  	v0 =	vld.idx.msk [tilespmem:v59+s7+$0x0], $0xffff;
	_ =	sdelay $0x4  }
0x30c: {  	[tilespmem:$0x23E0] =	vst v0  }
0x30d: {  	v0 =	vld.idx.msk [tilespmem:v60+s7+$0x0], $0xffff  }
0x30e: {  	v61 =	vadd.s32 $0x400, v60;
	_ =	sdelay $0x3  }
0x30f: {  	[tilespmem:$0x17F0] =	vst v0  }
0x310: {  	v0 =	vld.idx.msk [tilespmem:v61+s7+$0x0], $0xffff  }
0x311: {  	v62 =	vadd.s32 $0x800, v60;
	_ =	sdelay $0x3  }
0x312: {  	[tilespmem:$0x1BF0] =	vst v0  }
0x313: {  	v0 =	vld.idx.msk [tilespmem:v62+s7+$0x0], $0xffff  }
0x314: {  	v63 =	vadd.s32 $0xC00, v60;
	_ =	sdelay $0x3  }
0x315: {  	[tilespmem:$0x1FF0] =	vst v0  }
0x316: {  	v0 =	vld.idx.msk [tilespmem:v63+s7+$0x0], $0xffff;
	_ =	sdelay $0x3  }
0x317: {  	p0 =	sne.s32 s6, $0x1  }
.Ltmp0:
0x318: {  	[tilespmem:$0x23F0] =	vst v0;
	(pc) =	sbr.rel @p0 .LBB2_1-.Ltmp0, $4  }
0x319: {  	[hbm4b:s5+s2] =	stream.linear.scatter [tilespmem:s9], [sflag:$0x2], $0x1000, $0x38;
	[tilespmem:$0x2400] =	vst v63  }
0x31a: {  	_ =	swait.ge [sflag:s10], $0x1000  }
0x31b: {  	[sflag:s10] =	ssyncset.done $0x0  }
0x31c: {  	s6 =	sadd.s32 $0xFFFFFFFF, s6;
	[sflag:s10] =	ssyncadd.s32 $0xFFFFF000  }
0x31d: {  	_ =	sfence.sel $0x180000  }
0x31e: {  	[bflag:$0x0] =	sbarrier.arrive $0xFFFF  }
0x31f: {  	p0 =	sne.s32 s1, $0x0;
	_ =	strace $0x90000047  }
0x320: {  	s0 =	sadd.s32 @!p0 $0x100000, s0;
	[bflag:$0x2] =	sbarrier.arrive $0xFFFF  }
0x321: {  	[sflag:s0] =	ssyncadd.tile.s32 @!p0 $0x1;
	_ =	shalt  }
.Lfunc_end2:
_tile_overlayer_lowered:
.L_overlay_start_2:
0x322: {  	(tag) =	ssettag $0x2  }
0x323: {  	s0 =	rddreg [dreg:$0x0];
	s2 =	stileid.u32  }
0x324: {  	s1 =	rddreg [dreg:$0x1];
	p0 =	sne.s32 s2, $0x0  }
0x325: {  	s3 =	rddreg [dreg:$0x2];
	[bflag:$0x3] =	sbarrier.arrive $0xFFFF;
	s2 =	simm.s32 @!p0 $0x1C02  }
0x326: {  	[timem:s3], [sflag:s2] =	dma.local @!p0 [hbm:s0], s1  }
0x327: {  	s0 =	simm.s32 @!p0 $0x2  }
0x328: {  	_ =	swait.ge @!p0 [sflag:s0], s1  }
0x329: {  	s1 =	ssub.s32 @!p0 $0x0, s1;
	[sflag:s0] =	ssyncset.done @!p0 $0x0  }
0x32a: {  	[sflag:s0] =	ssyncadd.s32 @!p0 s1  }
0x32b: {  	[bflag:$0x3] =	sbarrier.arrive $0xFFFF  }
0x32c: {  	_ =	shalt  }

</sc_bundles>
